<compile_context>
chip_gen: v7x
topology: tpu7x:2x2x1
jax: 0.10.2.dev20260603
libtpu: 0.0.44.dev20260713+nightly
codegen_flags: <defaults>
</compile_context>

<pallas_src>
import functools

import jax
import jax.numpy as jnp
from jax import lax
from jax.experimental import pallas as pl
from jax.experimental.pallas import tpu as pltpu
from jax.experimental.pallas import tpu_sc as plsc

NC = 2
NS = 16
LANES = 16
NW = NC * NS
CHUNK = 4000
UNROLL = 5


@functools.lru_cache(maxsize=None)
def _make_segsum(n_feat, n_nodes, n_edges):
  rows_per_w = n_feat // NW
  pairs = rows_per_w // 2
  stride = 1
  while stride < n_nodes:
    stride *= 2
  shift = stride.bit_length() - 1
  mesh = plsc.VectorSubcoreMesh(core_axis_name="c", subcore_axis_name="s")

  @functools.partial(
      pl.kernel,
      mesh=mesh,
      compiler_params=pltpu.CompilerParams(
          use_tc_tiling_on_sc=False, needs_layout_passes=False),
      out_type=jax.ShapeDtypeStruct((n_feat * n_nodes,), jnp.float32),
      scratch_types=[
          pltpu.VMEM((pairs * stride,), jnp.int32),
          pltpu.VMEM((rows_per_w * stride,), jnp.float32),
          pltpu.VMEM((2, CHUNK), jnp.int32),
          pltpu.SemaphoreType.DMA,
          pltpu.SemaphoreType.DMA,
          pltpu.SemaphoreType.DMA,
      ],
  )
  def segsum(xpk_hbm, edges_hbm, out_hbm, xr, acc, ebuf, sem0, sem1, xsem):
    wid = lax.axis_index("s") * NC + lax.axis_index("c")
    base = wid * rows_per_w * n_nodes
    nchunks = n_edges // CHUNK
    groups = CHUNK // LANES
    sems = (sem0, sem1)

    xcopies = [
        pltpu.make_async_copy(
            xpk_hbm.at[pl.ds((wid * pairs + p) * n_nodes, n_nodes)],
            xr.at[pl.ds(p * stride, n_nodes)], xsem)
        for p in range(pairs)
    ]
    for c in xcopies:
      c.start()

    def start_chunk(b, g):
      pltpu.make_async_copy(
          edges_hbm.at[pl.ds(g * CHUNK, CHUNK)], ebuf.at[b], sems[b]).start()

    def wait_chunk(b):
      pltpu.make_async_copy(
          edges_hbm.at[pl.ds(0, CHUNK)], ebuf.at[b], sems[b]).wait()

    start_chunk(0, 0)
    start_chunk(1, 1)

    zeros16 = jnp.zeros((LANES,), jnp.float32)

    for r in range(rows_per_w):
      def zero_body(i, carry, r=r):
        acc[pl.ds(r * stride + i * LANES, LANES)] = zeros16
        return carry

      lax.fori_loop(0, n_nodes // LANES, zero_body, 0, unroll=8)
    for c in xcopies:
      c.wait()

    def chunk_body(g, carry):
      for b in range(2):
        cidx = 2 * g + b
        wait_chunk(b)

        @plsc.parallel_loop(0, groups, unroll=UNROLL)
        def _(j):
          e = ebuf[b, pl.ds(j * LANES, LANES)]
          s = e & jnp.int32(0xFFFF)
          d = lax.shift_right_logical(e, jnp.int32(16))
          for p in range(pairs):
            w = plsc.load_gather(xr, [s | jnp.int32(p << shift)])
            vlo = plsc.bitcast(w << jnp.int32(16), jnp.float32)
            vhi = plsc.bitcast(w & jnp.int32(-65536), jnp.float32)
            plsc.addupdate_scatter(acc, [d | jnp.int32(p << shift)], vlo)
            plsc.addupdate_scatter(
                acc, [d | jnp.int32((p + 2) << shift)], vhi)

        @pl.when(cidx + 2 < nchunks)
        def _():
          start_chunk(b, cidx + 2)
      return carry

    lax.fori_loop(0, nchunks // 2, chunk_body, 0)
    for r in range(rows_per_w):
      grow = wid * 2 + r if r < 2 else n_feat // 2 + wid * 2 + (r - 2)
      pltpu.sync_copy(
          acc.at[pl.ds(r * stride, n_nodes)],
          out_hbm.at[pl.ds(grow * n_nodes, n_nodes)])

  return segsum


def _bf16_pack(lo_f32, hi_f32):
  lo = lax.bitcast_convert_type(
      lo_f32.astype(jnp.bfloat16).astype(jnp.float32), jnp.int32)
  hi = lax.bitcast_convert_type(
      hi_f32.astype(jnp.bfloat16).astype(jnp.float32), jnp.int32)
  return lax.shift_right_logical(lo, 16) | (hi & jnp.int32(-65536))


def _prep(edge_index, x):
  n_edges = edge_index.shape[1]
  n, f = x.shape
  bn = 2560
  grid = (n + bn - 1) // bn
  eb = 1024 * ((n_edges + grid * 1024 - 1) // (grid * 1024))

  def body(e_ref, x_ref, eo_ref, xpk_ref):
    eo_ref[...] = e_ref[0, :] | (e_ref[1, :] << 16)
    xt = x_ref[...].T
    xpk_ref[...] = _bf16_pack(xt[: f // 2, :], xt[f // 2:, :])

  return pl.pallas_call(
      body,
      grid=(grid,),
      in_specs=[
          pl.BlockSpec((2, eb), lambda j: (0, j)),
          pl.BlockSpec((bn, f), lambda j: (j, 0)),
      ],
      out_specs=(
          pl.BlockSpec((eb,), lambda j: (j,)),
          pl.BlockSpec((f // 2, bn), lambda j: (0, j)),
      ),
      out_shape=(
          jax.ShapeDtypeStruct((n_edges,), jnp.int32),
          jax.ShapeDtypeStruct((f // 2, n), jnp.int32),
      ),
  )(edge_index, x)


def _mm_relu_pack(accT, We, Wo, be, bo):
  f, n = accT.shape

  def body(a_ref, we_ref, wo_ref, be_ref, bo_ref, o_ref):
    a = a_ref[...]
    he = jnp.maximum(
        jnp.dot(we_ref[...], a, preferred_element_type=jnp.float32)
        + be_ref[...], 0.0)
    ho = jnp.maximum(
        jnp.dot(wo_ref[...], a, preferred_element_type=jnp.float32)
        + bo_ref[...], 0.0)
    o_ref[...] = _bf16_pack(he, ho)

  bn = 2560
  hr = We.shape[0]
  return pl.pallas_call(
      body,
      grid=((n + bn - 1) // bn,),
      in_specs=[
          pl.BlockSpec((f, bn), lambda j: (0, j)),
          pl.BlockSpec((hr, f), lambda j: (0, 0)),
          pl.BlockSpec((hr, f), lambda j: (0, 0)),
          pl.BlockSpec((hr, 1), lambda j: (0, 0)),
          pl.BlockSpec((hr, 1), lambda j: (0, 0)),
      ],
      out_specs=pl.BlockSpec((hr, bn), lambda j: (0, j)),
      out_shape=jax.ShapeDtypeStruct((hr, n), jnp.int32),
  )(accT, We, Wo, be.reshape(-1, 1), bo.reshape(-1, 1))


def _mm_out(accT, W, b):
  f, n = accT.shape
  c_out = W.shape[0]

  def body(a_ref, w_ref, b_ref, o_ref):
    o_ref[...] = lax.dot_general(
        a_ref[...], w_ref[...], (((0,), (1,)), ((), ())),
        preferred_element_type=jnp.float32) + b_ref[...]

  bn = 2560
  return pl.pallas_call(
      body,
      grid=((n + bn - 1) // bn,),
      in_specs=[
          pl.BlockSpec((f, bn), lambda j: (0, j)),
          pl.BlockSpec((c_out, f), lambda j: (0, 0)),
          pl.BlockSpec((1, c_out), lambda j: (0, 0)),
      ],
      out_specs=pl.BlockSpec((bn, c_out), lambda j: (j, 0)),
      out_shape=jax.ShapeDtypeStruct((n, c_out), jnp.float32),
  )(accT, W, b.reshape(1, -1))


def kernel(x, edge_index, W1, b1, W2, b2):
  n_nodes, n_feat = x.shape
  n_edges = edge_index.shape[1]
  edges, xpk = _prep(edge_index, x)

  segsum = _make_segsum(n_feat, n_nodes, n_edges)
  a1 = segsum(xpk.reshape(-1), edges).reshape(n_feat, n_nodes)
  h1pk = _mm_relu_pack(a1, W1[: n_feat // 2], W1[n_feat // 2:],
                       b1[: n_feat // 2], b1[n_feat // 2:])
  a2 = segsum(h1pk.reshape(-1), edges).reshape(n_feat, n_nodes)
  return _mm_out(a2, W2, b2)

# --- scband reference (transcript-rebuilt; emitter-appended) ---
"""Pipeline reference for scband-gcn-77369540870414 (READ-ONLY COPY).

The authoritative reference and input builder live on the scoring server;
editing this copy changes nothing except your own understanding.
"""

import jax, jax.numpy as jnp
import numpy as np

N = 10000
E = 320000
D = 128
H = 128
C = 128


def setup_inputs(seed: int = 0) -> dict:
    key = jax.random.key(seed)
    k1, k2, k3, k4, k5, k6 = jax.random.split(key, 6)
    x = jax.random.normal(k1, (N, D), dtype=jnp.float32)
    edge_index = jax.random.randint(k2, (2, E), 0, N, dtype=jnp.int32)
    # learned params: layer 1 (in_feats -> n_hidden, relu), layer 2 (n_hidden -> n_classes)
    W1 = jax.random.normal(k3, (H, D), dtype=jnp.float32) * (1.0 / np.sqrt(D))
    b1 = jnp.zeros((H,), dtype=jnp.float32)
    W2 = jax.random.normal(k4, (C, H), dtype=jnp.float32) * (1.0 / np.sqrt(H))
    b2 = jnp.zeros((C,), dtype=jnp.float32)
    return {"x": x, "edge_index": edge_index, "W1": W1, "b1": b1, "W2": W2, "b2": b2}


def reference(x, edge_index, W1, b1, W2, b2):
    # GCN with DGL-style update_all: msg = h[src], reduce = sum over dst,
    # node update = Linear(accum) (+ activation). dropout=0 so omitted.
    src = edge_index[0]
    dst = edge_index[1]
    h = x
    # layer 1: gather messages from source nodes, scatter-sum to destination nodes
    msgs = jnp.take(h, src, axis=0)
    accum = jax.ops.segment_sum(msgs, dst, num_segments=N)
    h = jax.nn.relu(accum @ W1.T + b1)
    # layer 2 (output layer, no activation)
    msgs = jnp.take(h, src, axis=0)
    accum = jax.ops.segment_sum(msgs, dst, num_segments=N)
    h = accum @ W2.T + b2
    # train_nodes = all nodes; torch.cat over all node features == full h
    return h

if __name__ == "__main__":
    import jax
    _d = setup_inputs()
    print(jax.jit(kernel)(*tuple(_d.values())))

</pallas_src>

<mosaic_0001>
#map = affine_map<(d0, d1) -> (0)>
module attributes {stable_mosaic.version = 14 : i64} {
  func.func @segsum(%arg0: i32, %arg1: i32, %arg2: memref<640000xi32, #tpu.memory_space<hbm>>, %arg3: memref<320000xi32, #tpu.memory_space<hbm>>, %arg4: memref<1280000xf32, #tpu.memory_space<hbm>>, %arg5: memref<32768xi32, #tpu.memory_space<vmem>>, %arg6: memref<65536xf32, #tpu.memory_space<vmem>>, %arg7: memref<2x4000xi32, #tpu.memory_space<vmem>>, %arg8: memref<!tpu.dma_semaphore, #tpu.memory_space<semaphore_mem>>, %arg9: memref<!tpu.dma_semaphore, #tpu.memory_space<semaphore_mem>>, %arg10: memref<!tpu.dma_semaphore, #tpu.memory_space<semaphore_mem>>) attributes {dimension_semantics = [#tpu.dimension_semantics<core_parallel>, #tpu.dimension_semantics<subcore_parallel>], iteration_bounds = array<i64: 2, 16>, scalar_prefetch = 0 : i64, scratch_operands = 6 : i64, tpu.core_type = #tpu.core_type<sc_vector_subcore>, window_params = [{transform_indices = #map}, {transform_indices = #map}, {transform_indices = #map}]} {
    %mul3A = arith.constant 2 : i32
    %mul3A_0 = arith.muli %arg1, %mul3A : i32
    %add3A = arith.addi %mul3A_0, %arg0 : i32
    %mul3A_1 = arith.constant 4 : i32
    %mul3A_2 = arith.muli %add3A, %mul3A_1 : i32
    %mul3A_3 = arith.constant 10000 : i32
    %mul3A_4 = arith.muli %mul3A_2, %mul3A_3 : i32
    %mul3A_5 = arith.constant 2 : i32
    %mul3A_6 = arith.muli %add3A, %mul3A_5 : i32
    %add3A_7 = arith.constant 0 : i32
    %add3A_8 = arith.addi %mul3A_6, %add3A_7 : i32
    %mul3A_9 = arith.constant 10000 : i32
    %mul3A_10 = arith.muli %add3A_8, %mul3A_9 : i32
    %mul3A_11 = arith.constant 2 : i32
    %mul3A_12 = arith.muli %add3A, %mul3A_11 : i32
    %add3A_13 = arith.constant 1 : i32
    %add3A_14 = arith.addi %mul3A_12, %add3A_13 : i32
    %mul3A_15 = arith.constant 10000 : i32
    %mul3A_16 = arith.muli %add3A_14, %mul3A_15 : i32
    %dma_start3A = arith.constant 0 : i32
    %dma_start3A_17 = tpu.memref_slice %arg5[%dma_start3A] : memref<32768xi32, #tpu.memory_space<vmem>> -> memref<10000xi32, #tpu.memory_space<vmem>>
    %dma_start3A_18 = tpu.memref_slice %arg2[%mul3A_10] : memref<640000xi32, #tpu.memory_space<hbm>> -> memref<10000xi32, #tpu.memory_space<hbm>>
    %dma_start3A_19 = arith.constant 0 : i32
    %dma_start3A_20 = tpu.memref_slice %arg5[%dma_start3A_19] : memref<32768xi32, #tpu.memory_space<vmem>> -> memref<10000xi32, #tpu.memory_space<vmem>>
    %dma_start3A_21 = tpu.memref_slice %arg2[%mul3A_10] : memref<640000xi32, #tpu.memory_space<hbm>> -> memref<10000xi32, #tpu.memory_space<hbm>>
    tpu.enqueue_dma source(%dma_start3A_21 : memref<10000xi32, #tpu.memory_space<hbm>>) target(%dma_start3A_20 : memref<10000xi32, #tpu.memory_space<vmem>>) target_semaphore(%arg10 : memref<!tpu.dma_semaphore, #tpu.memory_space<semaphore_mem>>)
    %dma_start3A_22 = arith.constant 16384 : i32
    %dma_start3A_23 = tpu.memref_slice %arg5[%dma_start3A_22] : memref<32768xi32, #tpu.memory_space<vmem>> -> memref<10000xi32, #tpu.memory_space<vmem>>
    %dma_start3A_24 = tpu.memref_slice %arg2[%mul3A_16] : memref<640000xi32, #tpu.memory_space<hbm>> -> memref<10000xi32, #tpu.memory_space<hbm>>
    %dma_start3A_25 = arith.constant 16384 : i32
    %dma_start3A_26 = tpu.memref_slice %arg5[%dma_start3A_25] : memref<32768xi32, #tpu.memory_space<vmem>> -> memref<10000xi32, #tpu.memory_space<vmem>>
    %dma_start3A_27 = tpu.memref_slice %arg2[%mul3A_16] : memref<640000xi32, #tpu.memory_space<hbm>> -> memref<10000xi32, #tpu.memory_space<hbm>>
    tpu.enqueue_dma source(%dma_start3A_27 : memref<10000xi32, #tpu.memory_space<hbm>>) target(%dma_start3A_26 : memref<10000xi32, #tpu.memory_space<vmem>>) target_semaphore(%arg10 : memref<!tpu.dma_semaphore, #tpu.memory_space<semaphore_mem>>)
    %dma_start3A_28 = arith.constant 0 : i32
    %dma_start3A_29 = arith.constant 0 : i32
    %dma_start3A_30 = tpu.memref_slice %arg7[%dma_start3A_28, %dma_start3A_29] : memref<2x4000xi32, #tpu.memory_space<vmem>> -> memref<1x4000xi32, #tpu.memory_space<vmem>>
    %dma_start3A_31 = tpu.memref_squeeze %dma_start3A_30 : memref<1x4000xi32, #tpu.memory_space<vmem>> -> memref<4000xi32, #tpu.memory_space<vmem>>
    %dma_start3A_32 = arith.constant 0 : i32
    %dma_start3A_33 = tpu.memref_slice %arg3[%dma_start3A_32] : memref<320000xi32, #tpu.memory_space<hbm>> -> memref<4000xi32, #tpu.memory_space<hbm>>
    %dma_start3A_34 = arith.constant 0 : i32
    %dma_start3A_35 = tpu.memref_slice %arg7[%dma_start3A_28, %dma_start3A_34] : memref<2x4000xi32, #tpu.memory_space<vmem>> -> memref<1x4000xi32, #tpu.memory_space<vmem>>
    %dma_start3A_36 = tpu.memref_squeeze %dma_start3A_35 : memref<1x4000xi32, #tpu.memory_space<vmem>> -> memref<4000xi32, #tpu.memory_space<vmem>>
    %dma_start3A_37 = arith.constant 0 : i32
    %dma_start3A_38 = tpu.memref_slice %arg3[%dma_start3A_37] : memref<320000xi32, #tpu.memory_space<hbm>> -> memref<4000xi32, #tpu.memory_space<hbm>>
    tpu.enqueue_dma source(%dma_start3A_38 : memref<4000xi32, #tpu.memory_space<hbm>>) target(%dma_start3A_36 : memref<4000xi32, #tpu.memory_space<vmem>>) target_semaphore(%arg8 : memref<!tpu.dma_semaphore, #tpu.memory_space<semaphore_mem>>)
    %dma_start3A_39 = arith.constant 1 : i32
    %dma_start3A_40 = arith.constant 0 : i32
    %dma_start3A_41 = tpu.memref_slice %arg7[%dma_start3A_39, %dma_start3A_40] : memref<2x4000xi32, #tpu.memory_space<vmem>> -> memref<1x4000xi32, #tpu.memory_space<vmem>>
    %dma_start3A_42 = tpu.memref_squeeze %dma_start3A_41 : memref<1x4000xi32, #tpu.memory_space<vmem>> -> memref<4000xi32, #tpu.memory_space<vmem>>
    %dma_start3A_43 = arith.constant 4000 : i32
    %dma_start3A_44 = tpu.memref_slice %arg3[%dma_start3A_43] : memref<320000xi32, #tpu.memory_space<hbm>> -> memref<4000xi32, #tpu.memory_space<hbm>>
    %dma_start3A_45 = arith.constant 0 : i32
    %dma_start3A_46 = tpu.memref_slice %arg7[%dma_start3A_39, %dma_start3A_45] : memref<2x4000xi32, #tpu.memory_space<vmem>> -> memref<1x4000xi32, #tpu.memory_space<vmem>>
    %dma_start3A_47 = tpu.memref_squeeze %dma_start3A_46 : memref<1x4000xi32, #tpu.memory_space<vmem>> -> memref<4000xi32, #tpu.memory_space<vmem>>
    %dma_start3A_48 = arith.constant 4000 : i32
    %dma_start3A_49 = tpu.memref_slice %arg3[%dma_start3A_48] : memref<320000xi32, #tpu.memory_space<hbm>> -> memref<4000xi32, #tpu.memory_space<hbm>>
    tpu.enqueue_dma source(%dma_start3A_49 : memref<4000xi32, #tpu.memory_space<hbm>>) target(%dma_start3A_47 : memref<4000xi32, #tpu.memory_space<vmem>>) target_semaphore(%arg9 : memref<!tpu.dma_semaphore, #tpu.memory_space<semaphore_mem>>)
    %broadcast_in_dim3A = arith.constant 0.000000e+00 : f32
    %broadcast_in_dim3A_50 = vector.broadcast %broadcast_in_dim3A : f32 to vector<16xf32>
    %scan3A = arith.constant 0 : i32
    %scan3A_51 = arith.constant 0 : i32
    %scan3A_52 = arith.constant 624 : i32
    %scan3A_53 = arith.addi %scan3A_51, %scan3A_52 : i32
    %scan3A_54 = arith.constant 8 : i32
    scf.for %scan3A_150 = %scan3A_51 to %scan3A_53 step %scan3A_54  : i32 {
      %mul3A_151 = arith.constant 16 : i32
      %mul3A_152 = arith.muli %scan3A_150, %mul3A_151 : i32
      %add3A_153 = arith.constant 0 : i32
      %add3A_154 = arith.addi %add3A_153, %mul3A_152 : i32
      %swap3A_155 = arith.index_cast %add3A_154 : i32 to index
      %swap3A_156 = tpu.vector_load %arg6[%swap3A_155] {strides = array<i32>} : memref<65536xf32, #tpu.memory_space<vmem>>, vector<16xf32>,
      tpu.vector_store %arg6[%swap3A_155], %broadcast_in_dim3A_50 {strides = array<i32>} : memref<65536xf32, #tpu.memory_space<vmem>>, vector<16xf32>,
      %scan3A_157 = arith.constant 1 : i32
      %scan3A_158 = arith.addi %scan3A_150, %scan3A_157 : i32
      %mul3A_159 = arith.constant 16 : i32
      %mul3A_160 = arith.muli %scan3A_158, %mul3A_159 : i32
      %add3A_161 = arith.constant 0 : i32
      %add3A_162 = arith.addi %add3A_161, %mul3A_160 : i32
      %swap3A_163 = arith.index_cast %add3A_162 : i32 to index
      %swap3A_164 = tpu.vector_load %arg6[%swap3A_163] {strides = array<i32>} : memref<65536xf32, #tpu.memory_space<vmem>>, vector<16xf32>,
      tpu.vector_store %arg6[%swap3A_163], %broadcast_in_dim3A_50 {strides = array<i32>} : memref<65536xf32, #tpu.memory_space<vmem>>, vector<16xf32>,
      %scan3A_165 = arith.constant 2 : i32
      %scan3A_166 = arith.addi %scan3A_150, %scan3A_165 : i32
      %mul3A_167 = arith.constant 16 : i32
      %mul3A_168 = arith.muli %scan3A_166, %mul3A_167 : i32
      %add3A_169 = arith.constant 0 : i32
      %add3A_170 = arith.addi %add3A_169, %mul3A_168 : i32
      %swap3A_171 = arith.index_cast %add3A_170 : i32 to index
      %swap3A_172 = tpu.vector_load %arg6[%swap3A_171] {strides = array<i32>} : memref<65536xf32, #tpu.memory_space<vmem>>, vector<16xf32>,
      tpu.vector_store %arg6[%swap3A_171], %broadcast_in_dim3A_50 {strides = array<i32>} : memref<65536xf32, #tpu.memory_space<vmem>>, vector<16xf32>,
      %scan3A_173 = arith.constant 3 : i32
      %scan3A_174 = arith.addi %scan3A_150, %scan3A_173 : i32
      %mul3A_175 = arith.constant 16 : i32
      %mul3A_176 = arith.muli %scan3A_174, %mul3A_175 : i32
      %add3A_177 = arith.constant 0 : i32
      %add3A_178 = arith.addi %add3A_177, %mul3A_176 : i32
      %swap3A_179 = arith.index_cast %add3A_178 : i32 to index
      %swap3A_180 = tpu.vector_load %arg6[%swap3A_179] {strides = array<i32>} : memref<65536xf32, #tpu.memory_space<vmem>>, vector<16xf32>,
      tpu.vector_store %arg6[%swap3A_179], %broadcast_in_dim3A_50 {strides = array<i32>} : memref<65536xf32, #tpu.memory_space<vmem>>, vector<16xf32>,
      %scan3A_181 = arith.constant 4 : i32
      %scan3A_182 = arith.addi %scan3A_150, %scan3A_181 : i32
      %mul3A_183 = arith.constant 16 : i32
      %mul3A_184 = arith.muli %scan3A_182, %mul3A_183 : i32
      %add3A_185 = arith.constant 0 : i32
      %add3A_186 = arith.addi %add3A_185, %mul3A_184 : i32
      %swap3A_187 = arith.index_cast %add3A_186 : i32 to index
      %swap3A_188 = tpu.vector_load %arg6[%swap3A_187] {strides = array<i32>} : memref<65536xf32, #tpu.memory_space<vmem>>, vector<16xf32>,
      tpu.vector_store %arg6[%swap3A_187], %broadcast_in_dim3A_50 {strides = array<i32>} : memref<65536xf32, #tpu.memory_space<vmem>>, vector<16xf32>,
      %scan3A_189 = arith.constant 5 : i32
      %scan3A_190 = arith.addi %scan3A_150, %scan3A_189 : i32
      %mul3A_191 = arith.constant 16 : i32
      %mul3A_192 = arith.muli %scan3A_190, %mul3A_191 : i32
      %add3A_193 = arith.constant 0 : i32
      %add3A_194 = arith.addi %add3A_193, %mul3A_192 : i32
      %swap3A_195 = arith.index_cast %add3A_194 : i32 to index
      %swap3A_196 = tpu.vector_load %arg6[%swap3A_195] {strides = array<i32>} : memref<65536xf32, #tpu.memory_space<vmem>>, vector<16xf32>,
      tpu.vector_store %arg6[%swap3A_195], %broadcast_in_dim3A_50 {strides = array<i32>} : memref<65536xf32, #tpu.memory_space<vmem>>, vector<16xf32>,
      %scan3A_197 = arith.constant 6 : i32
      %scan3A_198 = arith.addi %scan3A_150, %scan3A_197 : i32
      %mul3A_199 = arith.constant 16 : i32
      %mul3A_200 = arith.muli %scan3A_198, %mul3A_199 : i32
      %add3A_201 = arith.constant 0 : i32
      %add3A_202 = arith.addi %add3A_201, %mul3A_200 : i32
      %swap3A_203 = arith.index_cast %add3A_202 : i32 to index
      %swap3A_204 = tpu.vector_load %arg6[%swap3A_203] {strides = array<i32>} : memref<65536xf32, #tpu.memory_space<vmem>>, vector<16xf32>,
      tpu.vector_store %arg6[%swap3A_203], %broadcast_in_dim3A_50 {strides = array<i32>} : memref<65536xf32, #tpu.memory_space<vmem>>, vector<16xf32>,
      %scan3A_205 = arith.constant 7 : i32
      %scan3A_206 = arith.addi %scan3A_150, %scan3A_205 : i32
      %mul3A_207 = arith.constant 16 : i32
      %mul3A_208 = arith.muli %scan3A_206, %mul3A_207 : i32
      %add3A_209 = arith.constant 0 : i32
      %add3A_210 = arith.addi %add3A_209, %mul3A_208 : i32
      %swap3A_211 = arith.index_cast %add3A_210 : i32 to index
      %swap3A_212 = tpu.vector_load %arg6[%swap3A_211] {strides = array<i32>} : memref<65536xf32, #tpu.memory_space<vmem>>, vector<16xf32>,
      tpu.vector_store %arg6[%swap3A_211], %broadcast_in_dim3A_50 {strides = array<i32>} : memref<65536xf32, #tpu.memory_space<vmem>>, vector<16xf32>,
    }
    %scan3A_55 = arith.constant 624 : i32
    %scan3A_56 = arith.addi %scan3A_51, %scan3A_55 : i32
    %mul3A_57 = arith.constant 16 : i32
    %mul3A_58 = arith.muli %scan3A_56, %mul3A_57 : i32
    %add3A_59 = arith.constant 0 : i32
    %add3A_60 = arith.addi %add3A_59, %mul3A_58 : i32
    %swap3A = arith.index_cast %add3A_60 : i32 to index
    %swap3A_61 = tpu.vector_load %arg6[%swap3A] {strides = array<i32>} : memref<65536xf32, #tpu.memory_space<vmem>>, vector<16xf32>,
    tpu.vector_store %arg6[%swap3A], %broadcast_in_dim3A_50 {strides = array<i32>} : memref<65536xf32, #tpu.memory_space<vmem>>, vector<16xf32>,
    %scan3A_62 = arith.constant 625 : i32
    %scan3A_63 = arith.constant 0 : i32
    %scan3A_64 = arith.constant 0 : i32
    %scan3A_65 = arith.constant 624 : i32
    %scan3A_66 = arith.addi %scan3A_64, %scan3A_65 : i32
    %scan3A_67 = arith.constant 8 : i32
    scf.for %scan3A_150 = %scan3A_64 to %scan3A_66 step %scan3A_67  : i32 {
      %mul3A_151 = arith.constant 16 : i32
      %mul3A_152 = arith.muli %scan3A_150, %mul3A_151 : i32
      %add3A_153 = arith.constant 16384 : i32
      %add3A_154 = arith.addi %add3A_153, %mul3A_152 : i32
      %swap3A_155 = arith.index_cast %add3A_154 : i32 to index
      %swap3A_156 = tpu.vector_load %arg6[%swap3A_155] {strides = array<i32>} : memref<65536xf32, #tpu.memory_space<vmem>>, vector<16xf32>,
      tpu.vector_store %arg6[%swap3A_155], %broadcast_in_dim3A_50 {strides = array<i32>} : memref<65536xf32, #tpu.memory_space<vmem>>, vector<16xf32>,
      %scan3A_157 = arith.constant 1 : i32
      %scan3A_158 = arith.addi %scan3A_150, %scan3A_157 : i32
      %mul3A_159 = arith.constant 16 : i32
      %mul3A_160 = arith.muli %scan3A_158, %mul3A_159 : i32
      %add3A_161 = arith.constant 16384 : i32
      %add3A_162 = arith.addi %add3A_161, %mul3A_160 : i32
      %swap3A_163 = arith.index_cast %add3A_162 : i32 to index
      %swap3A_164 = tpu.vector_load %arg6[%swap3A_163] {strides = array<i32>} : memref<65536xf32, #tpu.memory_space<vmem>>, vector<16xf32>,
      tpu.vector_store %arg6[%swap3A_163], %broadcast_in_dim3A_50 {strides = array<i32>} : memref<65536xf32, #tpu.memory_space<vmem>>, vector<16xf32>,
      %scan3A_165 = arith.constant 2 : i32
      %scan3A_166 = arith.addi %scan3A_150, %scan3A_165 : i32
      %mul3A_167 = arith.constant 16 : i32
      %mul3A_168 = arith.muli %scan3A_166, %mul3A_167 : i32
      %add3A_169 = arith.constant 16384 : i32
      %add3A_170 = arith.addi %add3A_169, %mul3A_168 : i32
      %swap3A_171 = arith.index_cast %add3A_170 : i32 to index
      %swap3A_172 = tpu.vector_load %arg6[%swap3A_171] {strides = array<i32>} : memref<65536xf32, #tpu.memory_space<vmem>>, vector<16xf32>,
      tpu.vector_store %arg6[%swap3A_171], %broadcast_in_dim3A_50 {strides = array<i32>} : memref<65536xf32, #tpu.memory_space<vmem>>, vector<16xf32>,
      %scan3A_173 = arith.constant 3 : i32
      %scan3A_174 = arith.addi %scan3A_150, %scan3A_173 : i32
      %mul3A_175 = arith.constant 16 : i32
      %mul3A_176 = arith.muli %scan3A_174, %mul3A_175 : i32
      %add3A_177 = arith.constant 16384 : i32
      %add3A_178 = arith.addi %add3A_177, %mul3A_176 : i32
      %swap3A_179 = arith.index_cast %add3A_178 : i32 to index
      %swap3A_180 = tpu.vector_load %arg6[%swap3A_179] {strides = array<i32>} : memref<65536xf32, #tpu.memory_space<vmem>>, vector<16xf32>,
      tpu.vector_store %arg6[%swap3A_179], %broadcast_in_dim3A_50 {strides = array<i32>} : memref<65536xf32, #tpu.memory_space<vmem>>, vector<16xf32>,
      %scan3A_181 = arith.constant 4 : i32
      %scan3A_182 = arith.addi %scan3A_150, %scan3A_181 : i32
      %mul3A_183 = arith.constant 16 : i32
      %mul3A_184 = arith.muli %scan3A_182, %mul3A_183 : i32
      %add3A_185 = arith.constant 16384 : i32
      %add3A_186 = arith.addi %add3A_185, %mul3A_184 : i32
      %swap3A_187 = arith.index_cast %add3A_186 : i32 to index
      %swap3A_188 = tpu.vector_load %arg6[%swap3A_187] {strides = array<i32>} : memref<65536xf32, #tpu.memory_space<vmem>>, vector<16xf32>,
      tpu.vector_store %arg6[%swap3A_187], %broadcast_in_dim3A_50 {strides = array<i32>} : memref<65536xf32, #tpu.memory_space<vmem>>, vector<16xf32>,
      %scan3A_189 = arith.constant 5 : i32
      %scan3A_190 = arith.addi %scan3A_150, %scan3A_189 : i32
      %mul3A_191 = arith.constant 16 : i32
      %mul3A_192 = arith.muli %scan3A_190, %mul3A_191 : i32
      %add3A_193 = arith.constant 16384 : i32
      %add3A_194 = arith.addi %add3A_193, %mul3A_192 : i32
      %swap3A_195 = arith.index_cast %add3A_194 : i32 to index
      %swap3A_196 = tpu.vector_load %arg6[%swap3A_195] {strides = array<i32>} : memref<65536xf32, #tpu.memory_space<vmem>>, vector<16xf32>,
      tpu.vector_store %arg6[%swap3A_195], %broadcast_in_dim3A_50 {strides = array<i32>} : memref<65536xf32, #tpu.memory_space<vmem>>, vector<16xf32>,
      %scan3A_197 = arith.constant 6 : i32
      %scan3A_198 = arith.addi %scan3A_150, %scan3A_197 : i32
      %mul3A_199 = arith.constant 16 : i32
      %mul3A_200 = arith.muli %scan3A_198, %mul3A_199 : i32
      %add3A_201 = arith.constant 16384 : i32
      %add3A_202 = arith.addi %add3A_201, %mul3A_200 : i32
      %swap3A_203 = arith.index_cast %add3A_202 : i32 to index
      %swap3A_204 = tpu.vector_load %arg6[%swap3A_203] {strides = array<i32>} : memref<65536xf32, #tpu.memory_space<vmem>>, vector<16xf32>,
      tpu.vector_store %arg6[%swap3A_203], %broadcast_in_dim3A_50 {strides = array<i32>} : memref<65536xf32, #tpu.memory_space<vmem>>, vector<16xf32>,
      %scan3A_205 = arith.constant 7 : i32
      %scan3A_206 = arith.addi %scan3A_150, %scan3A_205 : i32
      %mul3A_207 = arith.constant 16 : i32
      %mul3A_208 = arith.muli %scan3A_206, %mul3A_207 : i32
      %add3A_209 = arith.constant 16384 : i32
      %add3A_210 = arith.addi %add3A_209, %mul3A_208 : i32
      %swap3A_211 = arith.index_cast %add3A_210 : i32 to index
      %swap3A_212 = tpu.vector_load %arg6[%swap3A_211] {strides = array<i32>} : memref<65536xf32, #tpu.memory_space<vmem>>, vector<16xf32>,
      tpu.vector_store %arg6[%swap3A_211], %broadcast_in_dim3A_50 {strides = array<i32>} : memref<65536xf32, #tpu.memory_space<vmem>>, vector<16xf32>,
    }
    %scan3A_68 = arith.constant 624 : i32
    %scan3A_69 = arith.addi %scan3A_64, %scan3A_68 : i32
    %mul3A_70 = arith.constant 16 : i32
    %mul3A_71 = arith.muli %scan3A_69, %mul3A_70 : i32
    %add3A_72 = arith.constant 16384 : i32
    %add3A_73 = arith.addi %add3A_72, %mul3A_71 : i32
    %swap3A_74 = arith.index_cast %add3A_73 : i32 to index
    %swap3A_75 = tpu.vector_load %arg6[%swap3A_74] {strides = array<i32>} : memref<65536xf32, #tpu.memory_space<vmem>>, vector<16xf32>,
    tpu.vector_store %arg6[%swap3A_74], %broadcast_in_dim3A_50 {strides = array<i32>} : memref<65536xf32, #tpu.memory_space<vmem>>, vector<16xf32>,
    %scan3A_76 = arith.constant 625 : i32
    %scan3A_77 = arith.constant 0 : i32
    %scan3A_78 = arith.constant 0 : i32
    %scan3A_79 = arith.constant 624 : i32
    %scan3A_80 = arith.addi %scan3A_78, %scan3A_79 : i32
    %scan3A_81 = arith.constant 8 : i32
    scf.for %scan3A_150 = %scan3A_78 to %scan3A_80 step %scan3A_81  : i32 {
      %mul3A_151 = arith.constant 16 : i32
      %mul3A_152 = arith.muli %scan3A_150, %mul3A_151 : i32
      %add3A_153 = arith.constant 32768 : i32
      %add3A_154 = arith.addi %add3A_153, %mul3A_152 : i32
      %swap3A_155 = arith.index_cast %add3A_154 : i32 to index
      %swap3A_156 = tpu.vector_load %arg6[%swap3A_155] {strides = array<i32>} : memref<65536xf32, #tpu.memory_space<vmem>>, vector<16xf32>,
      tpu.vector_store %arg6[%swap3A_155], %broadcast_in_dim3A_50 {strides = array<i32>} : memref<65536xf32, #tpu.memory_space<vmem>>, vector<16xf32>,
      %scan3A_157 = arith.constant 1 : i32
      %scan3A_158 = arith.addi %scan3A_150, %scan3A_157 : i32
      %mul3A_159 = arith.constant 16 : i32
      %mul3A_160 = arith.muli %scan3A_158, %mul3A_159 : i32
      %add3A_161 = arith.constant 32768 : i32
      %add3A_162 = arith.addi %add3A_161, %mul3A_160 : i32
      %swap3A_163 = arith.index_cast %add3A_162 : i32 to index
      %swap3A_164 = tpu.vector_load %arg6[%swap3A_163] {strides = array<i32>} : memref<65536xf32, #tpu.memory_space<vmem>>, vector<16xf32>,
      tpu.vector_store %arg6[%swap3A_163], %broadcast_in_dim3A_50 {strides = array<i32>} : memref<65536xf32, #tpu.memory_space<vmem>>, vector<16xf32>,
      %scan3A_165 = arith.constant 2 : i32
      %scan3A_166 = arith.addi %scan3A_150, %scan3A_165 : i32
      %mul3A_167 = arith.constant 16 : i32
      %mul3A_168 = arith.muli %scan3A_166, %mul3A_167 : i32
      %add3A_169 = arith.constant 32768 : i32
      %add3A_170 = arith.addi %add3A_169, %mul3A_168 : i32
      %swap3A_171 = arith.index_cast %add3A_170 : i32 to index
      %swap3A_172 = tpu.vector_load %arg6[%swap3A_171] {strides = array<i32>} : memref<65536xf32, #tpu.memory_space<vmem>>, vector<16xf32>,
      tpu.vector_store %arg6[%swap3A_171], %broadcast_in_dim3A_50 {strides = array<i32>} : memref<65536xf32, #tpu.memory_space<vmem>>, vector<16xf32>,
      %scan3A_173 = arith.constant 3 : i32
      %scan3A_174 = arith.addi %scan3A_150, %scan3A_173 : i32
      %mul3A_175 = arith.constant 16 : i32
      %mul3A_176 = arith.muli %scan3A_174, %mul3A_175 : i32
      %add3A_177 = arith.constant 32768 : i32
      %add3A_178 = arith.addi %add3A_177, %mul3A_176 : i32
      %swap3A_179 = arith.index_cast %add3A_178 : i32 to index
      %swap3A_180 = tpu.vector_load %arg6[%swap3A_179] {strides = array<i32>} : memref<65536xf32, #tpu.memory_space<vmem>>, vector<16xf32>,
      tpu.vector_store %arg6[%swap3A_179], %broadcast_in_dim3A_50 {strides = array<i32>} : memref<65536xf32, #tpu.memory_space<vmem>>, vector<16xf32>,
      %scan3A_181 = arith.constant 4 : i32
      %scan3A_182 = arith.addi %scan3A_150, %scan3A_181 : i32
      %mul3A_183 = arith.constant 16 : i32
      %mul3A_184 = arith.muli %scan3A_182, %mul3A_183 : i32
      %add3A_185 = arith.constant 32768 : i32
      %add3A_186 = arith.addi %add3A_185, %mul3A_184 : i32
      %swap3A_187 = arith.index_cast %add3A_186 : i32 to index
      %swap3A_188 = tpu.vector_load %arg6[%swap3A_187] {strides = array<i32>} : memref<65536xf32, #tpu.memory_space<vmem>>, vector<16xf32>,
      tpu.vector_store %arg6[%swap3A_187], %broadcast_in_dim3A_50 {strides = array<i32>} : memref<65536xf32, #tpu.memory_space<vmem>>, vector<16xf32>,
      %scan3A_189 = arith.constant 5 : i32
      %scan3A_190 = arith.addi %scan3A_150, %scan3A_189 : i32
      %mul3A_191 = arith.constant 16 : i32
      %mul3A_192 = arith.muli %scan3A_190, %mul3A_191 : i32
      %add3A_193 = arith.constant 32768 : i32
      %add3A_194 = arith.addi %add3A_193, %mul3A_192 : i32
      %swap3A_195 = arith.index_cast %add3A_194 : i32 to index
      %swap3A_196 = tpu.vector_load %arg6[%swap3A_195] {strides = array<i32>} : memref<65536xf32, #tpu.memory_space<vmem>>, vector<16xf32>,
      tpu.vector_store %arg6[%swap3A_195], %broadcast_in_dim3A_50 {strides = array<i32>} : memref<65536xf32, #tpu.memory_space<vmem>>, vector<16xf32>,
      %scan3A_197 = arith.constant 6 : i32
      %scan3A_198 = arith.addi %scan3A_150, %scan3A_197 : i32
      %mul3A_199 = arith.constant 16 : i32
      %mul3A_200 = arith.muli %scan3A_198, %mul3A_199 : i32
      %add3A_201 = arith.constant 32768 : i32
      %add3A_202 = arith.addi %add3A_201, %mul3A_200 : i32
      %swap3A_203 = arith.index_cast %add3A_202 : i32 to index
      %swap3A_204 = tpu.vector_load %arg6[%swap3A_203] {strides = array<i32>} : memref<65536xf32, #tpu.memory_space<vmem>>, vector<16xf32>,
      tpu.vector_store %arg6[%swap3A_203], %broadcast_in_dim3A_50 {strides = array<i32>} : memref<65536xf32, #tpu.memory_space<vmem>>, vector<16xf32>,
      %scan3A_205 = arith.constant 7 : i32
      %scan3A_206 = arith.addi %scan3A_150, %scan3A_205 : i32
      %mul3A_207 = arith.constant 16 : i32
      %mul3A_208 = arith.muli %scan3A_206, %mul3A_207 : i32
      %add3A_209 = arith.constant 32768 : i32
      %add3A_210 = arith.addi %add3A_209, %mul3A_208 : i32
      %swap3A_211 = arith.index_cast %add3A_210 : i32 to index
      %swap3A_212 = tpu.vector_load %arg6[%swap3A_211] {strides = array<i32>} : memref<65536xf32, #tpu.memory_space<vmem>>, vector<16xf32>,
      tpu.vector_store %arg6[%swap3A_211], %broadcast_in_dim3A_50 {strides = array<i32>} : memref<65536xf32, #tpu.memory_space<vmem>>, vector<16xf32>,
    }
    %scan3A_82 = arith.constant 624 : i32
    %scan3A_83 = arith.addi %scan3A_78, %scan3A_82 : i32
    %mul3A_84 = arith.constant 16 : i32
    %mul3A_85 = arith.muli %scan3A_83, %mul3A_84 : i32
    %add3A_86 = arith.constant 32768 : i32
    %add3A_87 = arith.addi %add3A_86, %mul3A_85 : i32
    %swap3A_88 = arith.index_cast %add3A_87 : i32 to index
    %swap3A_89 = tpu.vector_load %arg6[%swap3A_88] {strides = array<i32>} : memref<65536xf32, #tpu.memory_space<vmem>>, vector<16xf32>,
    tpu.vector_store %arg6[%swap3A_88], %broadcast_in_dim3A_50 {strides = array<i32>} : memref<65536xf32, #tpu.memory_space<vmem>>, vector<16xf32>,
    %scan3A_90 = arith.constant 625 : i32
    %scan3A_91 = arith.constant 0 : i32
    %scan3A_92 = arith.constant 0 : i32
    %scan3A_93 = arith.constant 624 : i32
    %scan3A_94 = arith.addi %scan3A_92, %scan3A_93 : i32
    %scan3A_95 = arith.constant 8 : i32
    scf.for %scan3A_150 = %scan3A_92 to %scan3A_94 step %scan3A_95  : i32 {
      %mul3A_151 = arith.constant 16 : i32
      %mul3A_152 = arith.muli %scan3A_150, %mul3A_151 : i32
      %add3A_153 = arith.constant 49152 : i32
      %add3A_154 = arith.addi %add3A_153, %mul3A_152 : i32
      %swap3A_155 = arith.index_cast %add3A_154 : i32 to index
      %swap3A_156 = tpu.vector_load %arg6[%swap3A_155] {strides = array<i32>} : memref<65536xf32, #tpu.memory_space<vmem>>, vector<16xf32>,
      tpu.vector_store %arg6[%swap3A_155], %broadcast_in_dim3A_50 {strides = array<i32>} : memref<65536xf32, #tpu.memory_space<vmem>>, vector<16xf32>,
      %scan3A_157 = arith.constant 1 : i32
      %scan3A_158 = arith.addi %scan3A_150, %scan3A_157 : i32
      %mul3A_159 = arith.constant 16 : i32
      %mul3A_160 = arith.muli %scan3A_158, %mul3A_159 : i32
      %add3A_161 = arith.constant 49152 : i32
      %add3A_162 = arith.addi %add3A_161, %mul3A_160 : i32
      %swap3A_163 = arith.index_cast %add3A_162 : i32 to index
      %swap3A_164 = tpu.vector_load %arg6[%swap3A_163] {strides = array<i32>} : memref<65536xf32, #tpu.memory_space<vmem>>, vector<16xf32>,
      tpu.vector_store %arg6[%swap3A_163], %broadcast_in_dim3A_50 {strides = array<i32>} : memref<65536xf32, #tpu.memory_space<vmem>>, vector<16xf32>,
      %scan3A_165 = arith.constant 2 : i32
      %scan3A_166 = arith.addi %scan3A_150, %scan3A_165 : i32
      %mul3A_167 = arith.constant 16 : i32
      %mul3A_168 = arith.muli %scan3A_166, %mul3A_167 : i32
      %add3A_169 = arith.constant 49152 : i32
      %add3A_170 = arith.addi %add3A_169, %mul3A_168 : i32
      %swap3A_171 = arith.index_cast %add3A_170 : i32 to index
      %swap3A_172 = tpu.vector_load %arg6[%swap3A_171] {strides = array<i32>} : memref<65536xf32, #tpu.memory_space<vmem>>, vector<16xf32>,
      tpu.vector_store %arg6[%swap3A_171], %broadcast_in_dim3A_50 {strides = array<i32>} : memref<65536xf32, #tpu.memory_space<vmem>>, vector<16xf32>,
      %scan3A_173 = arith.constant 3 : i32
      %scan3A_174 = arith.addi %scan3A_150, %scan3A_173 : i32
      %mul3A_175 = arith.constant 16 : i32
      %mul3A_176 = arith.muli %scan3A_174, %mul3A_175 : i32
      %add3A_177 = arith.constant 49152 : i32
      %add3A_178 = arith.addi %add3A_177, %mul3A_176 : i32
      %swap3A_179 = arith.index_cast %add3A_178 : i32 to index
      %swap3A_180 = tpu.vector_load %arg6[%swap3A_179] {strides = array<i32>} : memref<65536xf32, #tpu.memory_space<vmem>>, vector<16xf32>,
      tpu.vector_store %arg6[%swap3A_179], %broadcast_in_dim3A_50 {strides = array<i32>} : memref<65536xf32, #tpu.memory_space<vmem>>, vector<16xf32>,
      %scan3A_181 = arith.constant 4 : i32
      %scan3A_182 = arith.addi %scan3A_150, %scan3A_181 : i32
      %mul3A_183 = arith.constant 16 : i32
      %mul3A_184 = arith.muli %scan3A_182, %mul3A_183 : i32
      %add3A_185 = arith.constant 49152 : i32
      %add3A_186 = arith.addi %add3A_185, %mul3A_184 : i32
      %swap3A_187 = arith.index_cast %add3A_186 : i32 to index
      %swap3A_188 = tpu.vector_load %arg6[%swap3A_187] {strides = array<i32>} : memref<65536xf32, #tpu.memory_space<vmem>>, vector<16xf32>,
      tpu.vector_store %arg6[%swap3A_187], %broadcast_in_dim3A_50 {strides = array<i32>} : memref<65536xf32, #tpu.memory_space<vmem>>, vector<16xf32>,
      %scan3A_189 = arith.constant 5 : i32
      %scan3A_190 = arith.addi %scan3A_150, %scan3A_189 : i32
      %mul3A_191 = arith.constant 16 : i32
      %mul3A_192 = arith.muli %scan3A_190, %mul3A_191 : i32
      %add3A_193 = arith.constant 49152 : i32
      %add3A_194 = arith.addi %add3A_193, %mul3A_192 : i32
      %swap3A_195 = arith.index_cast %add3A_194 : i32 to index
      %swap3A_196 = tpu.vector_load %arg6[%swap3A_195] {strides = array<i32>} : memref<65536xf32, #tpu.memory_space<vmem>>, vector<16xf32>,
      tpu.vector_store %arg6[%swap3A_195], %broadcast_in_dim3A_50 {strides = array<i32>} : memref<65536xf32, #tpu.memory_space<vmem>>, vector<16xf32>,
      %scan3A_197 = arith.constant 6 : i32
      %scan3A_198 = arith.addi %scan3A_150, %scan3A_197 : i32
      %mul3A_199 = arith.constant 16 : i32
      %mul3A_200 = arith.muli %scan3A_198, %mul3A_199 : i32
      %add3A_201 = arith.constant 49152 : i32
      %add3A_202 = arith.addi %add3A_201, %mul3A_200 : i32
      %swap3A_203 = arith.index_cast %add3A_202 : i32 to index
      %swap3A_204 = tpu.vector_load %arg6[%swap3A_203] {strides = array<i32>} : memref<65536xf32, #tpu.memory_space<vmem>>, vector<16xf32>,
      tpu.vector_store %arg6[%swap3A_203], %broadcast_in_dim3A_50 {strides = array<i32>} : memref<65536xf32, #tpu.memory_space<vmem>>, vector<16xf32>,
      %scan3A_205 = arith.constant 7 : i32
      %scan3A_206 = arith.addi %scan3A_150, %scan3A_205 : i32
      %mul3A_207 = arith.constant 16 : i32
      %mul3A_208 = arith.muli %scan3A_206, %mul3A_207 : i32
      %add3A_209 = arith.constant 49152 : i32
      %add3A_210 = arith.addi %add3A_209, %mul3A_208 : i32
      %swap3A_211 = arith.index_cast %add3A_210 : i32 to index
      %swap3A_212 = tpu.vector_load %arg6[%swap3A_211] {strides = array<i32>} : memref<65536xf32, #tpu.memory_space<vmem>>, vector<16xf32>,
      tpu.vector_store %arg6[%swap3A_211], %broadcast_in_dim3A_50 {strides = array<i32>} : memref<65536xf32, #tpu.memory_space<vmem>>, vector<16xf32>,
    }
    %scan3A_96 = arith.constant 624 : i32
    %scan3A_97 = arith.addi %scan3A_92, %scan3A_96 : i32
    %mul3A_98 = arith.constant 16 : i32
    %mul3A_99 = arith.muli %scan3A_97, %mul3A_98 : i32
    %add3A_100 = arith.constant 49152 : i32
    %add3A_101 = arith.addi %add3A_100, %mul3A_99 : i32
    %swap3A_102 = arith.index_cast %add3A_101 : i32 to index
    %swap3A_103 = tpu.vector_load %arg6[%swap3A_102] {strides = array<i32>} : memref<65536xf32, #tpu.memory_space<vmem>>, vector<16xf32>,
    tpu.vector_store %arg6[%swap3A_102], %broadcast_in_dim3A_50 {strides = array<i32>} : memref<65536xf32, #tpu.memory_space<vmem>>, vector<16xf32>,
    %scan3A_104 = arith.constant 625 : i32
    %dma_wait3A = arith.constant 0 : i32
    %dma_wait3A_105 = tpu.memref_slice %arg5[%dma_wait3A] : memref<32768xi32, #tpu.memory_space<vmem>> -> memref<10000xi32, #tpu.memory_space<vmem>>
    %dma_wait3A_106 = tpu.memref_slice %arg2[%mul3A_10] : memref<640000xi32, #tpu.memory_space<hbm>> -> memref<10000xi32, #tpu.memory_space<hbm>>
    %dma_wait3A_107 = arith.constant 0 : i32
    %dma_wait3A_108 = tpu.memref_slice %arg5[%dma_wait3A_107] : memref<32768xi32, #tpu.memory_space<vmem>> -> memref<10000xi32, #tpu.memory_space<vmem>>
    %dma_wait3A_109 = tpu.memref_slice %arg2[%mul3A_10] : memref<640000xi32, #tpu.memory_space<hbm>> -> memref<10000xi32, #tpu.memory_space<hbm>>
    tpu.wait_dma2 semaphore(%arg10 : memref<!tpu.dma_semaphore, #tpu.memory_space<semaphore_mem>>) src(%dma_wait3A_109 : memref<10000xi32, #tpu.memory_space<hbm>>) dst(%dma_wait3A_108 : memref<10000xi32, #tpu.memory_space<vmem>>)
    %dma_wait3A_110 = arith.constant 16384 : i32
    %dma_wait3A_111 = tpu.memref_slice %arg5[%dma_wait3A_110] : memref<32768xi32, #tpu.memory_space<vmem>> -> memref<10000xi32, #tpu.memory_space<vmem>>
    %dma_wait3A_112 = tpu.memref_slice %arg2[%mul3A_16] : memref<640000xi32, #tpu.memory_space<hbm>> -> memref<10000xi32, #tpu.memory_space<hbm>>
    %dma_wait3A_113 = arith.constant 16384 : i32
    %dma_wait3A_114 = tpu.memref_slice %arg5[%dma_wait3A_113] : memref<32768xi32, #tpu.memory_space<vmem>> -> memref<10000xi32, #tpu.memory_space<vmem>>
    %dma_wait3A_115 = tpu.memref_slice %arg2[%mul3A_16] : memref<640000xi32, #tpu.memory_space<hbm>> -> memref<10000xi32, #tpu.memory_space<hbm>>
    tpu.wait_dma2 semaphore(%arg10 : memref<!tpu.dma_semaphore, #tpu.memory_space<semaphore_mem>>) src(%dma_wait3A_115 : memref<10000xi32, #tpu.memory_space<hbm>>) dst(%dma_wait3A_114 : memref<10000xi32, #tpu.memory_space<vmem>>)
    %scan3A_116 = arith.constant 0 : i32
    %scan3A_117 = arith.constant 0 : i32
    %scan3A_118 = arith.constant 40 : i32
    %scan3A_119 = arith.addi %scan3A_117, %scan3A_118 : i32
    %scan3A_120 = arith.constant 1 : i32
    scf.for %scan3A_150 = %scan3A_117 to %scan3A_119 step %scan3A_120  : i32 {
      %mul3A_151 = arith.constant 2 : i32
      %mul3A_152 = arith.muli %mul3A_151, %scan3A_150 : i32
      %add3A_153 = arith.constant 0 : i32
      %add3A_154 = arith.addi %mul3A_152, %add3A_153 : i32
      %dma_wait3A_155 = arith.constant 0 : i32
      %dma_wait3A_156 = arith.constant 0 : i32
      %dma_wait3A_157 = tpu.memref_slice %arg7[%dma_wait3A_155, %dma_wait3A_156] : memref<2x4000xi32, #tpu.memory_space<vmem>> -> memref<1x4000xi32, #tpu.memory_space<vmem>>
      %dma_wait3A_158 = tpu.memref_squeeze %dma_wait3A_157 : memref<1x4000xi32, #tpu.memory_space<vmem>> -> memref<4000xi32, #tpu.memory_space<vmem>>
      %dma_wait3A_159 = arith.constant 0 : i32
      %dma_wait3A_160 = tpu.memref_slice %arg3[%dma_wait3A_159] : memref<320000xi32, #tpu.memory_space<hbm>> -> memref<4000xi32, #tpu.memory_space<hbm>>
      %dma_wait3A_161 = arith.constant 0 : i32
      %dma_wait3A_162 = tpu.memref_slice %arg7[%dma_wait3A_155, %dma_wait3A_161] : memref<2x4000xi32, #tpu.memory_space<vmem>> -> memref<1x4000xi32, #tpu.memory_space<vmem>>
      %dma_wait3A_163 = tpu.memref_squeeze %dma_wait3A_162 : memref<1x4000xi32, #tpu.memory_space<vmem>> -> memref<4000xi32, #tpu.memory_space<vmem>>
      %dma_wait3A_164 = arith.constant 0 : i32
      %dma_wait3A_165 = tpu.memref_slice %arg3[%dma_wait3A_164] : memref<320000xi32, #tpu.memory_space<hbm>> -> memref<4000xi32, #tpu.memory_space<hbm>>
      tpu.wait_dma2 semaphore(%arg8 : memref<!tpu.dma_semaphore, #tpu.memory_space<semaphore_mem>>) src(%dma_wait3A_165 : memref<4000xi32, #tpu.memory_space<hbm>>) dst(%dma_wait3A_163 : memref<4000xi32, #tpu.memory_space<vmem>>)
      %parallel_loop3A = arith.constant 0 : i32
      %parallel_loop3A_166 = arith.constant 250 : i32
      %parallel_loop3A_167 = arith.constant 1 : i32
      scf.for %parallel_loop3A_197 = %parallel_loop3A to %parallel_loop3A_166 step %parallel_loop3A_167  : i32 {
        %parallel_loop3A_198 = arith.constant 16 : i32
        %parallel_loop3A_199 = arith.muli %parallel_loop3A_197, %parallel_loop3A_198 : i32
        %parallel_loop3A_200 = arith.constant 0 : i32
        %parallel_loop3A_201 = arith.index_cast %parallel_loop3A_200 : i32 to index
        %parallel_loop3A_202 = arith.index_cast %parallel_loop3A_199 : i32 to index
        %parallel_loop3A_203 = tpu.vector_load %arg7[%parallel_loop3A_201, %parallel_loop3A_202] {strides = array<i32>} : memref<2x4000xi32, #tpu.memory_space<vmem>>, vector<16xi32>,
        %parallel_loop3A_204 = arith.constant 65535 : i32
        %parallel_loop3A_205 = vector.broadcast %parallel_loop3A_204 : i32 to vector<16xi32>
        %parallel_loop3A_206 = arith.andi %parallel_loop3A_203, %parallel_loop3A_205 : vector<16xi32>
        %parallel_loop3A_207 = arith.constant 16 : i32
        %parallel_loop3A_208 = vector.broadcast %parallel_loop3A_207 : i32 to vector<16xi32>
        %parallel_loop3A_209 = arith.shrui %parallel_loop3A_203, %parallel_loop3A_208 : vector<16xi32>
        %parallel_loop3A_210 = arith.constant 0 : i32
        %parallel_loop3A_211 = vector.broadcast %parallel_loop3A_210 : i32 to vector<16xi32>
        %parallel_loop3A_212 = arith.ori %parallel_loop3A_206, %parallel_loop3A_211 : vector<16xi32>
        %parallel_loop3A_213 = tpu.vector_load_idx %arg5[%parallel_loop3A_212] : memref<32768xi32, #tpu.memory_space<vmem>>[vector<16xi32>], vector<16xi32>,
        %parallel_loop3A_214 = arith.constant 16 : i32
        %parallel_loop3A_215 = vector.broadcast %parallel_loop3A_214 : i32 to vector<16xi32>
        %parallel_loop3A_216 = arith.shli %parallel_loop3A_213, %parallel_loop3A_215 : vector<16xi32>
        %parallel_loop3A_217 = vector.bitcast %parallel_loop3A_216 : vector<16xi32> to vector<16xf32>
        %parallel_loop3A_218 = arith.constant -65536 : i32
        %parallel_loop3A_219 = vector.broadcast %parallel_loop3A_218 : i32 to vector<16xi32>
        %parallel_loop3A_220 = arith.andi %parallel_loop3A_213, %parallel_loop3A_219 : vector<16xi32>
        %parallel_loop3A_221 = vector.bitcast %parallel_loop3A_220 : vector<16xi32> to vector<16xf32>
        %parallel_loop3A_222 = arith.constant 0 : i32
        %parallel_loop3A_223 = vector.broadcast %parallel_loop3A_222 : i32 to vector<16xi32>
        %parallel_loop3A_224 = arith.ori %parallel_loop3A_209, %parallel_loop3A_223 : vector<16xi32>
        tpu.vector_store_idx %arg6[%parallel_loop3A_224], %parallel_loop3A_217 {add = true} : memref<65536xf32, #tpu.memory_space<vmem>>[vector<16xi32>], vector<16xf32>,
        %parallel_loop3A_225 = arith.constant 32768 : i32
        %parallel_loop3A_226 = vector.broadcast %parallel_loop3A_225 : i32 to vector<16xi32>
        %parallel_loop3A_227 = arith.ori %parallel_loop3A_209, %parallel_loop3A_226 : vector<16xi32>
        tpu.vector_store_idx %arg6[%parallel_loop3A_227], %parallel_loop3A_221 {add = true} : memref<65536xf32, #tpu.memory_space<vmem>>[vector<16xi32>], vector<16xf32>,
        %parallel_loop3A_228 = arith.constant 16384 : i32
        %parallel_loop3A_229 = vector.broadcast %parallel_loop3A_228 : i32 to vector<16xi32>
        %parallel_loop3A_230 = arith.ori %parallel_loop3A_206, %parallel_loop3A_229 : vector<16xi32>
        %parallel_loop3A_231 = tpu.vector_load_idx %arg5[%parallel_loop3A_230] : memref<32768xi32, #tpu.memory_space<vmem>>[vector<16xi32>], vector<16xi32>,
        %parallel_loop3A_232 = arith.constant 16 : i32
        %parallel_loop3A_233 = vector.broadcast %parallel_loop3A_232 : i32 to vector<16xi32>
        %parallel_loop3A_234 = arith.shli %parallel_loop3A_231, %parallel_loop3A_233 : vector<16xi32>
        %parallel_loop3A_235 = vector.bitcast %parallel_loop3A_234 : vector<16xi32> to vector<16xf32>
        %parallel_loop3A_236 = arith.constant -65536 : i32
        %parallel_loop3A_237 = vector.broadcast %parallel_loop3A_236 : i32 to vector<16xi32>
        %parallel_loop3A_238 = arith.andi %parallel_loop3A_231, %parallel_loop3A_237 : vector<16xi32>
        %parallel_loop3A_239 = vector.bitcast %parallel_loop3A_238 : vector<16xi32> to vector<16xf32>
        %parallel_loop3A_240 = arith.constant 16384 : i32
        %parallel_loop3A_241 = vector.broadcast %parallel_loop3A_240 : i32 to vector<16xi32>
        %parallel_loop3A_242 = arith.ori %parallel_loop3A_209, %parallel_loop3A_241 : vector<16xi32>
        tpu.vector_store_idx %arg6[%parallel_loop3A_242], %parallel_loop3A_235 {add = true} : memref<65536xf32, #tpu.memory_space<vmem>>[vector<16xi32>], vector<16xf32>,
        %parallel_loop3A_243 = arith.constant 49152 : i32
        %parallel_loop3A_244 = vector.broadcast %parallel_loop3A_243 : i32 to vector<16xi32>
        %parallel_loop3A_245 = arith.ori %parallel_loop3A_209, %parallel_loop3A_244 : vector<16xi32>
        tpu.vector_store_idx %arg6[%parallel_loop3A_245], %parallel_loop3A_239 {add = true} : memref<65536xf32, #tpu.memory_space<vmem>>[vector<16xi32>], vector<16xf32>,
      } {sc.loop_unroll_factor = 5 : i64, sc.parallel_access}
      %add3A_168 = arith.constant 2 : i32
      %add3A_169 = arith.addi %add3A_154, %add3A_168 : i32
      %lt3A = arith.constant 80 : i32
      %lt3A_170 = arith.cmpi slt, %add3A_169, %lt3A : i32
      %convert_element_type3A = arith.extui %lt3A_170 : i1 to i32
      %cond3A = arith.constant 0 : i32
      %cond3A_171 = arith.cmpi ne, %convert_element_type3A, %cond3A : i32
      scf.if %cond3A_171 {
        %add3A_197 = arith.constant 2 : i32
        %add3A_198 = arith.addi %add3A_154, %add3A_197 : i32
        %mul3A_199 = arith.constant 4000 : i32
        %mul3A_200 = arith.muli %add3A_198, %mul3A_199 : i32
        %dma_start3A_201 = arith.constant 0 : i32
        %dma_start3A_202 = arith.constant 0 : i32
        %dma_start3A_203 = tpu.memref_slice %arg7[%dma_start3A_201, %dma_start3A_202] : memref<2x4000xi32, #tpu.memory_space<vmem>> -> memref<1x4000xi32, #tpu.memory_space<vmem>>
        %dma_start3A_204 = tpu.memref_squeeze %dma_start3A_203 : memref<1x4000xi32, #tpu.memory_space<vmem>> -> memref<4000xi32, #tpu.memory_space<vmem>>
        %dma_start3A_205 = tpu.memref_slice %arg3[%mul3A_200] : memref<320000xi32, #tpu.memory_space<hbm>> -> memref<4000xi32, #tpu.memory_space<hbm>>
        %dma_start3A_206 = arith.constant 0 : i32
        %dma_start3A_207 = tpu.memref_slice %arg7[%dma_start3A_201, %dma_start3A_206] : memref<2x4000xi32, #tpu.memory_space<vmem>> -> memref<1x4000xi32, #tpu.memory_space<vmem>>
        %dma_start3A_208 = tpu.memref_squeeze %dma_start3A_207 : memref<1x4000xi32, #tpu.memory_space<vmem>> -> memref<4000xi32, #tpu.memory_space<vmem>>
        %dma_start3A_209 = tpu.memref_slice %arg3[%mul3A_200] : memref<320000xi32, #tpu.memory_space<hbm>> -> memref<4000xi32, #tpu.memory_space<hbm>>
        tpu.enqueue_dma source(%dma_start3A_209 : memref<4000xi32, #tpu.memory_space<hbm>>) target(%dma_start3A_208 : memref<4000xi32, #tpu.memory_space<vmem>>) target_semaphore(%arg8 : memref<!tpu.dma_semaphore, #tpu.memory_space<semaphore_mem>>)
      } else {
      }
      %mul3A_172 = arith.constant 2 : i32
      %mul3A_173 = arith.muli %mul3A_172, %scan3A_150 : i32
      %add3A_174 = arith.constant 1 : i32
      %add3A_175 = arith.addi %mul3A_173, %add3A_174 : i32
      %dma_wait3A_176 = arith.constant 1 : i32
      %dma_wait3A_177 = arith.constant 0 : i32
      %dma_wait3A_178 = tpu.memref_slice %arg7[%dma_wait3A_176, %dma_wait3A_177] : memref<2x4000xi32, #tpu.memory_space<vmem>> -> memref<1x4000xi32, #tpu.memory_space<vmem>>
      %dma_wait3A_179 = tpu.memref_squeeze %dma_wait3A_178 : memref<1x4000xi32, #tpu.memory_space<vmem>> -> memref<4000xi32, #tpu.memory_space<vmem>>
      %dma_wait3A_180 = arith.constant 0 : i32
      %dma_wait3A_181 = tpu.memref_slice %arg3[%dma_wait3A_180] : memref<320000xi32, #tpu.memory_space<hbm>> -> memref<4000xi32, #tpu.memory_space<hbm>>
      %dma_wait3A_182 = arith.constant 0 : i32
      %dma_wait3A_183 = tpu.memref_slice %arg7[%dma_wait3A_176, %dma_wait3A_182] : memref<2x4000xi32, #tpu.memory_space<vmem>> -> memref<1x4000xi32, #tpu.memory_space<vmem>>
      %dma_wait3A_184 = tpu.memref_squeeze %dma_wait3A_183 : memref<1x4000xi32, #tpu.memory_space<vmem>> -> memref<4000xi32, #tpu.memory_space<vmem>>
      %dma_wait3A_185 = arith.constant 0 : i32
      %dma_wait3A_186 = tpu.memref_slice %arg3[%dma_wait3A_185] : memref<320000xi32, #tpu.memory_space<hbm>> -> memref<4000xi32, #tpu.memory_space<hbm>>
      tpu.wait_dma2 semaphore(%arg9 : memref<!tpu.dma_semaphore, #tpu.memory_space<semaphore_mem>>) src(%dma_wait3A_186 : memref<4000xi32, #tpu.memory_space<hbm>>) dst(%dma_wait3A_184 : memref<4000xi32, #tpu.memory_space<vmem>>)
      %parallel_loop3A_187 = arith.constant 0 : i32
      %parallel_loop3A_188 = arith.constant 250 : i32
      %parallel_loop3A_189 = arith.constant 1 : i32
      scf.for %parallel_loop3A_197 = %parallel_loop3A_187 to %parallel_loop3A_188 step %parallel_loop3A_189  : i32 {
        %parallel_loop3A_198 = arith.constant 16 : i32
        %parallel_loop3A_199 = arith.muli %parallel_loop3A_197, %parallel_loop3A_198 : i32
        %parallel_loop3A_200 = arith.constant 1 : i32
        %parallel_loop3A_201 = arith.index_cast %parallel_loop3A_200 : i32 to index
        %parallel_loop3A_202 = arith.index_cast %parallel_loop3A_199 : i32 to index
        %parallel_loop3A_203 = tpu.vector_load %arg7[%parallel_loop3A_201, %parallel_loop3A_202] {strides = array<i32>} : memref<2x4000xi32, #tpu.memory_space<vmem>>, vector<16xi32>,
        %parallel_loop3A_204 = arith.constant 65535 : i32
        %parallel_loop3A_205 = vector.broadcast %parallel_loop3A_204 : i32 to vector<16xi32>
        %parallel_loop3A_206 = arith.andi %parallel_loop3A_203, %parallel_loop3A_205 : vector<16xi32>
        %parallel_loop3A_207 = arith.constant 16 : i32
        %parallel_loop3A_208 = vector.broadcast %parallel_loop3A_207 : i32 to vector<16xi32>
        %parallel_loop3A_209 = arith.shrui %parallel_loop3A_203, %parallel_loop3A_208 : vector<16xi32>
        %parallel_loop3A_210 = arith.constant 0 : i32
        %parallel_loop3A_211 = vector.broadcast %parallel_loop3A_210 : i32 to vector<16xi32>
        %parallel_loop3A_212 = arith.ori %parallel_loop3A_206, %parallel_loop3A_211 : vector<16xi32>
        %parallel_loop3A_213 = tpu.vector_load_idx %arg5[%parallel_loop3A_212] : memref<32768xi32, #tpu.memory_space<vmem>>[vector<16xi32>], vector<16xi32>,
        %parallel_loop3A_214 = arith.constant 16 : i32
        %parallel_loop3A_215 = vector.broadcast %parallel_loop3A_214 : i32 to vector<16xi32>
        %parallel_loop3A_216 = arith.shli %parallel_loop3A_213, %parallel_loop3A_215 : vector<16xi32>
        %parallel_loop3A_217 = vector.bitcast %parallel_loop3A_216 : vector<16xi32> to vector<16xf32>
        %parallel_loop3A_218 = arith.constant -65536 : i32
        %parallel_loop3A_219 = vector.broadcast %parallel_loop3A_218 : i32 to vector<16xi32>
        %parallel_loop3A_220 = arith.andi %parallel_loop3A_213, %parallel_loop3A_219 : vector<16xi32>
        %parallel_loop3A_221 = vector.bitcast %parallel_loop3A_220 : vector<16xi32> to vector<16xf32>
        %parallel_loop3A_222 = arith.constant 0 : i32
        %parallel_loop3A_223 = vector.broadcast %parallel_loop3A_222 : i32 to vector<16xi32>
        %parallel_loop3A_224 = arith.ori %parallel_loop3A_209, %parallel_loop3A_223 : vector<16xi32>
        tpu.vector_store_idx %arg6[%parallel_loop3A_224], %parallel_loop3A_217 {add = true} : memref<65536xf32, #tpu.memory_space<vmem>>[vector<16xi32>], vector<16xf32>,
        %parallel_loop3A_225 = arith.constant 32768 : i32
        %parallel_loop3A_226 = vector.broadcast %parallel_loop3A_225 : i32 to vector<16xi32>
        %parallel_loop3A_227 = arith.ori %parallel_loop3A_209, %parallel_loop3A_226 : vector<16xi32>
        tpu.vector_store_idx %arg6[%parallel_loop3A_227], %parallel_loop3A_221 {add = true} : memref<65536xf32, #tpu.memory_space<vmem>>[vector<16xi32>], vector<16xf32>,
        %parallel_loop3A_228 = arith.constant 16384 : i32
        %parallel_loop3A_229 = vector.broadcast %parallel_loop3A_228 : i32 to vector<16xi32>
        %parallel_loop3A_230 = arith.ori %parallel_loop3A_206, %parallel_loop3A_229 : vector<16xi32>
        %parallel_loop3A_231 = tpu.vector_load_idx %arg5[%parallel_loop3A_230] : memref<32768xi32, #tpu.memory_space<vmem>>[vector<16xi32>], vector<16xi32>,
        %parallel_loop3A_232 = arith.constant 16 : i32
        %parallel_loop3A_233 = vector.broadcast %parallel_loop3A_232 : i32 to vector<16xi32>
        %parallel_loop3A_234 = arith.shli %parallel_loop3A_231, %parallel_loop3A_233 : vector<16xi32>
        %parallel_loop3A_235 = vector.bitcast %parallel_loop3A_234 : vector<16xi32> to vector<16xf32>
        %parallel_loop3A_236 = arith.constant -65536 : i32
        %parallel_loop3A_237 = vector.broadcast %parallel_loop3A_236 : i32 to vector<16xi32>
        %parallel_loop3A_238 = arith.andi %parallel_loop3A_231, %parallel_loop3A_237 : vector<16xi32>
        %parallel_loop3A_239 = vector.bitcast %parallel_loop3A_238 : vector<16xi32> to vector<16xf32>
        %parallel_loop3A_240 = arith.constant 16384 : i32
        %parallel_loop3A_241 = vector.broadcast %parallel_loop3A_240 : i32 to vector<16xi32>
        %parallel_loop3A_242 = arith.ori %parallel_loop3A_209, %parallel_loop3A_241 : vector<16xi32>
        tpu.vector_store_idx %arg6[%parallel_loop3A_242], %parallel_loop3A_235 {add = true} : memref<65536xf32, #tpu.memory_space<vmem>>[vector<16xi32>], vector<16xf32>,
        %parallel_loop3A_243 = arith.constant 49152 : i32
        %parallel_loop3A_244 = vector.broadcast %parallel_loop3A_243 : i32 to vector<16xi32>
        %parallel_loop3A_245 = arith.ori %parallel_loop3A_209, %parallel_loop3A_244 : vector<16xi32>
        tpu.vector_store_idx %arg6[%parallel_loop3A_245], %parallel_loop3A_239 {add = true} : memref<65536xf32, #tpu.memory_space<vmem>>[vector<16xi32>], vector<16xf32>,
      } {sc.loop_unroll_factor = 5 : i64, sc.parallel_access}
      %add3A_190 = arith.constant 2 : i32
      %add3A_191 = arith.addi %add3A_175, %add3A_190 : i32
      %lt3A_192 = arith.constant 80 : i32
      %lt3A_193 = arith.cmpi slt, %add3A_191, %lt3A_192 : i32
      %convert_element_type3A_194 = arith.extui %lt3A_193 : i1 to i32
      %cond3A_195 = arith.constant 0 : i32
      %cond3A_196 = arith.cmpi ne, %convert_element_type3A_194, %cond3A_195 : i32
      scf.if %cond3A_196 {
        %add3A_197 = arith.constant 2 : i32
        %add3A_198 = arith.addi %add3A_175, %add3A_197 : i32
        %mul3A_199 = arith.constant 4000 : i32
        %mul3A_200 = arith.muli %add3A_198, %mul3A_199 : i32
        %dma_start3A_201 = arith.constant 1 : i32
        %dma_start3A_202 = arith.constant 0 : i32
        %dma_start3A_203 = tpu.memref_slice %arg7[%dma_start3A_201, %dma_start3A_202] : memref<2x4000xi32, #tpu.memory_space<vmem>> -> memref<1x4000xi32, #tpu.memory_space<vmem>>
        %dma_start3A_204 = tpu.memref_squeeze %dma_start3A_203 : memref<1x4000xi32, #tpu.memory_space<vmem>> -> memref<4000xi32, #tpu.memory_space<vmem>>
        %dma_start3A_205 = tpu.memref_slice %arg3[%mul3A_200] : memref<320000xi32, #tpu.memory_space<hbm>> -> memref<4000xi32, #tpu.memory_space<hbm>>
        %dma_start3A_206 = arith.constant 0 : i32
        %dma_start3A_207 = tpu.memref_slice %arg7[%dma_start3A_201, %dma_start3A_206] : memref<2x4000xi32, #tpu.memory_space<vmem>> -> memref<1x4000xi32, #tpu.memory_space<vmem>>
        %dma_start3A_208 = tpu.memref_squeeze %dma_start3A_207 : memref<1x4000xi32, #tpu.memory_space<vmem>> -> memref<4000xi32, #tpu.memory_space<vmem>>
        %dma_start3A_209 = tpu.memref_slice %arg3[%mul3A_200] : memref<320000xi32, #tpu.memory_space<hbm>> -> memref<4000xi32, #tpu.memory_space<hbm>>
        tpu.enqueue_dma source(%dma_start3A_209 : memref<4000xi32, #tpu.memory_space<hbm>>) target(%dma_start3A_208 : memref<4000xi32, #tpu.memory_space<vmem>>) target_semaphore(%arg9 : memref<!tpu.dma_semaphore, #tpu.memory_space<semaphore_mem>>)
      } else {
      }
    }
    %scan3A_121 = arith.constant 40 : i32
    %mul3A_122 = arith.constant 2 : i32
    %mul3A_123 = arith.muli %add3A, %mul3A_122 : i32
    %add3A_124 = arith.constant 0 : i32
    %add3A_125 = arith.addi %mul3A_123, %add3A_124 : i32
    %mul3A_126 = arith.constant 10000 : i32
    %mul3A_127 = arith.muli %add3A_125, %mul3A_126 : i32
    "tpu.region"() ({
      %run_scoped3A = tpu.sem_alloc : memref<!tpu.dma_semaphore, #tpu.memory_space<semaphore_mem>>
      %dma_start3A_150 = arith.constant 0 : i32
      %dma_start3A_151 = tpu.memref_slice %arg6[%dma_start3A_150] : memref<65536xf32, #tpu.memory_space<vmem>> -> memref<10000xf32, #tpu.memory_space<vmem>>
      %dma_start3A_152 = tpu.memref_slice %arg4[%mul3A_127] : memref<1280000xf32, #tpu.memory_space<hbm>> -> memref<10000xf32, #tpu.memory_space<hbm>>
      %dma_start3A_153 = tpu.memref_slice %arg4[%mul3A_127] : memref<1280000xf32, #tpu.memory_space<hbm>> -> memref<10000xf32, #tpu.memory_space<hbm>>
      %dma_start3A_154 = arith.constant 0 : i32
      %dma_start3A_155 = tpu.memref_slice %arg6[%dma_start3A_154] : memref<65536xf32, #tpu.memory_space<vmem>> -> memref<10000xf32, #tpu.memory_space<vmem>>
      tpu.enqueue_dma source(%dma_start3A_155 : memref<10000xf32, #tpu.memory_space<vmem>>) target(%dma_start3A_153 : memref<10000xf32, #tpu.memory_space<hbm>>) target_semaphore(%run_scoped3A : memref<!tpu.dma_semaphore, #tpu.memory_space<semaphore_mem>>)
      %dma_wait3A_156 = arith.constant 0 : i32
      %dma_wait3A_157 = tpu.memref_slice %arg6[%dma_wait3A_156] : memref<65536xf32, #tpu.memory_space<vmem>> -> memref<10000xf32, #tpu.memory_space<vmem>>
      %dma_wait3A_158 = tpu.memref_slice %arg4[%mul3A_127] : memref<1280000xf32, #tpu.memory_space<hbm>> -> memref<10000xf32, #tpu.memory_space<hbm>>
      %dma_wait3A_159 = tpu.memref_slice %arg4[%mul3A_127] : memref<1280000xf32, #tpu.memory_space<hbm>> -> memref<10000xf32, #tpu.memory_space<hbm>>
      %dma_wait3A_160 = arith.constant 0 : i32
      %dma_wait3A_161 = tpu.memref_slice %arg6[%dma_wait3A_160] : memref<65536xf32, #tpu.memory_space<vmem>> -> memref<10000xf32, #tpu.memory_space<vmem>>
      tpu.wait_dma2 semaphore(%run_scoped3A : memref<!tpu.dma_semaphore, #tpu.memory_space<semaphore_mem>>) src(%dma_wait3A_161 : memref<10000xf32, #tpu.memory_space<vmem>>) dst(%dma_wait3A_159 : memref<10000xf32, #tpu.memory_space<hbm>>)
      tpu.yield
    }) : () -> ()
    %mul3A_128 = arith.constant 2 : i32
    %mul3A_129 = arith.muli %add3A, %mul3A_128 : i32
    %add3A_130 = arith.constant 1 : i32
    %add3A_131 = arith.addi %mul3A_129, %add3A_130 : i32
    %mul3A_132 = arith.constant 10000 : i32
    %mul3A_133 = arith.muli %add3A_131, %mul3A_132 : i32
    "tpu.region"() ({
      %run_scoped3A = tpu.sem_alloc : memref<!tpu.dma_semaphore, #tpu.memory_space<semaphore_mem>>
      %dma_start3A_150 = arith.constant 16384 : i32
      %dma_start3A_151 = tpu.memref_slice %arg6[%dma_start3A_150] : memref<65536xf32, #tpu.memory_space<vmem>> -> memref<10000xf32, #tpu.memory_space<vmem>>
      %dma_start3A_152 = tpu.memref_slice %arg4[%mul3A_133] : memref<1280000xf32, #tpu.memory_space<hbm>> -> memref<10000xf32, #tpu.memory_space<hbm>>
      %dma_start3A_153 = tpu.memref_slice %arg4[%mul3A_133] : memref<1280000xf32, #tpu.memory_space<hbm>> -> memref<10000xf32, #tpu.memory_space<hbm>>
      %dma_start3A_154 = arith.constant 16384 : i32
      %dma_start3A_155 = tpu.memref_slice %arg6[%dma_start3A_154] : memref<65536xf32, #tpu.memory_space<vmem>> -> memref<10000xf32, #tpu.memory_space<vmem>>
      tpu.enqueue_dma source(%dma_start3A_155 : memref<10000xf32, #tpu.memory_space<vmem>>) target(%dma_start3A_153 : memref<10000xf32, #tpu.memory_space<hbm>>) target_semaphore(%run_scoped3A : memref<!tpu.dma_semaphore, #tpu.memory_space<semaphore_mem>>)
      %dma_wait3A_156 = arith.constant 16384 : i32
      %dma_wait3A_157 = tpu.memref_slice %arg6[%dma_wait3A_156] : memref<65536xf32, #tpu.memory_space<vmem>> -> memref<10000xf32, #tpu.memory_space<vmem>>
      %dma_wait3A_158 = tpu.memref_slice %arg4[%mul3A_133] : memref<1280000xf32, #tpu.memory_space<hbm>> -> memref<10000xf32, #tpu.memory_space<hbm>>
      %dma_wait3A_159 = tpu.memref_slice %arg4[%mul3A_133] : memref<1280000xf32, #tpu.memory_space<hbm>> -> memref<10000xf32, #tpu.memory_space<hbm>>
      %dma_wait3A_160 = arith.constant 16384 : i32
      %dma_wait3A_161 = tpu.memref_slice %arg6[%dma_wait3A_160] : memref<65536xf32, #tpu.memory_space<vmem>> -> memref<10000xf32, #tpu.memory_space<vmem>>
      tpu.wait_dma2 semaphore(%run_scoped3A : memref<!tpu.dma_semaphore, #tpu.memory_space<semaphore_mem>>) src(%dma_wait3A_161 : memref<10000xf32, #tpu.memory_space<vmem>>) dst(%dma_wait3A_159 : memref<10000xf32, #tpu.memory_space<hbm>>)
      tpu.yield
    }) : () -> ()
    %mul3A_134 = arith.constant 2 : i32
    %mul3A_135 = arith.muli %add3A, %mul3A_134 : i32
    %add3A_136 = arith.constant 64 : i32
    %add3A_137 = arith.addi %add3A_136, %mul3A_135 : i32
    %add3A_138 = arith.constant 0 : i32
    %add3A_139 = arith.addi %add3A_137, %add3A_138 : i32
    %mul3A_140 = arith.constant 10000 : i32
    %mul3A_141 = arith.muli %add3A_139, %mul3A_140 : i32
    "tpu.region"() ({
      %run_scoped3A = tpu.sem_alloc : memref<!tpu.dma_semaphore, #tpu.memory_space<semaphore_mem>>
      %dma_start3A_150 = arith.constant 32768 : i32
      %dma_start3A_151 = tpu.memref_slice %arg6[%dma_start3A_150] : memref<65536xf32, #tpu.memory_space<vmem>> -> memref<10000xf32, #tpu.memory_space<vmem>>
      %dma_start3A_152 = tpu.memref_slice %arg4[%mul3A_141] : memref<1280000xf32, #tpu.memory_space<hbm>> -> memref<10000xf32, #tpu.memory_space<hbm>>
      %dma_start3A_153 = tpu.memref_slice %arg4[%mul3A_141] : memref<1280000xf32, #tpu.memory_space<hbm>> -> memref<10000xf32, #tpu.memory_space<hbm>>
      %dma_start3A_154 = arith.constant 32768 : i32
      %dma_start3A_155 = tpu.memref_slice %arg6[%dma_start3A_154] : memref<65536xf32, #tpu.memory_space<vmem>> -> memref<10000xf32, #tpu.memory_space<vmem>>
      tpu.enqueue_dma source(%dma_start3A_155 : memref<10000xf32, #tpu.memory_space<vmem>>) target(%dma_start3A_153 : memref<10000xf32, #tpu.memory_space<hbm>>) target_semaphore(%run_scoped3A : memref<!tpu.dma_semaphore, #tpu.memory_space<semaphore_mem>>)
      %dma_wait3A_156 = arith.constant 32768 : i32
      %dma_wait3A_157 = tpu.memref_slice %arg6[%dma_wait3A_156] : memref<65536xf32, #tpu.memory_space<vmem>> -> memref<10000xf32, #tpu.memory_space<vmem>>
      %dma_wait3A_158 = tpu.memref_slice %arg4[%mul3A_141] : memref<1280000xf32, #tpu.memory_space<hbm>> -> memref<10000xf32, #tpu.memory_space<hbm>>
      %dma_wait3A_159 = tpu.memref_slice %arg4[%mul3A_141] : memref<1280000xf32, #tpu.memory_space<hbm>> -> memref<10000xf32, #tpu.memory_space<hbm>>
      %dma_wait3A_160 = arith.constant 32768 : i32
      %dma_wait3A_161 = tpu.memref_slice %arg6[%dma_wait3A_160] : memref<65536xf32, #tpu.memory_space<vmem>> -> memref<10000xf32, #tpu.memory_space<vmem>>
      tpu.wait_dma2 semaphore(%run_scoped3A : memref<!tpu.dma_semaphore, #tpu.memory_space<semaphore_mem>>) src(%dma_wait3A_161 : memref<10000xf32, #tpu.memory_space<vmem>>) dst(%dma_wait3A_159 : memref<10000xf32, #tpu.memory_space<hbm>>)
      tpu.yield
    }) : () -> ()
    %mul3A_142 = arith.constant 2 : i32
    %mul3A_143 = arith.muli %add3A, %mul3A_142 : i32
    %add3A_144 = arith.constant 64 : i32
    %add3A_145 = arith.addi %add3A_144, %mul3A_143 : i32
    %add3A_146 = arith.constant 1 : i32
    %add3A_147 = arith.addi %add3A_145, %add3A_146 : i32
    %mul3A_148 = arith.constant 10000 : i32
    %mul3A_149 = arith.muli %add3A_147, %mul3A_148 : i32
    "tpu.region"() ({
      %run_scoped3A = tpu.sem_alloc : memref<!tpu.dma_semaphore, #tpu.memory_space<semaphore_mem>>
      %dma_start3A_150 = arith.constant 49152 : i32
      %dma_start3A_151 = tpu.memref_slice %arg6[%dma_start3A_150] : memref<65536xf32, #tpu.memory_space<vmem>> -> memref<10000xf32, #tpu.memory_space<vmem>>
      %dma_start3A_152 = tpu.memref_slice %arg4[%mul3A_149] : memref<1280000xf32, #tpu.memory_space<hbm>> -> memref<10000xf32, #tpu.memory_space<hbm>>
      %dma_start3A_153 = tpu.memref_slice %arg4[%mul3A_149] : memref<1280000xf32, #tpu.memory_space<hbm>> -> memref<10000xf32, #tpu.memory_space<hbm>>
      %dma_start3A_154 = arith.constant 49152 : i32
      %dma_start3A_155 = tpu.memref_slice %arg6[%dma_start3A_154] : memref<65536xf32, #tpu.memory_space<vmem>> -> memref<10000xf32, #tpu.memory_space<vmem>>
      tpu.enqueue_dma source(%dma_start3A_155 : memref<10000xf32, #tpu.memory_space<vmem>>) target(%dma_start3A_153 : memref<10000xf32, #tpu.memory_space<hbm>>) target_semaphore(%run_scoped3A : memref<!tpu.dma_semaphore, #tpu.memory_space<semaphore_mem>>)
      %dma_wait3A_156 = arith.constant 49152 : i32
      %dma_wait3A_157 = tpu.memref_slice %arg6[%dma_wait3A_156] : memref<65536xf32, #tpu.memory_space<vmem>> -> memref<10000xf32, #tpu.memory_space<vmem>>
      %dma_wait3A_158 = tpu.memref_slice %arg4[%mul3A_149] : memref<1280000xf32, #tpu.memory_space<hbm>> -> memref<10000xf32, #tpu.memory_space<hbm>>
      %dma_wait3A_159 = tpu.memref_slice %arg4[%mul3A_149] : memref<1280000xf32, #tpu.memory_space<hbm>> -> memref<10000xf32, #tpu.memory_space<hbm>>
      %dma_wait3A_160 = arith.constant 49152 : i32
      %dma_wait3A_161 = tpu.memref_slice %arg6[%dma_wait3A_160] : memref<65536xf32, #tpu.memory_space<vmem>> -> memref<10000xf32, #tpu.memory_space<vmem>>
      tpu.wait_dma2 semaphore(%run_scoped3A : memref<!tpu.dma_semaphore, #tpu.memory_space<semaphore_mem>>) src(%dma_wait3A_161 : memref<10000xf32, #tpu.memory_space<vmem>>) dst(%dma_wait3A_159 : memref<10000xf32, #tpu.memory_space<hbm>>)
      tpu.yield
    }) : () -> ()
    return
  }
}

#map = affine_map<(d0, d1) -> (0)>
module attributes {stable_mosaic.version = 14 : i64} {
  func.func @segsum(%arg0: i32, %arg1: i32, %arg2: memref<640000xi32, #tpu.memory_space<hbm>>, %arg3: memref<320000xi32, #tpu.memory_space<hbm>>, %arg4: memref<1280000xf32, #tpu.memory_space<hbm>>, %arg5: memref<32768xi32, #tpu.memory_space<vmem>>, %arg6: memref<65536xf32, #tpu.memory_space<vmem>>, %arg7: memref<2x4000xi32, #tpu.memory_space<vmem>>, %arg8: memref<!tpu.dma_semaphore, #tpu.memory_space<semaphore_mem>>, %arg9: memref<!tpu.dma_semaphore, #tpu.memory_space<semaphore_mem>>, %arg10: memref<!tpu.dma_semaphore, #tpu.memory_space<semaphore_mem>>) attributes {dimension_semantics = [#tpu.dimension_semantics<core_parallel>, #tpu.dimension_semantics<subcore_parallel>], iteration_bounds = array<i64: 2, 16>, scalar_prefetch = 0 : i64, scratch_operands = 6 : i64, tpu.core_type = #tpu.core_type<sc_vector_subcore>, window_params = [{transform_indices = #map}, {transform_indices = #map}, {transform_indices = #map}]} {
    %mul3A = arith.constant 2 : i32
    %mul3A_0 = arith.muli %arg1, %mul3A : i32
    %add3A = arith.addi %mul3A_0, %arg0 : i32
    %mul3A_1 = arith.constant 4 : i32
    %mul3A_2 = arith.muli %add3A, %mul3A_1 : i32
    %mul3A_3 = arith.constant 10000 : i32
    %mul3A_4 = arith.muli %mul3A_2, %mul3A_3 : i32
    %mul3A_5 = arith.constant 2 : i32
    %mul3A_6 = arith.muli %add3A, %mul3A_5 : i32
    %add3A_7 = arith.constant 0 : i32
    %add3A_8 = arith.addi %mul3A_6, %add3A_7 : i32
    %mul3A_9 = arith.constant 10000 : i32
    %mul3A_10 = arith.muli %add3A_8, %mul3A_9 : i32
    %mul3A_11 = arith.constant 2 : i32
    %mul3A_12 = arith.muli %add3A, %mul3A_11 : i32
    %add3A_13 = arith.constant 1 : i32
    %add3A_14 = arith.addi %mul3A_12, %add3A_13 : i32
    %mul3A_15 = arith.constant 10000 : i32
    %mul3A_16 = arith.muli %add3A_14, %mul3A_15 : i32
    %dma_start3A = arith.constant 0 : i32
    %dma_start3A_17 = tpu.memref_slice %arg5[%dma_start3A] : memref<32768xi32, #tpu.memory_space<vmem>> -> memref<10000xi32, #tpu.memory_space<vmem>>
    %dma_start3A_18 = tpu.memref_slice %arg2[%mul3A_10] : memref<640000xi32, #tpu.memory_space<hbm>> -> memref<10000xi32, #tpu.memory_space<hbm>>
    %dma_start3A_19 = arith.constant 0 : i32
    %dma_start3A_20 = tpu.memref_slice %arg5[%dma_start3A_19] : memref<32768xi32, #tpu.memory_space<vmem>> -> memref<10000xi32, #tpu.memory_space<vmem>>
    %dma_start3A_21 = tpu.memref_slice %arg2[%mul3A_10] : memref<640000xi32, #tpu.memory_space<hbm>> -> memref<10000xi32, #tpu.memory_space<hbm>>
    tpu.enqueue_dma source(%dma_start3A_21 : memref<10000xi32, #tpu.memory_space<hbm>>) target(%dma_start3A_20 : memref<10000xi32, #tpu.memory_space<vmem>>) target_semaphore(%arg10 : memref<!tpu.dma_semaphore, #tpu.memory_space<semaphore_mem>>)
    %dma_start3A_22 = arith.constant 16384 : i32
    %dma_start3A_23 = tpu.memref_slice %arg5[%dma_start3A_22] : memref<32768xi32, #tpu.memory_space<vmem>> -> memref<10000xi32, #tpu.memory_space<vmem>>
    %dma_start3A_24 = tpu.memref_slice %arg2[%mul3A_16] : memref<640000xi32, #tpu.memory_space<hbm>> -> memref<10000xi32, #tpu.memory_space<hbm>>
    %dma_start3A_25 = arith.constant 16384 : i32
    %dma_start3A_26 = tpu.memref_slice %arg5[%dma_start3A_25] : memref<32768xi32, #tpu.memory_space<vmem>> -> memref<10000xi32, #tpu.memory_space<vmem>>
    %dma_start3A_27 = tpu.memref_slice %arg2[%mul3A_16] : memref<640000xi32, #tpu.memory_space<hbm>> -> memref<10000xi32, #tpu.memory_space<hbm>>
    tpu.enqueue_dma source(%dma_start3A_27 : memref<10000xi32, #tpu.memory_space<hbm>>) target(%dma_start3A_26 : memref<10000xi32, #tpu.memory_space<vmem>>) target_semaphore(%arg10 : memref<!tpu.dma_semaphore, #tpu.memory_space<semaphore_mem>>)
    %dma_start3A_28 = arith.constant 0 : i32
    %dma_start3A_29 = arith.constant 0 : i32
    %dma_start3A_30 = tpu.memref_slice %arg7[%dma_start3A_28, %dma_start3A_29] : memref<2x4000xi32, #tpu.memory_space<vmem>> -> memref<1x4000xi32, #tpu.memory_space<vmem>>
    %dma_start3A_31 = tpu.memref_squeeze %dma_start3A_30 : memref<1x4000xi32, #tpu.memory_space<vmem>> -> memref<4000xi32, #tpu.memory_space<vmem>>
    %dma_start3A_32 = arith.constant 0 : i32
    %dma_start3A_33 = tpu.memref_slice %arg3[%dma_start3A_32] : memref<320000xi32, #tpu.memory_space<hbm>> -> memref<4000xi32, #tpu.memory_space<hbm>>
    %dma_start3A_34 = arith.constant 0 : i32
    %dma_start3A_35 = tpu.memref_slice %arg7[%dma_start3A_28, %dma_start3A_34] : memref<2x4000xi32, #tpu.memory_space<vmem>> -> memref<1x4000xi32, #tpu.memory_space<vmem>>
    %dma_start3A_36 = tpu.memref_squeeze %dma_start3A_35 : memref<1x4000xi32, #tpu.memory_space<vmem>> -> memref<4000xi32, #tpu.memory_space<vmem>>
    %dma_start3A_37 = arith.constant 0 : i32
    %dma_start3A_38 = tpu.memref_slice %arg3[%dma_start3A_37] : memref<320000xi32, #tpu.memory_space<hbm>> -> memref<4000xi32, #tpu.memory_space<hbm>>
    tpu.enqueue_dma source(%dma_start3A_38 : memref<4000xi32, #tpu.memory_space<hbm>>) target(%dma_start3A_36 : memref<4000xi32, #tpu.memory_space<vmem>>) target_semaphore(%arg8 : memref<!tpu.dma_semaphore, #tpu.memory_space<semaphore_mem>>)
    %dma_start3A_39 = arith.constant 1 : i32
    %dma_start3A_40 = arith.constant 0 : i32
    %dma_start3A_41 = tpu.memref_slice %arg7[%dma_start3A_39, %dma_start3A_40] : memref<2x4000xi32, #tpu.memory_space<vmem>> -> memref<1x4000xi32, #tpu.memory_space<vmem>>
    %dma_start3A_42 = tpu.memref_squeeze %dma_start3A_41 : memref<1x4000xi32, #tpu.memory_space<vmem>> -> memref<4000xi32, #tpu.memory_space<vmem>>
    %dma_start3A_43 = arith.constant 4000 : i32
    %dma_start3A_44 = tpu.memref_slice %arg3[%dma_start3A_43] : memref<320000xi32, #tpu.memory_space<hbm>> -> memref<4000xi32, #tpu.memory_space<hbm>>
    %dma_start3A_45 = arith.constant 0 : i32
    %dma_start3A_46 = tpu.memref_slice %arg7[%dma_start3A_39, %dma_start3A_45] : memref<2x4000xi32, #tpu.memory_space<vmem>> -> memref<1x4000xi32, #tpu.memory_space<vmem>>
    %dma_start3A_47 = tpu.memref_squeeze %dma_start3A_46 : memref<1x4000xi32, #tpu.memory_space<vmem>> -> memref<4000xi32, #tpu.memory_space<vmem>>
    %dma_start3A_48 = arith.constant 4000 : i32
    %dma_start3A_49 = tpu.memref_slice %arg3[%dma_start3A_48] : memref<320000xi32, #tpu.memory_space<hbm>> -> memref<4000xi32, #tpu.memory_space<hbm>>
    tpu.enqueue_dma source(%dma_start3A_49 : memref<4000xi32, #tpu.memory_space<hbm>>) target(%dma_start3A_47 : memref<4000xi32, #tpu.memory_space<vmem>>) target_semaphore(%arg9 : memref<!tpu.dma_semaphore, #tpu.memory_space<semaphore_mem>>)
    %broadcast_in_dim3A = arith.constant 0.000000e+00 : f32
    %broadcast_in_dim3A_50 = vector.broadcast %broadcast_in_dim3A : f32 to vector<16xf32>
    %scan3A = arith.constant 0 : i32
    %scan3A_51 = arith.constant 0 : i32
    %scan3A_52 = arith.constant 624 : i32
    %scan3A_53 = arith.addi %scan3A_51, %scan3A_52 : i32
    %scan3A_54 = arith.constant 8 : i32
    scf.for %scan3A_150 = %scan3A_51 to %scan3A_53 step %scan3A_54  : i32 {
      %mul3A_151 = arith.constant 16 : i32
      %mul3A_152 = arith.muli %scan3A_150, %mul3A_151 : i32
      %add3A_153 = arith.constant 0 : i32
      %add3A_154 = arith.addi %add3A_153, %mul3A_152 : i32
      %swap3A_155 = arith.index_cast %add3A_154 : i32 to index
      %swap3A_156 = tpu.vector_load %arg6[%swap3A_155] {strides = array<i32>} : memref<65536xf32, #tpu.memory_space<vmem>>, vector<16xf32>,
      tpu.vector_store %arg6[%swap3A_155], %broadcast_in_dim3A_50 {strides = array<i32>} : memref<65536xf32, #tpu.memory_space<vmem>>, vector<16xf32>,
      %scan3A_157 = arith.constant 1 : i32
      %scan3A_158 = arith.addi %scan3A_150, %scan3A_157 : i32
      %mul3A_159 = arith.constant 16 : i32
      %mul3A_160 = arith.muli %scan3A_158, %mul3A_159 : i32
      %add3A_161 = arith.constant 0 : i32
      %add3A_162 = arith.addi %add3A_161, %mul3A_160 : i32
      %swap3A_163 = arith.index_cast %add3A_162 : i32 to index
      %swap3A_164 = tpu.vector_load %arg6[%swap3A_163] {strides = array<i32>} : memref<65536xf32, #tpu.memory_space<vmem>>, vector<16xf32>,
      tpu.vector_store %arg6[%swap3A_163], %broadcast_in_dim3A_50 {strides = array<i32>} : memref<65536xf32, #tpu.memory_space<vmem>>, vector<16xf32>,
      %scan3A_165 = arith.constant 2 : i32
      %scan3A_166 = arith.addi %scan3A_150, %scan3A_165 : i32
      %mul3A_167 = arith.constant 16 : i32
      %mul3A_168 = arith.muli %scan3A_166, %mul3A_167 : i32
      %add3A_169 = arith.constant 0 : i32
      %add3A_170 = arith.addi %add3A_169, %mul3A_168 : i32
      %swap3A_171 = arith.index_cast %add3A_170 : i32 to index
      %swap3A_172 = tpu.vector_load %arg6[%swap3A_171] {strides = array<i32>} : memref<65536xf32, #tpu.memory_space<vmem>>, vector<16xf32>,
      tpu.vector_store %arg6[%swap3A_171], %broadcast_in_dim3A_50 {strides = array<i32>} : memref<65536xf32, #tpu.memory_space<vmem>>, vector<16xf32>,
      %scan3A_173 = arith.constant 3 : i32
      %scan3A_174 = arith.addi %scan3A_150, %scan3A_173 : i32
      %mul3A_175 = arith.constant 16 : i32
      %mul3A_176 = arith.muli %scan3A_174, %mul3A_175 : i32
      %add3A_177 = arith.constant 0 : i32
      %add3A_178 = arith.addi %add3A_177, %mul3A_176 : i32
      %swap3A_179 = arith.index_cast %add3A_178 : i32 to index
      %swap3A_180 = tpu.vector_load %arg6[%swap3A_179] {strides = array<i32>} : memref<65536xf32, #tpu.memory_space<vmem>>, vector<16xf32>,
      tpu.vector_store %arg6[%swap3A_179], %broadcast_in_dim3A_50 {strides = array<i32>} : memref<65536xf32, #tpu.memory_space<vmem>>, vector<16xf32>,
      %scan3A_181 = arith.constant 4 : i32
      %scan3A_182 = arith.addi %scan3A_150, %scan3A_181 : i32
      %mul3A_183 = arith.constant 16 : i32
      %mul3A_184 = arith.muli %scan3A_182, %mul3A_183 : i32
      %add3A_185 = arith.constant 0 : i32
      %add3A_186 = arith.addi %add3A_185, %mul3A_184 : i32
      %swap3A_187 = arith.index_cast %add3A_186 : i32 to index
      %swap3A_188 = tpu.vector_load %arg6[%swap3A_187] {strides = array<i32>} : memref<65536xf32, #tpu.memory_space<vmem>>, vector<16xf32>,
      tpu.vector_store %arg6[%swap3A_187], %broadcast_in_dim3A_50 {strides = array<i32>} : memref<65536xf32, #tpu.memory_space<vmem>>, vector<16xf32>,
      %scan3A_189 = arith.constant 5 : i32
      %scan3A_190 = arith.addi %scan3A_150, %scan3A_189 : i32
      %mul3A_191 = arith.constant 16 : i32
      %mul3A_192 = arith.muli %scan3A_190, %mul3A_191 : i32
      %add3A_193 = arith.constant 0 : i32
      %add3A_194 = arith.addi %add3A_193, %mul3A_192 : i32
      %swap3A_195 = arith.index_cast %add3A_194 : i32 to index
      %swap3A_196 = tpu.vector_load %arg6[%swap3A_195] {strides = array<i32>} : memref<65536xf32, #tpu.memory_space<vmem>>, vector<16xf32>,
      tpu.vector_store %arg6[%swap3A_195], %broadcast_in_dim3A_50 {strides = array<i32>} : memref<65536xf32, #tpu.memory_space<vmem>>, vector<16xf32>,
      %scan3A_197 = arith.constant 6 : i32
      %scan3A_198 = arith.addi %scan3A_150, %scan3A_197 : i32
      %mul3A_199 = arith.constant 16 : i32
      %mul3A_200 = arith.muli %scan3A_198, %mul3A_199 : i32
      %add3A_201 = arith.constant 0 : i32
      %add3A_202 = arith.addi %add3A_201, %mul3A_200 : i32
      %swap3A_203 = arith.index_cast %add3A_202 : i32 to index
      %swap3A_204 = tpu.vector_load %arg6[%swap3A_203] {strides = array<i32>} : memref<65536xf32, #tpu.memory_space<vmem>>, vector<16xf32>,
      tpu.vector_store %arg6[%swap3A_203], %broadcast_in_dim3A_50 {strides = array<i32>} : memref<65536xf32, #tpu.memory_space<vmem>>, vector<16xf32>,
      %scan3A_205 = arith.constant 7 : i32
      %scan3A_206 = arith.addi %scan3A_150, %scan3A_205 : i32
      %mul3A_207 = arith.constant 16 : i32
      %mul3A_208 = arith.muli %scan3A_206, %mul3A_207 : i32
      %add3A_209 = arith.constant 0 : i32
      %add3A_210 = arith.addi %add3A_209, %mul3A_208 : i32
      %swap3A_211 = arith.index_cast %add3A_210 : i32 to index
      %swap3A_212 = tpu.vector_load %arg6[%swap3A_211] {strides = array<i32>} : memref<65536xf32, #tpu.memory_space<vmem>>, vector<16xf32>,
      tpu.vector_store %arg6[%swap3A_211], %broadcast_in_dim3A_50 {strides = array<i32>} : memref<65536xf32, #tpu.memory_space<vmem>>, vector<16xf32>,
    }
    %scan3A_55 = arith.constant 624 : i32
    %scan3A_56 = arith.addi %scan3A_51, %scan3A_55 : i32
    %mul3A_57 = arith.constant 16 : i32
    %mul3A_58 = arith.muli %scan3A_56, %mul3A_57 : i32
    %add3A_59 = arith.constant 0 : i32
    %add3A_60 = arith.addi %add3A_59, %mul3A_58 : i32
    %swap3A = arith.index_cast %add3A_60 : i32 to index
    %swap3A_61 = tpu.vector_load %arg6[%swap3A] {strides = array<i32>} : memref<65536xf32, #tpu.memory_space<vmem>>, vector<16xf32>,
    tpu.vector_store %arg6[%swap3A], %broadcast_in_dim3A_50 {strides = array<i32>} : memref<65536xf32, #tpu.memory_space<vmem>>, vector<16xf32>,
    %scan3A_62 = arith.constant 625 : i32
    %scan3A_63 = arith.constant 0 : i32
    %scan3A_64 = arith.constant 0 : i32
    %scan3A_65 = arith.constant 624 : i32
    %scan3A_66 = arith.addi %scan3A_64, %scan3A_65 : i32
    %scan3A_67 = arith.constant 8 : i32
    scf.for %scan3A_150 = %scan3A_64 to %scan3A_66 step %scan3A_67  : i32 {
      %mul3A_151 = arith.constant 16 : i32
      %mul3A_152 = arith.muli %scan3A_150, %mul3A_151 : i32
      %add3A_153 = arith.constant 16384 : i32
      %add3A_154 = arith.addi %add3A_153, %mul3A_152 : i32
      %swap3A_155 = arith.index_cast %add3A_154 : i32 to index
      %swap3A_156 = tpu.vector_load %arg6[%swap3A_155] {strides = array<i32>} : memref<65536xf32, #tpu.memory_space<vmem>>, vector<16xf32>,
      tpu.vector_store %arg6[%swap3A_155], %broadcast_in_dim3A_50 {strides = array<i32>} : memref<65536xf32, #tpu.memory_space<vmem>>, vector<16xf32>,
      %scan3A_157 = arith.constant 1 : i32
      %scan3A_158 = arith.addi %scan3A_150, %scan3A_157 : i32
      %mul3A_159 = arith.constant 16 : i32
      %mul3A_160 = arith.muli %scan3A_158, %mul3A_159 : i32
      %add3A_161 = arith.constant 16384 : i32
      %add3A_162 = arith.addi %add3A_161, %mul3A_160 : i32
      %swap3A_163 = arith.index_cast %add3A_162 : i32 to index
      %swap3A_164 = tpu.vector_load %arg6[%swap3A_163] {strides = array<i32>} : memref<65536xf32, #tpu.memory_space<vmem>>, vector<16xf32>,
      tpu.vector_store %arg6[%swap3A_163], %broadcast_in_dim3A_50 {strides = array<i32>} : memref<65536xf32, #tpu.memory_space<vmem>>, vector<16xf32>,
      %scan3A_165 = arith.constant 2 : i32
      %scan3A_166 = arith.addi %scan3A_150, %scan3A_165 : i32
      %mul3A_167 = arith.constant 16 : i32
      %mul3A_168 = arith.muli %scan3A_166, %mul3A_167 : i32
      %add3A_169 = arith.constant 16384 : i32
      %add3A_170 = arith.addi %add3A_169, %mul3A_168 : i32
      %swap3A_171 = arith.index_cast %add3A_170 : i32 to index
      %swap3A_172 = tpu.vector_load %arg6[%swap3A_171] {strides = array<i32>} : memref<65536xf32, #tpu.memory_space<vmem>>, vector<16xf32>,
      tpu.vector_store %arg6[%swap3A_171], %broadcast_in_dim3A_50 {strides = array<i32>} : memref<65536xf32, #tpu.memory_space<vmem>>, vector<16xf32>,
      %scan3A_173 = arith.constant 3 : i32
      %scan3A_174 = arith.addi %scan3A_150, %scan3A_173 : i32
      %mul3A_175 = arith.constant 16 : i32
      %mul3A_176 = arith.muli %scan3A_174, %mul3A_175 : i32
      %add3A_177 = arith.constant 16384 : i32
      %add3A_178 = arith.addi %add3A_177, %mul3A_176 : i32
      %swap3A_179 = arith.index_cast %add3A_178 : i32 to index
      %swap3A_180 = tpu.vector_load %arg6[%swap3A_179] {strides = array<i32>} : memref<65536xf32, #tpu.memory_space<vmem>>, vector<16xf32>,
      tpu.vector_store %arg6[%swap3A_179], %broadcast_in_dim3A_50 {strides = array<i32>} : memref<65536xf32, #tpu.memory_space<vmem>>, vector<16xf32>,
      %scan3A_181 = arith.constant 4 : i32
      %scan3A_182 = arith.addi %scan3A_150, %scan3A_181 : i32
      %mul3A_183 = arith.constant 16 : i32
      %mul3A_184 = arith.muli %scan3A_182, %mul3A_183 : i32
      %add3A_185 = arith.constant 16384 : i32
      %add3A_186 = arith.addi %add3A_185, %mul3A_184 : i32
      %swap3A_187 = arith.index_cast %add3A_186 : i32 to index
      %swap3A_188 = tpu.vector_load %arg6[%swap3A_187] {strides = array<i32>} : memref<65536xf32, #tpu.memory_space<vmem>>, vector<16xf32>,
      tpu.vector_store %arg6[%swap3A_187], %broadcast_in_dim3A_50 {strides = array<i32>} : memref<65536xf32, #tpu.memory_space<vmem>>, vector<16xf32>,
      %scan3A_189 = arith.constant 5 : i32
      %scan3A_190 = arith.addi %scan3A_150, %scan3A_189 : i32
      %mul3A_191 = arith.constant 16 : i32
      %mul3A_192 = arith.muli %scan3A_190, %mul3A_191 : i32
      %add3A_193 = arith.constant 16384 : i32
      %add3A_194 = arith.addi %add3A_193, %mul3A_192 : i32
      %swap3A_195 = arith.index_cast %add3A_194 : i32 to index
      %swap3A_196 = tpu.vector_load %arg6[%swap3A_195] {strides = array<i32>} : memref<65536xf32, #tpu.memory_space<vmem>>, vector<16xf32>,
      tpu.vector_store %arg6[%swap3A_195], %broadcast_in_dim3A_50 {strides = array<i32>} : memref<65536xf32, #tpu.memory_space<vmem>>, vector<16xf32>,
      %scan3A_197 = arith.constant 6 : i32
      %scan3A_198 = arith.addi %scan3A_150, %scan3A_197 : i32
      %mul3A_199 = arith.constant 16 : i32
      %mul3A_200 = arith.muli %scan3A_198, %mul3A_199 : i32
      %add3A_201 = arith.constant 16384 : i32
      %add3A_202 = arith.addi %add3A_201, %mul3A_200 : i32
      %swap3A_203 = arith.index_cast %add3A_202 : i32 to index
      %swap3A_204 = tpu.vector_load %arg6[%swap3A_203] {strides = array<i32>} : memref<65536xf32, #tpu.memory_space<vmem>>, vector<16xf32>,
      tpu.vector_store %arg6[%swap3A_203], %broadcast_in_dim3A_50 {strides = array<i32>} : memref<65536xf32, #tpu.memory_space<vmem>>, vector<16xf32>,
      %scan3A_205 = arith.constant 7 : i32
      %scan3A_206 = arith.addi %scan3A_150, %scan3A_205 : i32
      %mul3A_207 = arith.constant 16 : i32
      %mul3A_208 = arith.muli %scan3A_206, %mul3A_207 : i32
      %add3A_209 = arith.constant 16384 : i32
      %add3A_210 = arith.addi %add3A_209, %mul3A_208 : i32
      %swap3A_211 = arith.index_cast %add3A_210 : i32 to index
      %swap3A_212 = tpu.vector_load %arg6[%swap3A_211] {strides = array<i32>} : memref<65536xf32, #tpu.memory_space<vmem>>, vector<16xf32>,
      tpu.vector_store %arg6[%swap3A_211], %broadcast_in_dim3A_50 {strides = array<i32>} : memref<65536xf32, #tpu.memory_space<vmem>>, vector<16xf32>,
    }
    %scan3A_68 = arith.constant 624 : i32
    %scan3A_69 = arith.addi %scan3A_64, %scan3A_68 : i32
    %mul3A_70 = arith.constant 16 : i32
    %mul3A_71 = arith.muli %scan3A_69, %mul3A_70 : i32
    %add3A_72 = arith.constant 16384 : i32
    %add3A_73 = arith.addi %add3A_72, %mul3A_71 : i32
    %swap3A_74 = arith.index_cast %add3A_73 : i32 to index
    %swap3A_75 = tpu.vector_load %arg6[%swap3A_74] {strides = array<i32>} : memref<65536xf32, #tpu.memory_space<vmem>>, vector<16xf32>,
    tpu.vector_store %arg6[%swap3A_74], %broadcast_in_dim3A_50 {strides = array<i32>} : memref<65536xf32, #tpu.memory_space<vmem>>, vector<16xf32>,
    %scan3A_76 = arith.constant 625 : i32
    %scan3A_77 = arith.constant 0 : i32
    %scan3A_78 = arith.constant 0 : i32
    %scan3A_79 = arith.constant 624 : i32
    %scan3A_80 = arith.addi %scan3A_78, %scan3A_79 : i32
    %scan3A_81 = arith.constant 8 : i32
    scf.for %scan3A_150 = %scan3A_78 to %scan3A_80 step %scan3A_81  : i32 {
      %mul3A_151 = arith.constant 16 : i32
      %mul3A_152 = arith.muli %scan3A_150, %mul3A_151 : i32
      %add3A_153 = arith.constant 32768 : i32
      %add3A_154 = arith.addi %add3A_153, %mul3A_152 : i32
      %swap3A_155 = arith.index_cast %add3A_154 : i32 to index
      %swap3A_156 = tpu.vector_load %arg6[%swap3A_155] {strides = array<i32>} : memref<65536xf32, #tpu.memory_space<vmem>>, vector<16xf32>,
      tpu.vector_store %arg6[%swap3A_155], %broadcast_in_dim3A_50 {strides = array<i32>} : memref<65536xf32, #tpu.memory_space<vmem>>, vector<16xf32>,
      %scan3A_157 = arith.constant 1 : i32
      %scan3A_158 = arith.addi %scan3A_150, %scan3A_157 : i32
      %mul3A_159 = arith.constant 16 : i32
      %mul3A_160 = arith.muli %scan3A_158, %mul3A_159 : i32
      %add3A_161 = arith.constant 32768 : i32
      %add3A_162 = arith.addi %add3A_161, %mul3A_160 : i32
      %swap3A_163 = arith.index_cast %add3A_162 : i32 to index
      %swap3A_164 = tpu.vector_load %arg6[%swap3A_163] {strides = array<i32>} : memref<65536xf32, #tpu.memory_space<vmem>>, vector<16xf32>,
      tpu.vector_store %arg6[%swap3A_163], %broadcast_in_dim3A_50 {strides = array<i32>} : memref<65536xf32, #tpu.memory_space<vmem>>, vector<16xf32>,
      %scan3A_165 = arith.constant 2 : i32
      %scan3A_166 = arith.addi %scan3A_150, %scan3A_165 : i32
      %mul3A_167 = arith.constant 16 : i32
      %mul3A_168 = arith.muli %scan3A_166, %mul3A_167 : i32
      %add3A_169 = arith.constant 32768 : i32
      %add3A_170 = arith.addi %add3A_169, %mul3A_168 : i32
      %swap3A_171 = arith.index_cast %add3A_170 : i32 to index
      %swap3A_172 = tpu.vector_load %arg6[%swap3A_171] {strides = array<i32>} : memref<65536xf32, #tpu.memory_space<vmem>>, vector<16xf32>,
      tpu.vector_store %arg6[%swap3A_171], %broadcast_in_dim3A_50 {strides = array<i32>} : memref<65536xf32, #tpu.memory_space<vmem>>, vector<16xf32>,
      %scan3A_173 = arith.constant 3 : i32
      %scan3A_174 = arith.addi %scan3A_150, %scan3A_173 : i32
      %mul3A_175 = arith.constant 16 : i32
      %mul3A_176 = arith.muli %scan3A_174, %mul3A_175 : i32
      %add3A_177 = arith.constant 32768 : i32
      %add3A_178 = arith.addi %add3A_177, %mul3A_176 : i32
      %swap3A_179 = arith.index_cast %add3A_178 : i32 to index
      %swap3A_180 = tpu.vector_load %arg6[%swap3A_179] {strides = array<i32>} : memref<65536xf32, #tpu.memory_space<vmem>>, vector<16xf32>,
      tpu.vector_store %arg6[%swap3A_179], %broadcast_in_dim3A_50 {strides = array<i32>} : memref<65536xf32, #tpu.memory_space<vmem>>, vector<16xf32>,
      %scan3A_181 = arith.constant 4 : i32
      %scan3A_182 = arith.addi %scan3A_150, %scan3A_181 : i32
      %mul3A_183 = arith.constant 16 : i32
      %mul3A_184 = arith.muli %scan3A_182, %mul3A_183 : i32
      %add3A_185 = arith.constant 32768 : i32
      %add3A_186 = arith.addi %add3A_185, %mul3A_184 : i32
      %swap3A_187 = arith.index_cast %add3A_186 : i32 to index
      %swap3A_188 = tpu.vector_load %arg6[%swap3A_187] {strides = array<i32>} : memref<65536xf32, #tpu.memory_space<vmem>>, vector<16xf32>,
      tpu.vector_store %arg6[%swap3A_187], %broadcast_in_dim3A_50 {strides = array<i32>} : memref<65536xf32, #tpu.memory_space<vmem>>, vector<16xf32>,
      %scan3A_189 = arith.constant 5 : i32
      %scan3A_190 = arith.addi %scan3A_150, %scan3A_189 : i32
      %mul3A_191 = arith.constant 16 : i32
      %mul3A_192 = arith.muli %scan3A_190, %mul3A_191 : i32
      %add3A_193 = arith.constant 32768 : i32
      %add3A_194 = arith.addi %add3A_193, %mul3A_192 : i32
      %swap3A_195 = arith.index_cast %add3A_194 : i32 to index
      %swap3A_196 = tpu.vector_load %arg6[%swap3A_195] {strides = array<i32>} : memref<65536xf32, #tpu.memory_space<vmem>>, vector<16xf32>,
      tpu.vector_store %arg6[%swap3A_195], %broadcast_in_dim3A_50 {strides = array<i32>} : memref<65536xf32, #tpu.memory_space<vmem>>, vector<16xf32>,
      %scan3A_197 = arith.constant 6 : i32
      %scan3A_198 = arith.addi %scan3A_150, %scan3A_197 : i32
      %mul3A_199 = arith.constant 16 : i32
      %mul3A_200 = arith.muli %scan3A_198, %mul3A_199 : i32
      %add3A_201 = arith.constant 32768 : i32
      %add3A_202 = arith.addi %add3A_201, %mul3A_200 : i32
      %swap3A_203 = arith.index_cast %add3A_202 : i32 to index
      %swap3A_204 = tpu.vector_load %arg6[%swap3A_203] {strides = array<i32>} : memref<65536xf32, #tpu.memory_space<vmem>>, vector<16xf32>,
      tpu.vector_store %arg6[%swap3A_203], %broadcast_in_dim3A_50 {strides = array<i32>} : memref<65536xf32, #tpu.memory_space<vmem>>, vector<16xf32>,
      %scan3A_205 = arith.constant 7 : i32
      %scan3A_206 = arith.addi %scan3A_150, %scan3A_205 : i32
      %mul3A_207 = arith.constant 16 : i32
      %mul3A_208 = arith.muli %scan3A_206, %mul3A_207 : i32
      %add3A_209 = arith.constant 32768 : i32
      %add3A_210 = arith.addi %add3A_209, %mul3A_208 : i32
      %swap3A_211 = arith.index_cast %add3A_210 : i32 to index
      %swap3A_212 = tpu.vector_load %arg6[%swap3A_211] {strides = array<i32>} : memref<65536xf32, #tpu.memory_space<vmem>>, vector<16xf32>,
      tpu.vector_store %arg6[%swap3A_211], %broadcast_in_dim3A_50 {strides = array<i32>} : memref<65536xf32, #tpu.memory_space<vmem>>, vector<16xf32>,
    }
    %scan3A_82 = arith.constant 624 : i32
    %scan3A_83 = arith.addi %scan3A_78, %scan3A_82 : i32
    %mul3A_84 = arith.constant 16 : i32
    %mul3A_85 = arith.muli %scan3A_83, %mul3A_84 : i32
    %add3A_86 = arith.constant 32768 : i32
    %add3A_87 = arith.addi %add3A_86, %mul3A_85 : i32
    %swap3A_88 = arith.index_cast %add3A_87 : i32 to index
    %swap3A_89 = tpu.vector_load %arg6[%swap3A_88] {strides = array<i32>} : memref<65536xf32, #tpu.memory_space<vmem>>, vector<16xf32>,
    tpu.vector_store %arg6[%swap3A_88], %broadcast_in_dim3A_50 {strides = array<i32>} : memref<65536xf32, #tpu.memory_space<vmem>>, vector<16xf32>,
    %scan3A_90 = arith.constant 625 : i32
    %scan3A_91 = arith.constant 0 : i32
    %scan3A_92 = arith.constant 0 : i32
    %scan3A_93 = arith.constant 624 : i32
    %scan3A_94 = arith.addi %scan3A_92, %scan3A_93 : i32
    %scan3A_95 = arith.constant 8 : i32
    scf.for %scan3A_150 = %scan3A_92 to %scan3A_94 step %scan3A_95  : i32 {
      %mul3A_151 = arith.constant 16 : i32
      %mul3A_152 = arith.muli %scan3A_150, %mul3A_151 : i32
      %add3A_153 = arith.constant 49152 : i32
      %add3A_154 = arith.addi %add3A_153, %mul3A_152 : i32
      %swap3A_155 = arith.index_cast %add3A_154 : i32 to index
      %swap3A_156 = tpu.vector_load %arg6[%swap3A_155] {strides = array<i32>} : memref<65536xf32, #tpu.memory_space<vmem>>, vector<16xf32>,
      tpu.vector_store %arg6[%swap3A_155], %broadcast_in_dim3A_50 {strides = array<i32>} : memref<65536xf32, #tpu.memory_space<vmem>>, vector<16xf32>,
      %scan3A_157 = arith.constant 1 : i32
      %scan3A_158 = arith.addi %scan3A_150, %scan3A_157 : i32
      %mul3A_159 = arith.constant 16 : i32
      %mul3A_160 = arith.muli %scan3A_158, %mul3A_159 : i32
      %add3A_161 = arith.constant 49152 : i32
      %add3A_162 = arith.addi %add3A_161, %mul3A_160 : i32
      %swap3A_163 = arith.index_cast %add3A_162 : i32 to index
      %swap3A_164 = tpu.vector_load %arg6[%swap3A_163] {strides = array<i32>} : memref<65536xf32, #tpu.memory_space<vmem>>, vector<16xf32>,
      tpu.vector_store %arg6[%swap3A_163], %broadcast_in_dim3A_50 {strides = array<i32>} : memref<65536xf32, #tpu.memory_space<vmem>>, vector<16xf32>,
      %scan3A_165 = arith.constant 2 : i32
      %scan3A_166 = arith.addi %scan3A_150, %scan3A_165 : i32
      %mul3A_167 = arith.constant 16 : i32
      %mul3A_168 = arith.muli %scan3A_166, %mul3A_167 : i32
      %add3A_169 = arith.constant 49152 : i32
      %add3A_170 = arith.addi %add3A_169, %mul3A_168 : i32
      %swap3A_171 = arith.index_cast %add3A_170 : i32 to index
      %swap3A_172 = tpu.vector_load %arg6[%swap3A_171] {strides = array<i32>} : memref<65536xf32, #tpu.memory_space<vmem>>, vector<16xf32>,
      tpu.vector_store %arg6[%swap3A_171], %broadcast_in_dim3A_50 {strides = array<i32>} : memref<65536xf32, #tpu.memory_space<vmem>>, vector<16xf32>,
      %scan3A_173 = arith.constant 3 : i32
      %scan3A_174 = arith.addi %scan3A_150, %scan3A_173 : i32
      %mul3A_175 = arith.constant 16 : i32
      %mul3A_176 = arith.muli %scan3A_174, %mul3A_175 : i32
      %add3A_177 = arith.constant 49152 : i32
      %add3A_178 = arith.addi %add3A_177, %mul3A_176 : i32
      %swap3A_179 = arith.index_cast %add3A_178 : i32 to index
      %swap3A_180 = tpu.vector_load %arg6[%swap3A_179] {strides = array<i32>} : memref<65536xf32, #tpu.memory_space<vmem>>, vector<16xf32>,
      tpu.vector_store %arg6[%swap3A_179], %broadcast_in_dim3A_50 {strides = array<i32>} : memref<65536xf32, #tpu.memory_space<vmem>>, vector<16xf32>,
      %scan3A_181 = arith.constant 4 : i32
      %scan3A_182 = arith.addi %scan3A_150, %scan3A_181 : i32
      %mul3A_183 = arith.constant 16 : i32
      %mul3A_184 = arith.muli %scan3A_182, %mul3A_183 : i32
      %add3A_185 = arith.constant 49152 : i32
      %add3A_186 = arith.addi %add3A_185, %mul3A_184 : i32
      %swap3A_187 = arith.index_cast %add3A_186 : i32 to index
      %swap3A_188 = tpu.vector_load %arg6[%swap3A_187] {strides = array<i32>} : memref<65536xf32, #tpu.memory_space<vmem>>, vector<16xf32>,
      tpu.vector_store %arg6[%swap3A_187], %broadcast_in_dim3A_50 {strides = array<i32>} : memref<65536xf32, #tpu.memory_space<vmem>>, vector<16xf32>,
      %scan3A_189 = arith.constant 5 : i32
      %scan3A_190 = arith.addi %scan3A_150, %scan3A_189 : i32
      %mul3A_191 = arith.constant 16 : i32
      %mul3A_192 = arith.muli %scan3A_190, %mul3A_191 : i32
      %add3A_193 = arith.constant 49152 : i32
      %add3A_194 = arith.addi %add3A_193, %mul3A_192 : i32
      %swap3A_195 = arith.index_cast %add3A_194 : i32 to index
      %swap3A_196 = tpu.vector_load %arg6[%swap3A_195] {strides = array<i32>} : memref<65536xf32, #tpu.memory_space<vmem>>, vector<16xf32>,
      tpu.vector_store %arg6[%swap3A_195], %broadcast_in_dim3A_50 {strides = array<i32>} : memref<65536xf32, #tpu.memory_space<vmem>>, vector<16xf32>,
      %scan3A_197 = arith.constant 6 : i32
      %scan3A_198 = arith.addi %scan3A_150, %scan3A_197 : i32
      %mul3A_199 = arith.constant 16 : i32
      %mul3A_200 = arith.muli %scan3A_198, %mul3A_199 : i32
      %add3A_201 = arith.constant 49152 : i32
      %add3A_202 = arith.addi %add3A_201, %mul3A_200 : i32
      %swap3A_203 = arith.index_cast %add3A_202 : i32 to index
      %swap3A_204 = tpu.vector_load %arg6[%swap3A_203] {strides = array<i32>} : memref<65536xf32, #tpu.memory_space<vmem>>, vector<16xf32>,
      tpu.vector_store %arg6[%swap3A_203], %broadcast_in_dim3A_50 {strides = array<i32>} : memref<65536xf32, #tpu.memory_space<vmem>>, vector<16xf32>,
      %scan3A_205 = arith.constant 7 : i32
      %scan3A_206 = arith.addi %scan3A_150, %scan3A_205 : i32
      %mul3A_207 = arith.constant 16 : i32
      %mul3A_208 = arith.muli %scan3A_206, %mul3A_207 : i32
      %add3A_209 = arith.constant 49152 : i32
      %add3A_210 = arith.addi %add3A_209, %mul3A_208 : i32
      %swap3A_211 = arith.index_cast %add3A_210 : i32 to index
      %swap3A_212 = tpu.vector_load %arg6[%swap3A_211] {strides = array<i32>} : memref<65536xf32, #tpu.memory_space<vmem>>, vector<16xf32>,
      tpu.vector_store %arg6[%swap3A_211], %broadcast_in_dim3A_50 {strides = array<i32>} : memref<65536xf32, #tpu.memory_space<vmem>>, vector<16xf32>,
    }
    %scan3A_96 = arith.constant 624 : i32
    %scan3A_97 = arith.addi %scan3A_92, %scan3A_96 : i32
    %mul3A_98 = arith.constant 16 : i32
    %mul3A_99 = arith.muli %scan3A_97, %mul3A_98 : i32
    %add3A_100 = arith.constant 49152 : i32
    %add3A_101 = arith.addi %add3A_100, %mul3A_99 : i32
    %swap3A_102 = arith.index_cast %add3A_101 : i32 to index
    %swap3A_103 = tpu.vector_load %arg6[%swap3A_102] {strides = array<i32>} : memref<65536xf32, #tpu.memory_space<vmem>>, vector<16xf32>,
    tpu.vector_store %arg6[%swap3A_102], %broadcast_in_dim3A_50 {strides = array<i32>} : memref<65536xf32, #tpu.memory_space<vmem>>, vector<16xf32>,
    %scan3A_104 = arith.constant 625 : i32
    %dma_wait3A = arith.constant 0 : i32
    %dma_wait3A_105 = tpu.memref_slice %arg5[%dma_wait3A] : memref<32768xi32, #tpu.memory_space<vmem>> -> memref<10000xi32, #tpu.memory_space<vmem>>
    %dma_wait3A_106 = tpu.memref_slice %arg2[%mul3A_10] : memref<640000xi32, #tpu.memory_space<hbm>> -> memref<10000xi32, #tpu.memory_space<hbm>>
    %dma_wait3A_107 = arith.constant 0 : i32
    %dma_wait3A_108 = tpu.memref_slice %arg5[%dma_wait3A_107] : memref<32768xi32, #tpu.memory_space<vmem>> -> memref<10000xi32, #tpu.memory_space<vmem>>
    %dma_wait3A_109 = tpu.memref_slice %arg2[%mul3A_10] : memref<640000xi32, #tpu.memory_space<hbm>> -> memref<10000xi32, #tpu.memory_space<hbm>>
    tpu.wait_dma2 semaphore(%arg10 : memref<!tpu.dma_semaphore, #tpu.memory_space<semaphore_mem>>) src(%dma_wait3A_109 : memref<10000xi32, #tpu.memory_space<hbm>>) dst(%dma_wait3A_108 : memref<10000xi32, #tpu.memory_space<vmem>>)
    %dma_wait3A_110 = arith.constant 16384 : i32
    %dma_wait3A_111 = tpu.memref_slice %arg5[%dma_wait3A_110] : memref<32768xi32, #tpu.memory_space<vmem>> -> memref<10000xi32, #tpu.memory_space<vmem>>
    %dma_wait3A_112 = tpu.memref_slice %arg2[%mul3A_16] : memref<640000xi32, #tpu.memory_space<hbm>> -> memref<10000xi32, #tpu.memory_space<hbm>>
    %dma_wait3A_113 = arith.constant 16384 : i32
    %dma_wait3A_114 = tpu.memref_slice %arg5[%dma_wait3A_113] : memref<32768xi32, #tpu.memory_space<vmem>> -> memref<10000xi32, #tpu.memory_space<vmem>>
    %dma_wait3A_115 = tpu.memref_slice %arg2[%mul3A_16] : memref<640000xi32, #tpu.memory_space<hbm>> -> memref<10000xi32, #tpu.memory_space<hbm>>
    tpu.wait_dma2 semaphore(%arg10 : memref<!tpu.dma_semaphore, #tpu.memory_space<semaphore_mem>>) src(%dma_wait3A_115 : memref<10000xi32, #tpu.memory_space<hbm>>) dst(%dma_wait3A_114 : memref<10000xi32, #tpu.memory_space<vmem>>)
    %scan3A_116 = arith.constant 0 : i32
    %scan3A_117 = arith.constant 0 : i32
    %scan3A_118 = arith.constant 40 : i32
    %scan3A_119 = arith.addi %scan3A_117, %scan3A_118 : i32
    %scan3A_120 = arith.constant 1 : i32
    scf.for %scan3A_150 = %scan3A_117 to %scan3A_119 step %scan3A_120  : i32 {
      %mul3A_151 = arith.constant 2 : i32
      %mul3A_152 = arith.muli %mul3A_151, %scan3A_150 : i32
      %add3A_153 = arith.constant 0 : i32
      %add3A_154 = arith.addi %mul3A_152, %add3A_153 : i32
      %dma_wait3A_155 = arith.constant 0 : i32
      %dma_wait3A_156 = arith.constant 0 : i32
      %dma_wait3A_157 = tpu.memref_slice %arg7[%dma_wait3A_155, %dma_wait3A_156] : memref<2x4000xi32, #tpu.memory_space<vmem>> -> memref<1x4000xi32, #tpu.memory_space<vmem>>
      %dma_wait3A_158 = tpu.memref_squeeze %dma_wait3A_157 : memref<1x4000xi32, #tpu.memory_space<vmem>> -> memref<4000xi32, #tpu.memory_space<vmem>>
      %dma_wait3A_159 = arith.constant 0 : i32
      %dma_wait3A_160 = tpu.memref_slice %arg3[%dma_wait3A_159] : memref<320000xi32, #tpu.memory_space<hbm>> -> memref<4000xi32, #tpu.memory_space<hbm>>
      %dma_wait3A_161 = arith.constant 0 : i32
      %dma_wait3A_162 = tpu.memref_slice %arg7[%dma_wait3A_155, %dma_wait3A_161] : memref<2x4000xi32, #tpu.memory_space<vmem>> -> memref<1x4000xi32, #tpu.memory_space<vmem>>
      %dma_wait3A_163 = tpu.memref_squeeze %dma_wait3A_162 : memref<1x4000xi32, #tpu.memory_space<vmem>> -> memref<4000xi32, #tpu.memory_space<vmem>>
      %dma_wait3A_164 = arith.constant 0 : i32
      %dma_wait3A_165 = tpu.memref_slice %arg3[%dma_wait3A_164] : memref<320000xi32, #tpu.memory_space<hbm>> -> memref<4000xi32, #tpu.memory_space<hbm>>
      tpu.wait_dma2 semaphore(%arg8 : memref<!tpu.dma_semaphore, #tpu.memory_space<semaphore_mem>>) src(%dma_wait3A_165 : memref<4000xi32, #tpu.memory_space<hbm>>) dst(%dma_wait3A_163 : memref<4000xi32, #tpu.memory_space<vmem>>)
      %parallel_loop3A = arith.constant 0 : i32
      %parallel_loop3A_166 = arith.constant 250 : i32
      %parallel_loop3A_167 = arith.constant 1 : i32
      scf.for %parallel_loop3A_197 = %parallel_loop3A to %parallel_loop3A_166 step %parallel_loop3A_167  : i32 {
        %parallel_loop3A_198 = arith.constant 16 : i32
        %parallel_loop3A_199 = arith.muli %parallel_loop3A_197, %parallel_loop3A_198 : i32
        %parallel_loop3A_200 = arith.constant 0 : i32
        %parallel_loop3A_201 = arith.index_cast %parallel_loop3A_200 : i32 to index
        %parallel_loop3A_202 = arith.index_cast %parallel_loop3A_199 : i32 to index
        %parallel_loop3A_203 = tpu.vector_load %arg7[%parallel_loop3A_201, %parallel_loop3A_202] {strides = array<i32>} : memref<2x4000xi32, #tpu.memory_space<vmem>>, vector<16xi32>,
        %parallel_loop3A_204 = arith.constant 65535 : i32
        %parallel_loop3A_205 = vector.broadcast %parallel_loop3A_204 : i32 to vector<16xi32>
        %parallel_loop3A_206 = arith.andi %parallel_loop3A_203, %parallel_loop3A_205 : vector<16xi32>
        %parallel_loop3A_207 = arith.constant 16 : i32
        %parallel_loop3A_208 = vector.broadcast %parallel_loop3A_207 : i32 to vector<16xi32>
        %parallel_loop3A_209 = arith.shrui %parallel_loop3A_203, %parallel_loop3A_208 : vector<16xi32>
        %parallel_loop3A_210 = arith.constant 0 : i32
        %parallel_loop3A_211 = vector.broadcast %parallel_loop3A_210 : i32 to vector<16xi32>
        %parallel_loop3A_212 = arith.ori %parallel_loop3A_206, %parallel_loop3A_211 : vector<16xi32>
        %parallel_loop3A_213 = tpu.vector_load_idx %arg5[%parallel_loop3A_212] : memref<32768xi32, #tpu.memory_space<vmem>>[vector<16xi32>], vector<16xi32>,
        %parallel_loop3A_214 = arith.constant 16 : i32
        %parallel_loop3A_215 = vector.broadcast %parallel_loop3A_214 : i32 to vector<16xi32>
        %parallel_loop3A_216 = arith.shli %parallel_loop3A_213, %parallel_loop3A_215 : vector<16xi32>
        %parallel_loop3A_217 = vector.bitcast %parallel_loop3A_216 : vector<16xi32> to vector<16xf32>
        %parallel_loop3A_218 = arith.constant -65536 : i32
        %parallel_loop3A_219 = vector.broadcast %parallel_loop3A_218 : i32 to vector<16xi32>
        %parallel_loop3A_220 = arith.andi %parallel_loop3A_213, %parallel_loop3A_219 : vector<16xi32>
        %parallel_loop3A_221 = vector.bitcast %parallel_loop3A_220 : vector<16xi32> to vector<16xf32>
        %parallel_loop3A_222 = arith.constant 0 : i32
        %parallel_loop3A_223 = vector.broadcast %parallel_loop3A_222 : i32 to vector<16xi32>
        %parallel_loop3A_224 = arith.ori %parallel_loop3A_209, %parallel_loop3A_223 : vector<16xi32>
        tpu.vector_store_idx %arg6[%parallel_loop3A_224], %parallel_loop3A_217 {add = true} : memref<65536xf32, #tpu.memory_space<vmem>>[vector<16xi32>], vector<16xf32>,
        %parallel_loop3A_225 = arith.constant 32768 : i32
        %parallel_loop3A_226 = vector.broadcast %parallel_loop3A_225 : i32 to vector<16xi32>
        %parallel_loop3A_227 = arith.ori %parallel_loop3A_209, %parallel_loop3A_226 : vector<16xi32>
        tpu.vector_store_idx %arg6[%parallel_loop3A_227], %parallel_loop3A_221 {add = true} : memref<65536xf32, #tpu.memory_space<vmem>>[vector<16xi32>], vector<16xf32>,
        %parallel_loop3A_228 = arith.constant 16384 : i32
        %parallel_loop3A_229 = vector.broadcast %parallel_loop3A_228 : i32 to vector<16xi32>
        %parallel_loop3A_230 = arith.ori %parallel_loop3A_206, %parallel_loop3A_229 : vector<16xi32>
        %parallel_loop3A_231 = tpu.vector_load_idx %arg5[%parallel_loop3A_230] : memref<32768xi32, #tpu.memory_space<vmem>>[vector<16xi32>], vector<16xi32>,
        %parallel_loop3A_232 = arith.constant 16 : i32
        %parallel_loop3A_233 = vector.broadcast %parallel_loop3A_232 : i32 to vector<16xi32>
        %parallel_loop3A_234 = arith.shli %parallel_loop3A_231, %parallel_loop3A_233 : vector<16xi32>
        %parallel_loop3A_235 = vector.bitcast %parallel_loop3A_234 : vector<16xi32> to vector<16xf32>
        %parallel_loop3A_236 = arith.constant -65536 : i32
        %parallel_loop3A_237 = vector.broadcast %parallel_loop3A_236 : i32 to vector<16xi32>
        %parallel_loop3A_238 = arith.andi %parallel_loop3A_231, %parallel_loop3A_237 : vector<16xi32>
        %parallel_loop3A_239 = vector.bitcast %parallel_loop3A_238 : vector<16xi32> to vector<16xf32>
        %parallel_loop3A_240 = arith.constant 16384 : i32
        %parallel_loop3A_241 = vector.broadcast %parallel_loop3A_240 : i32 to vector<16xi32>
        %parallel_loop3A_242 = arith.ori %parallel_loop3A_209, %parallel_loop3A_241 : vector<16xi32>
        tpu.vector_store_idx %arg6[%parallel_loop3A_242], %parallel_loop3A_235 {add = true} : memref<65536xf32, #tpu.memory_space<vmem>>[vector<16xi32>], vector<16xf32>,
        %parallel_loop3A_243 = arith.constant 49152 : i32
        %parallel_loop3A_244 = vector.broadcast %parallel_loop3A_243 : i32 to vector<16xi32>
        %parallel_loop3A_245 = arith.ori %parallel_loop3A_209, %parallel_loop3A_244 : vector<16xi32>
        tpu.vector_store_idx %arg6[%parallel_loop3A_245], %parallel_loop3A_239 {add = true} : memref<65536xf32, #tpu.memory_space<vmem>>[vector<16xi32>], vector<16xf32>,
      } {sc.loop_unroll_factor = 5 : i64, sc.parallel_access}
      %add3A_168 = arith.constant 2 : i32
      %add3A_169 = arith.addi %add3A_154, %add3A_168 : i32
      %lt3A = arith.constant 80 : i32
      %lt3A_170 = arith.cmpi slt, %add3A_169, %lt3A : i32
      %convert_element_type3A = arith.extui %lt3A_170 : i1 to i32
      %cond3A = arith.constant 0 : i32
      %cond3A_171 = arith.cmpi ne, %convert_element_type3A, %cond3A : i32
      scf.if %cond3A_171 {
        %add3A_197 = arith.constant 2 : i32
        %add3A_198 = arith.addi %add3A_154, %add3A_197 : i32
        %mul3A_199 = arith.constant 4000 : i32
        %mul3A_200 = arith.muli %add3A_198, %mul3A_199 : i32
        %dma_start3A_201 = arith.constant 0 : i32
        %dma_start3A_202 = arith.constant 0 : i32
        %dma_start3A_203 = tpu.memref_slice %arg7[%dma_start3A_201, %dma_start3A_202] : memref<2x4000xi32, #tpu.memory_space<vmem>> -> memref<1x4000xi32, #tpu.memory_space<vmem>>
        %dma_start3A_204 = tpu.memref_squeeze %dma_start3A_203 : memref<1x4000xi32, #tpu.memory_space<vmem>> -> memref<4000xi32, #tpu.memory_space<vmem>>
        %dma_start3A_205 = tpu.memref_slice %arg3[%mul3A_200] : memref<320000xi32, #tpu.memory_space<hbm>> -> memref<4000xi32, #tpu.memory_space<hbm>>
        %dma_start3A_206 = arith.constant 0 : i32
        %dma_start3A_207 = tpu.memref_slice %arg7[%dma_start3A_201, %dma_start3A_206] : memref<2x4000xi32, #tpu.memory_space<vmem>> -> memref<1x4000xi32, #tpu.memory_space<vmem>>
        %dma_start3A_208 = tpu.memref_squeeze %dma_start3A_207 : memref<1x4000xi32, #tpu.memory_space<vmem>> -> memref<4000xi32, #tpu.memory_space<vmem>>
        %dma_start3A_209 = tpu.memref_slice %arg3[%mul3A_200] : memref<320000xi32, #tpu.memory_space<hbm>> -> memref<4000xi32, #tpu.memory_space<hbm>>
        tpu.enqueue_dma source(%dma_start3A_209 : memref<4000xi32, #tpu.memory_space<hbm>>) target(%dma_start3A_208 : memref<4000xi32, #tpu.memory_space<vmem>>) target_semaphore(%arg8 : memref<!tpu.dma_semaphore, #tpu.memory_space<semaphore_mem>>)
      } else {
      }
      %mul3A_172 = arith.constant 2 : i32
      %mul3A_173 = arith.muli %mul3A_172, %scan3A_150 : i32
      %add3A_174 = arith.constant 1 : i32
      %add3A_175 = arith.addi %mul3A_173, %add3A_174 : i32
      %dma_wait3A_176 = arith.constant 1 : i32
      %dma_wait3A_177 = arith.constant 0 : i32
      %dma_wait3A_178 = tpu.memref_slice %arg7[%dma_wait3A_176, %dma_wait3A_177] : memref<2x4000xi32, #tpu.memory_space<vmem>> -> memref<1x4000xi32, #tpu.memory_space<vmem>>
      %dma_wait3A_179 = tpu.memref_squeeze %dma_wait3A_178 : memref<1x4000xi32, #tpu.memory_space<vmem>> -> memref<4000xi32, #tpu.memory_space<vmem>>
      %dma_wait3A_180 = arith.constant 0 : i32
      %dma_wait3A_181 = tpu.memref_slice %arg3[%dma_wait3A_180] : memref<320000xi32, #tpu.memory_space<hbm>> -> memref<4000xi32, #tpu.memory_space<hbm>>
      %dma_wait3A_182 = arith.constant 0 : i32
      %dma_wait3A_183 = tpu.memref_slice %arg7[%dma_wait3A_176, %dma_wait3A_182] : memref<2x4000xi32, #tpu.memory_space<vmem>> -> memref<1x4000xi32, #tpu.memory_space<vmem>>
      %dma_wait3A_184 = tpu.memref_squeeze %dma_wait3A_183 : memref<1x4000xi32, #tpu.memory_space<vmem>> -> memref<4000xi32, #tpu.memory_space<vmem>>
      %dma_wait3A_185 = arith.constant 0 : i32
      %dma_wait3A_186 = tpu.memref_slice %arg3[%dma_wait3A_185] : memref<320000xi32, #tpu.memory_space<hbm>> -> memref<4000xi32, #tpu.memory_space<hbm>>
      tpu.wait_dma2 semaphore(%arg9 : memref<!tpu.dma_semaphore, #tpu.memory_space<semaphore_mem>>) src(%dma_wait3A_186 : memref<4000xi32, #tpu.memory_space<hbm>>) dst(%dma_wait3A_184 : memref<4000xi32, #tpu.memory_space<vmem>>)
      %parallel_loop3A_187 = arith.constant 0 : i32
      %parallel_loop3A_188 = arith.constant 250 : i32
      %parallel_loop3A_189 = arith.constant 1 : i32
      scf.for %parallel_loop3A_197 = %parallel_loop3A_187 to %parallel_loop3A_188 step %parallel_loop3A_189  : i32 {
        %parallel_loop3A_198 = arith.constant 16 : i32
        %parallel_loop3A_199 = arith.muli %parallel_loop3A_197, %parallel_loop3A_198 : i32
        %parallel_loop3A_200 = arith.constant 1 : i32
        %parallel_loop3A_201 = arith.index_cast %parallel_loop3A_200 : i32 to index
        %parallel_loop3A_202 = arith.index_cast %parallel_loop3A_199 : i32 to index
        %parallel_loop3A_203 = tpu.vector_load %arg7[%parallel_loop3A_201, %parallel_loop3A_202] {strides = array<i32>} : memref<2x4000xi32, #tpu.memory_space<vmem>>, vector<16xi32>,
        %parallel_loop3A_204 = arith.constant 65535 : i32
        %parallel_loop3A_205 = vector.broadcast %parallel_loop3A_204 : i32 to vector<16xi32>
        %parallel_loop3A_206 = arith.andi %parallel_loop3A_203, %parallel_loop3A_205 : vector<16xi32>
        %parallel_loop3A_207 = arith.constant 16 : i32
        %parallel_loop3A_208 = vector.broadcast %parallel_loop3A_207 : i32 to vector<16xi32>
        %parallel_loop3A_209 = arith.shrui %parallel_loop3A_203, %parallel_loop3A_208 : vector<16xi32>
        %parallel_loop3A_210 = arith.constant 0 : i32
        %parallel_loop3A_211 = vector.broadcast %parallel_loop3A_210 : i32 to vector<16xi32>
        %parallel_loop3A_212 = arith.ori %parallel_loop3A_206, %parallel_loop3A_211 : vector<16xi32>
        %parallel_loop3A_213 = tpu.vector_load_idx %arg5[%parallel_loop3A_212] : memref<32768xi32, #tpu.memory_space<vmem>>[vector<16xi32>], vector<16xi32>,
        %parallel_loop3A_214 = arith.constant 16 : i32
        %parallel_loop3A_215 = vector.broadcast %parallel_loop3A_214 : i32 to vector<16xi32>
        %parallel_loop3A_216 = arith.shli %parallel_loop3A_213, %parallel_loop3A_215 : vector<16xi32>
        %parallel_loop3A_217 = vector.bitcast %parallel_loop3A_216 : vector<16xi32> to vector<16xf32>
        %parallel_loop3A_218 = arith.constant -65536 : i32
        %parallel_loop3A_219 = vector.broadcast %parallel_loop3A_218 : i32 to vector<16xi32>
        %parallel_loop3A_220 = arith.andi %parallel_loop3A_213, %parallel_loop3A_219 : vector<16xi32>
        %parallel_loop3A_221 = vector.bitcast %parallel_loop3A_220 : vector<16xi32> to vector<16xf32>
        %parallel_loop3A_222 = arith.constant 0 : i32
        %parallel_loop3A_223 = vector.broadcast %parallel_loop3A_222 : i32 to vector<16xi32>
        %parallel_loop3A_224 = arith.ori %parallel_loop3A_209, %parallel_loop3A_223 : vector<16xi32>
        tpu.vector_store_idx %arg6[%parallel_loop3A_224], %parallel_loop3A_217 {add = true} : memref<65536xf32, #tpu.memory_space<vmem>>[vector<16xi32>], vector<16xf32>,
        %parallel_loop3A_225 = arith.constant 32768 : i32
        %parallel_loop3A_226 = vector.broadcast %parallel_loop3A_225 : i32 to vector<16xi32>
        %parallel_loop3A_227 = arith.ori %parallel_loop3A_209, %parallel_loop3A_226 : vector<16xi32>
        tpu.vector_store_idx %arg6[%parallel_loop3A_227], %parallel_loop3A_221 {add = true} : memref<65536xf32, #tpu.memory_space<vmem>>[vector<16xi32>], vector<16xf32>,
        %parallel_loop3A_228 = arith.constant 16384 : i32
        %parallel_loop3A_229 = vector.broadcast %parallel_loop3A_228 : i32 to vector<16xi32>
        %parallel_loop3A_230 = arith.ori %parallel_loop3A_206, %parallel_loop3A_229 : vector<16xi32>
        %parallel_loop3A_231 = tpu.vector_load_idx %arg5[%parallel_loop3A_230] : memref<32768xi32, #tpu.memory_space<vmem>>[vector<16xi32>], vector<16xi32>,
        %parallel_loop3A_232 = arith.constant 16 : i32
        %parallel_loop3A_233 = vector.broadcast %parallel_loop3A_232 : i32 to vector<16xi32>
        %parallel_loop3A_234 = arith.shli %parallel_loop3A_231, %parallel_loop3A_233 : vector<16xi32>
        %parallel_loop3A_235 = vector.bitcast %parallel_loop3A_234 : vector<16xi32> to vector<16xf32>
        %parallel_loop3A_236 = arith.constant -65536 : i32
        %parallel_loop3A_237 = vector.broadcast %parallel_loop3A_236 : i32 to vector<16xi32>
        %parallel_loop3A_238 = arith.andi %parallel_loop3A_231, %parallel_loop3A_237 : vector<16xi32>
        %parallel_loop3A_239 = vector.bitcast %parallel_loop3A_238 : vector<16xi32> to vector<16xf32>
        %parallel_loop3A_240 = arith.constant 16384 : i32
        %parallel_loop3A_241 = vector.broadcast %parallel_loop3A_240 : i32 to vector<16xi32>
        %parallel_loop3A_242 = arith.ori %parallel_loop3A_209, %parallel_loop3A_241 : vector<16xi32>
        tpu.vector_store_idx %arg6[%parallel_loop3A_242], %parallel_loop3A_235 {add = true} : memref<65536xf32, #tpu.memory_space<vmem>>[vector<16xi32>], vector<16xf32>,
        %parallel_loop3A_243 = arith.constant 49152 : i32
        %parallel_loop3A_244 = vector.broadcast %parallel_loop3A_243 : i32 to vector<16xi32>
        %parallel_loop3A_245 = arith.ori %parallel_loop3A_209, %parallel_loop3A_244 : vector<16xi32>
        tpu.vector_store_idx %arg6[%parallel_loop3A_245], %parallel_loop3A_239 {add = true} : memref<65536xf32, #tpu.memory_space<vmem>>[vector<16xi32>], vector<16xf32>,
      } {sc.loop_unroll_factor = 5 : i64, sc.parallel_access}
      %add3A_190 = arith.constant 2 : i32
      %add3A_191 = arith.addi %add3A_175, %add3A_190 : i32
      %lt3A_192 = arith.constant 80 : i32
      %lt3A_193 = arith.cmpi slt, %add3A_191, %lt3A_192 : i32
      %convert_element_type3A_194 = arith.extui %lt3A_193 : i1 to i32
      %cond3A_195 = arith.constant 0 : i32
      %cond3A_196 = arith.cmpi ne, %convert_element_type3A_194, %cond3A_195 : i32
      scf.if %cond3A_196 {
        %add3A_197 = arith.constant 2 : i32
        %add3A_198 = arith.addi %add3A_175, %add3A_197 : i32
        %mul3A_199 = arith.constant 4000 : i32
        %mul3A_200 = arith.muli %add3A_198, %mul3A_199 : i32
        %dma_start3A_201 = arith.constant 1 : i32
        %dma_start3A_202 = arith.constant 0 : i32
        %dma_start3A_203 = tpu.memref_slice %arg7[%dma_start3A_201, %dma_start3A_202] : memref<2x4000xi32, #tpu.memory_space<vmem>> -> memref<1x4000xi32, #tpu.memory_space<vmem>>
        %dma_start3A_204 = tpu.memref_squeeze %dma_start3A_203 : memref<1x4000xi32, #tpu.memory_space<vmem>> -> memref<4000xi32, #tpu.memory_space<vmem>>
        %dma_start3A_205 = tpu.memref_slice %arg3[%mul3A_200] : memref<320000xi32, #tpu.memory_space<hbm>> -> memref<4000xi32, #tpu.memory_space<hbm>>
        %dma_start3A_206 = arith.constant 0 : i32
        %dma_start3A_207 = tpu.memref_slice %arg7[%dma_start3A_201, %dma_start3A_206] : memref<2x4000xi32, #tpu.memory_space<vmem>> -> memref<1x4000xi32, #tpu.memory_space<vmem>>
        %dma_start3A_208 = tpu.memref_squeeze %dma_start3A_207 : memref<1x4000xi32, #tpu.memory_space<vmem>> -> memref<4000xi32, #tpu.memory_space<vmem>>
        %dma_start3A_209 = tpu.memref_slice %arg3[%mul3A_200] : memref<320000xi32, #tpu.memory_space<hbm>> -> memref<4000xi32, #tpu.memory_space<hbm>>
        tpu.enqueue_dma source(%dma_start3A_209 : memref<4000xi32, #tpu.memory_space<hbm>>) target(%dma_start3A_208 : memref<4000xi32, #tpu.memory_space<vmem>>) target_semaphore(%arg9 : memref<!tpu.dma_semaphore, #tpu.memory_space<semaphore_mem>>)
      } else {
      }
    }
    %scan3A_121 = arith.constant 40 : i32
    %mul3A_122 = arith.constant 2 : i32
    %mul3A_123 = arith.muli %add3A, %mul3A_122 : i32
    %add3A_124 = arith.constant 0 : i32
    %add3A_125 = arith.addi %mul3A_123, %add3A_124 : i32
    %mul3A_126 = arith.constant 10000 : i32
    %mul3A_127 = arith.muli %add3A_125, %mul3A_126 : i32
    "tpu.region"() ({
      %run_scoped3A = tpu.sem_alloc : memref<!tpu.dma_semaphore, #tpu.memory_space<semaphore_mem>>
      %dma_start3A_150 = arith.constant 0 : i32
      %dma_start3A_151 = tpu.memref_slice %arg6[%dma_start3A_150] : memref<65536xf32, #tpu.memory_space<vmem>> -> memref<10000xf32, #tpu.memory_space<vmem>>
      %dma_start3A_152 = tpu.memref_slice %arg4[%mul3A_127] : memref<1280000xf32, #tpu.memory_space<hbm>> -> memref<10000xf32, #tpu.memory_space<hbm>>
      %dma_start3A_153 = tpu.memref_slice %arg4[%mul3A_127] : memref<1280000xf32, #tpu.memory_space<hbm>> -> memref<10000xf32, #tpu.memory_space<hbm>>
      %dma_start3A_154 = arith.constant 0 : i32
      %dma_start3A_155 = tpu.memref_slice %arg6[%dma_start3A_154] : memref<65536xf32, #tpu.memory_space<vmem>> -> memref<10000xf32, #tpu.memory_space<vmem>>
      tpu.enqueue_dma source(%dma_start3A_155 : memref<10000xf32, #tpu.memory_space<vmem>>) target(%dma_start3A_153 : memref<10000xf32, #tpu.memory_space<hbm>>) target_semaphore(%run_scoped3A : memref<!tpu.dma_semaphore, #tpu.memory_space<semaphore_mem>>)
      %dma_wait3A_156 = arith.constant 0 : i32
      %dma_wait3A_157 = tpu.memref_slice %arg6[%dma_wait3A_156] : memref<65536xf32, #tpu.memory_space<vmem>> -> memref<10000xf32, #tpu.memory_space<vmem>>
      %dma_wait3A_158 = tpu.memref_slice %arg4[%mul3A_127] : memref<1280000xf32, #tpu.memory_space<hbm>> -> memref<10000xf32, #tpu.memory_space<hbm>>
      %dma_wait3A_159 = tpu.memref_slice %arg4[%mul3A_127] : memref<1280000xf32, #tpu.memory_space<hbm>> -> memref<10000xf32, #tpu.memory_space<hbm>>
      %dma_wait3A_160 = arith.constant 0 : i32
      %dma_wait3A_161 = tpu.memref_slice %arg6[%dma_wait3A_160] : memref<65536xf32, #tpu.memory_space<vmem>> -> memref<10000xf32, #tpu.memory_space<vmem>>
      tpu.wait_dma2 semaphore(%run_scoped3A : memref<!tpu.dma_semaphore, #tpu.memory_space<semaphore_mem>>) src(%dma_wait3A_161 : memref<10000xf32, #tpu.memory_space<vmem>>) dst(%dma_wait3A_159 : memref<10000xf32, #tpu.memory_space<hbm>>)
      tpu.yield
    }) : () -> ()
    %mul3A_128 = arith.constant 2 : i32
    %mul3A_129 = arith.muli %add3A, %mul3A_128 : i32
    %add3A_130 = arith.constant 1 : i32
    %add3A_131 = arith.addi %mul3A_129, %add3A_130 : i32
    %mul3A_132 = arith.constant 10000 : i32
    %mul3A_133 = arith.muli %add3A_131, %mul3A_132 : i32
    "tpu.region"() ({
      %run_scoped3A = tpu.sem_alloc : memref<!tpu.dma_semaphore, #tpu.memory_space<semaphore_mem>>
      %dma_start3A_150 = arith.constant 16384 : i32
      %dma_start3A_151 = tpu.memref_slice %arg6[%dma_start3A_150] : memref<65536xf32, #tpu.memory_space<vmem>> -> memref<10000xf32, #tpu.memory_space<vmem>>
      %dma_start3A_152 = tpu.memref_slice %arg4[%mul3A_133] : memref<1280000xf32, #tpu.memory_space<hbm>> -> memref<10000xf32, #tpu.memory_space<hbm>>
      %dma_start3A_153 = tpu.memref_slice %arg4[%mul3A_133] : memref<1280000xf32, #tpu.memory_space<hbm>> -> memref<10000xf32, #tpu.memory_space<hbm>>
      %dma_start3A_154 = arith.constant 16384 : i32
      %dma_start3A_155 = tpu.memref_slice %arg6[%dma_start3A_154] : memref<65536xf32, #tpu.memory_space<vmem>> -> memref<10000xf32, #tpu.memory_space<vmem>>
      tpu.enqueue_dma source(%dma_start3A_155 : memref<10000xf32, #tpu.memory_space<vmem>>) target(%dma_start3A_153 : memref<10000xf32, #tpu.memory_space<hbm>>) target_semaphore(%run_scoped3A : memref<!tpu.dma_semaphore, #tpu.memory_space<semaphore_mem>>)
      %dma_wait3A_156 = arith.constant 16384 : i32
      %dma_wait3A_157 = tpu.memref_slice %arg6[%dma_wait3A_156] : memref<65536xf32, #tpu.memory_space<vmem>> -> memref<10000xf32, #tpu.memory_space<vmem>>
      %dma_wait3A_158 = tpu.memref_slice %arg4[%mul3A_133] : memref<1280000xf32, #tpu.memory_space<hbm>> -> memref<10000xf32, #tpu.memory_space<hbm>>
      %dma_wait3A_159 = tpu.memref_slice %arg4[%mul3A_133] : memref<1280000xf32, #tpu.memory_space<hbm>> -> memref<10000xf32, #tpu.memory_space<hbm>>
      %dma_wait3A_160 = arith.constant 16384 : i32
      %dma_wait3A_161 = tpu.memref_slice %arg6[%dma_wait3A_160] : memref<65536xf32, #tpu.memory_space<vmem>> -> memref<10000xf32, #tpu.memory_space<vmem>>
      tpu.wait_dma2 semaphore(%run_scoped3A : memref<!tpu.dma_semaphore, #tpu.memory_space<semaphore_mem>>) src(%dma_wait3A_161 : memref<10000xf32, #tpu.memory_space<vmem>>) dst(%dma_wait3A_159 : memref<10000xf32, #tpu.memory_space<hbm>>)
      tpu.yield
    }) : () -> ()
    %mul3A_134 = arith.constant 2 : i32
    %mul3A_135 = arith.muli %add3A, %mul3A_134 : i32
    %add3A_136 = arith.constant 64 : i32
    %add3A_137 = arith.addi %add3A_136, %mul3A_135 : i32
    %add3A_138 = arith.constant 0 : i32
    %add3A_139 = arith.addi %add3A_137, %add3A_138 : i32
    %mul3A_140 = arith.constant 10000 : i32
    %mul3A_141 = arith.muli %add3A_139, %mul3A_140 : i32
    "tpu.region"() ({
      %run_scoped3A = tpu.sem_alloc : memref<!tpu.dma_semaphore, #tpu.memory_space<semaphore_mem>>
      %dma_start3A_150 = arith.constant 32768 : i32
      %dma_start3A_151 = tpu.memref_slice %arg6[%dma_start3A_150] : memref<65536xf32, #tpu.memory_space<vmem>> -> memref<10000xf32, #tpu.memory_space<vmem>>
      %dma_start3A_152 = tpu.memref_slice %arg4[%mul3A_141] : memref<1280000xf32, #tpu.memory_space<hbm>> -> memref<10000xf32, #tpu.memory_space<hbm>>
      %dma_start3A_153 = tpu.memref_slice %arg4[%mul3A_141] : memref<1280000xf32, #tpu.memory_space<hbm>> -> memref<10000xf32, #tpu.memory_space<hbm>>
      %dma_start3A_154 = arith.constant 32768 : i32
      %dma_start3A_155 = tpu.memref_slice %arg6[%dma_start3A_154] : memref<65536xf32, #tpu.memory_space<vmem>> -> memref<10000xf32, #tpu.memory_space<vmem>>
      tpu.enqueue_dma source(%dma_start3A_155 : memref<10000xf32, #tpu.memory_space<vmem>>) target(%dma_start3A_153 : memref<10000xf32, #tpu.memory_space<hbm>>) target_semaphore(%run_scoped3A : memref<!tpu.dma_semaphore, #tpu.memory_space<semaphore_mem>>)
      %dma_wait3A_156 = arith.constant 32768 : i32
      %dma_wait3A_157 = tpu.memref_slice %arg6[%dma_wait3A_156] : memref<65536xf32, #tpu.memory_space<vmem>> -> memref<10000xf32, #tpu.memory_space<vmem>>
      %dma_wait3A_158 = tpu.memref_slice %arg4[%mul3A_141] : memref<1280000xf32, #tpu.memory_space<hbm>> -> memref<10000xf32, #tpu.memory_space<hbm>>
      %dma_wait3A_159 = tpu.memref_slice %arg4[%mul3A_141] : memref<1280000xf32, #tpu.memory_space<hbm>> -> memref<10000xf32, #tpu.memory_space<hbm>>
      %dma_wait3A_160 = arith.constant 32768 : i32
      %dma_wait3A_161 = tpu.memref_slice %arg6[%dma_wait3A_160] : memref<65536xf32, #tpu.memory_space<vmem>> -> memref<10000xf32, #tpu.memory_space<vmem>>
      tpu.wait_dma2 semaphore(%run_scoped3A : memref<!tpu.dma_semaphore, #tpu.memory_space<semaphore_mem>>) src(%dma_wait3A_161 : memref<10000xf32, #tpu.memory_space<vmem>>) dst(%dma_wait3A_159 : memref<10000xf32, #tpu.memory_space<hbm>>)
      tpu.yield
    }) : () -> ()
    %mul3A_142 = arith.constant 2 : i32
    %mul3A_143 = arith.muli %add3A, %mul3A_142 : i32
    %add3A_144 = arith.constant 64 : i32
    %add3A_145 = arith.addi %add3A_144, %mul3A_143 : i32
    %add3A_146 = arith.constant 1 : i32
    %add3A_147 = arith.addi %add3A_145, %add3A_146 : i32
    %mul3A_148 = arith.constant 10000 : i32
    %mul3A_149 = arith.muli %add3A_147, %mul3A_148 : i32
    "tpu.region"() ({
      %run_scoped3A = tpu.sem_alloc : memref<!tpu.dma_semaphore, #tpu.memory_space<semaphore_mem>>
      %dma_start3A_150 = arith.constant 49152 : i32
      %dma_start3A_151 = tpu.memref_slice %arg6[%dma_start3A_150] : memref<65536xf32, #tpu.memory_space<vmem>> -> memref<10000xf32, #tpu.memory_space<vmem>>
      %dma_start3A_152 = tpu.memref_slice %arg4[%mul3A_149] : memref<1280000xf32, #tpu.memory_space<hbm>> -> memref<10000xf32, #tpu.memory_space<hbm>>
      %dma_start3A_153 = tpu.memref_slice %arg4[%mul3A_149] : memref<1280000xf32, #tpu.memory_space<hbm>> -> memref<10000xf32, #tpu.memory_space<hbm>>
      %dma_start3A_154 = arith.constant 49152 : i32
      %dma_start3A_155 = tpu.memref_slice %arg6[%dma_start3A_154] : memref<65536xf32, #tpu.memory_space<vmem>> -> memref<10000xf32, #tpu.memory_space<vmem>>
      tpu.enqueue_dma source(%dma_start3A_155 : memref<10000xf32, #tpu.memory_space<vmem>>) target(%dma_start3A_153 : memref<10000xf32, #tpu.memory_space<hbm>>) target_semaphore(%run_scoped3A : memref<!tpu.dma_semaphore, #tpu.memory_space<semaphore_mem>>)
      %dma_wait3A_156 = arith.constant 49152 : i32
      %dma_wait3A_157 = tpu.memref_slice %arg6[%dma_wait3A_156] : memref<65536xf32, #tpu.memory_space<vmem>> -> memref<10000xf32, #tpu.memory_space<vmem>>
      %dma_wait3A_158 = tpu.memref_slice %arg4[%mul3A_149] : memref<1280000xf32, #tpu.memory_space<hbm>> -> memref<10000xf32, #tpu.memory_space<hbm>>
      %dma_wait3A_159 = tpu.memref_slice %arg4[%mul3A_149] : memref<1280000xf32, #tpu.memory_space<hbm>> -> memref<10000xf32, #tpu.memory_space<hbm>>
      %dma_wait3A_160 = arith.constant 49152 : i32
      %dma_wait3A_161 = tpu.memref_slice %arg6[%dma_wait3A_160] : memref<65536xf32, #tpu.memory_space<vmem>> -> memref<10000xf32, #tpu.memory_space<vmem>>
      tpu.wait_dma2 semaphore(%run_scoped3A : memref<!tpu.dma_semaphore, #tpu.memory_space<semaphore_mem>>) src(%dma_wait3A_161 : memref<10000xf32, #tpu.memory_space<vmem>>) dst(%dma_wait3A_159 : memref<10000xf32, #tpu.memory_space<hbm>>)
      tpu.yield
    }) : () -> ()
    return
  }
}

module attributes {stable_mosaic.version = 14 : i64} {
  func.func @body(%arg0: i32, %arg1: memref<2x80896xi32, #tpu.memory_space<vmem>>, %arg2: memref<2560x128xf32, #tpu.memory_space<vmem>>, %arg3: memref<80896xi32, #tpu.memory_space<vmem>>, %arg4: memref<64x2560xi32, #tpu.memory_space<vmem>>) attributes {dimension_semantics = [#tpu.dimension_semantics<arbitrary>], iteration_bounds = array<i64: 4>, scalar_prefetch = 0 : i64, scratch_operands = 0 : i64, tpu.core_type = #tpu.core_type<tc>, window_params = [{transform_indices = @transform_0, window_bounds = array<i64: 2, 80896>}, {transform_indices = @transform_1, window_bounds = array<i64: 2560, 128>}, {transform_indices = @transform_2, window_bounds = array<i64: 80896>}, {transform_indices = @transform_3, window_bounds = array<i64: 64, 2560>}]} {
    %get3A = arith.constant 0 : index
    %get3A_0 = arith.constant 0 : index
    %get3A_1 = vector.load %arg1[%get3A, %get3A_0] : memref<2x80896xi32, #tpu.memory_space<vmem>>, vector<1x80896xi32>
    %get3A_2 = vector.shape_cast %get3A_1 : vector<1x80896xi32> to vector<80896xi32>
    %get3A_3 = arith.constant 1 : index
    %get3A_4 = arith.constant 0 : index
    %get3A_5 = vector.load %arg1[%get3A_3, %get3A_4] : memref<2x80896xi32, #tpu.memory_space<vmem>>, vector<1x80896xi32>
    %get3A_6 = vector.shape_cast %get3A_5 : vector<1x80896xi32> to vector<80896xi32>
    %shift_left3A = arith.constant 16 : i32
    %shift_left3A_7 = vector.broadcast %shift_left3A : i32 to vector<80896xi32>
    %shift_left3A_8 = arith.shli %get3A_6, %shift_left3A_7 : vector<80896xi32>
    %or3A = arith.ori %get3A_2, %shift_left3A_8 : vector<80896xi32>
    %swap3A = arith.constant 0 : index
    %swap3A_9 = vector.load %arg3[%swap3A] : memref<80896xi32, #tpu.memory_space<vmem>>, vector<80896xi32>
    tpu.vector_store %arg3[%swap3A], %or3A {strides = array<i32>} : memref<80896xi32, #tpu.memory_space<vmem>>, vector<80896xi32>,
    %get3A_10 = arith.constant 0 : index
    %get3A_11 = arith.constant 0 : index
    %get3A_12 = vector.load %arg2[%get3A_10, %get3A_11] : memref<2560x128xf32, #tpu.memory_space<vmem>>, vector<2560x128xf32>
    %transpose3A = tpu.transpose %get3A_12, [1, 0] : vector<2560x128xf32> -> vector<128x2560xf32>
    %slice3A = vector.extract_strided_slice %transpose3A {offsets = [0, 0], sizes = [64, 2560], strides = [1, 1]} : vector<128x2560xf32> to vector<64x2560xf32>
    %slice3A_13 = vector.extract_strided_slice %transpose3A {offsets = [64, 0], sizes = [64, 2560], strides = [1, 1]} : vector<128x2560xf32> to vector<64x2560xf32>
    %convert_element_type3A = arith.truncf %slice3A : vector<64x2560xf32> to vector<64x2560xbf16>
    %convert_element_type3A_14 = arith.extf %convert_element_type3A : vector<64x2560xbf16> to vector<64x2560xf32>
    %bitcast_convert_type3A = tpu.bitcast %convert_element_type3A_14 : vector<64x2560xf32> -> vector<64x2560xi32>
    %convert_element_type3A_15 = arith.truncf %slice3A_13 : vector<64x2560xf32> to vector<64x2560xbf16>
    %convert_element_type3A_16 = arith.extf %convert_element_type3A_15 : vector<64x2560xbf16> to vector<64x2560xf32>
    %bitcast_convert_type3A_17 = tpu.bitcast %convert_element_type3A_16 : vector<64x2560xf32> -> vector<64x2560xi32>
    %shift_right_logical3A = arith.constant 16 : i32
    %shift_right_logical3A_18 = vector.broadcast %shift_right_logical3A : i32 to vector<64x2560xi32>
    %shift_right_logical3A_19 = arith.shrui %bitcast_convert_type3A, %shift_right_logical3A_18 : vector<64x2560xi32>
    %and3A = arith.constant -65536 : i32
    %and3A_20 = vector.broadcast %and3A : i32 to vector<64x2560xi32>
    %and3A_21 = arith.andi %bitcast_convert_type3A_17, %and3A_20 : vector<64x2560xi32>
    %or3A_22 = arith.ori %shift_right_logical3A_19, %and3A_21 : vector<64x2560xi32>
    %swap3A_23 = arith.constant 0 : index
    %swap3A_24 = arith.constant 0 : index
    %swap3A_25 = vector.load %arg4[%swap3A_23, %swap3A_24] : memref<64x2560xi32, #tpu.memory_space<vmem>>, vector<64x2560xi32>
    tpu.vector_store %arg4[%swap3A_23, %swap3A_24], %or3A_22 {strides = array<i32>} : memref<64x2560xi32, #tpu.memory_space<vmem>>, vector<64x2560xi32>,
    return
  }
  func.func @transform_0(%arg0: i32) -> (i32, i32) {
    %c0_i32 = arith.constant 0 : i32
    %c0_i32_0 = arith.constant 0 : i32
    return %c0_i32, %arg0 : i32, i32
  }
  func.func @transform_1(%arg0: i32) -> (i32, i32) {
    %c0_i32 = arith.constant 0 : i32
    %c0_i32_0 = arith.constant 0 : i32
    return %arg0, %c0_i32 : i32, i32
  }
  func.func @transform_2(%arg0: i32) -> i32 {
    %c0_i32 = arith.constant 0 : i32
    return %arg0 : i32
  }
  func.func @transform_3(%arg0: i32) -> (i32, i32) {
    %c0_i32 = arith.constant 0 : i32
    %c0_i32_0 = arith.constant 0 : i32
    return %c0_i32, %arg0 : i32, i32
  }
}

module attributes {stable_mosaic.version = 14 : i64} {
  func.func @body(%arg0: i32, %arg1: memref<128x2560xf32, #tpu.memory_space<vmem>>, %arg2: memref<64x128xf32, #tpu.memory_space<vmem>>, %arg3: memref<64x128xf32, #tpu.memory_space<vmem>>, %arg4: memref<64x1xf32, #tpu.memory_space<vmem>>, %arg5: memref<64x1xf32, #tpu.memory_space<vmem>>, %arg6: memref<64x2560xi32, #tpu.memory_space<vmem>>) attributes {dimension_semantics = [#tpu.dimension_semantics<arbitrary>], iteration_bounds = array<i64: 4>, scalar_prefetch = 0 : i64, scratch_operands = 0 : i64, tpu.core_type = #tpu.core_type<tc>, window_params = [{transform_indices = @transform_0, window_bounds = array<i64: 128, 2560>}, {pipeline_mode = #tpu.pipeline_mode<synchronous>, transform_indices = @transform_1, window_bounds = array<i64: 64, 128>}, {pipeline_mode = #tpu.pipeline_mode<synchronous>, transform_indices = @transform_2, window_bounds = array<i64: 64, 128>}, {pipeline_mode = #tpu.pipeline_mode<synchronous>, transform_indices = @transform_3, window_bounds = array<i64: 64, 1>}, {pipeline_mode = #tpu.pipeline_mode<synchronous>, transform_indices = @transform_4, window_bounds = array<i64: 64, 1>}, {transform_indices = @transform_5, window_bounds = array<i64: 64, 2560>}]} {
    %get3A = arith.constant 0 : index
    %get3A_0 = arith.constant 0 : index
    %get3A_1 = vector.load %arg1[%get3A, %get3A_0] : memref<128x2560xf32, #tpu.memory_space<vmem>>, vector<128x2560xf32>
    %get3A_2 = arith.constant 0 : index
    %get3A_3 = arith.constant 0 : index
    %get3A_4 = vector.load %arg2[%get3A_2, %get3A_3] : memref<64x128xf32, #tpu.memory_space<vmem>>, vector<64x128xf32>
    %dot_general3A = arith.constant dense<0.000000e+00> : vector<64x2560xf32>
    %dot_general3A_5 = tpu.matmul %get3A_4, %get3A_1, %dot_general3A {dimension_numbers = #tpu.dot_dimension_numbers<[1], [0], [0], [1], [0, 0, 1, 1], [], []>, transpose_lhs_hint = false} : vector<64x128xf32>, vector<128x2560xf32>, vector<64x2560xf32> -> vector<64x2560xf32>
    %get3A_6 = arith.constant 0 : index
    %get3A_7 = arith.constant 0 : index
    %get3A_8 = vector.load %arg4[%get3A_6, %get3A_7] : memref<64x1xf32, #tpu.memory_space<vmem>>, vector<64x1xf32>
    %add3A = vector.broadcast %get3A_8 : vector<64x1xf32> to vector<64x2560xf32>
    %add3A_9 = arith.addf %dot_general3A_5, %add3A : vector<64x2560xf32>
    %max3A = arith.constant 0.000000e+00 : f32
    %max3A_10 = vector.broadcast %max3A : f32 to vector<64x2560xf32>
    %max3A_11 = arith.maximumf %add3A_9, %max3A_10 : vector<64x2560xf32>
    %get3A_12 = arith.constant 0 : index
    %get3A_13 = arith.constant 0 : index
    %get3A_14 = vector.load %arg3[%get3A_12, %get3A_13] : memref<64x128xf32, #tpu.memory_space<vmem>>, vector<64x128xf32>
    %dot_general3A_15 = arith.constant dense<0.000000e+00> : vector<64x2560xf32>
    %dot_general3A_16 = tpu.matmul %get3A_14, %get3A_1, %dot_general3A_15 {dimension_numbers = #tpu.dot_dimension_numbers<[1], [0], [0], [1], [0, 0, 1, 1], [], []>, transpose_lhs_hint = false} : vector<64x128xf32>, vector<128x2560xf32>, vector<64x2560xf32> -> vector<64x2560xf32>
    %get3A_17 = arith.constant 0 : index
    %get3A_18 = arith.constant 0 : index
    %get3A_19 = vector.load %arg5[%get3A_17, %get3A_18] : memref<64x1xf32, #tpu.memory_space<vmem>>, vector<64x1xf32>
    %add3A_20 = vector.broadcast %get3A_19 : vector<64x1xf32> to vector<64x2560xf32>
    %add3A_21 = arith.addf %dot_general3A_16, %add3A_20 : vector<64x2560xf32>
    %max3A_22 = arith.constant 0.000000e+00 : f32
    %max3A_23 = vector.broadcast %max3A_22 : f32 to vector<64x2560xf32>
    %max3A_24 = arith.maximumf %add3A_21, %max3A_23 : vector<64x2560xf32>
    %convert_element_type3A = arith.truncf %max3A_11 : vector<64x2560xf32> to vector<64x2560xbf16>
    %convert_element_type3A_25 = arith.extf %convert_element_type3A : vector<64x2560xbf16> to vector<64x2560xf32>
    %bitcast_convert_type3A = tpu.bitcast %convert_element_type3A_25 : vector<64x2560xf32> -> vector<64x2560xi32>
    %convert_element_type3A_26 = arith.truncf %max3A_24 : vector<64x2560xf32> to vector<64x2560xbf16>
    %convert_element_type3A_27 = arith.extf %convert_element_type3A_26 : vector<64x2560xbf16> to vector<64x2560xf32>
    %bitcast_convert_type3A_28 = tpu.bitcast %convert_element_type3A_27 : vector<64x2560xf32> -> vector<64x2560xi32>
    %shift_right_logical3A = arith.constant 16 : i32
    %shift_right_logical3A_29 = vector.broadcast %shift_right_logical3A : i32 to vector<64x2560xi32>
    %shift_right_logical3A_30 = arith.shrui %bitcast_convert_type3A, %shift_right_logical3A_29 : vector<64x2560xi32>
    %and3A = arith.constant -65536 : i32
    %and3A_31 = vector.broadcast %and3A : i32 to vector<64x2560xi32>
    %and3A_32 = arith.andi %bitcast_convert_type3A_28, %and3A_31 : vector<64x2560xi32>
    %or3A = arith.ori %shift_right_logical3A_30, %and3A_32 : vector<64x2560xi32>
    %swap3A = arith.constant 0 : index
    %swap3A_33 = arith.constant 0 : index
    %swap3A_34 = vector.load %arg6[%swap3A, %swap3A_33] : memref<64x2560xi32, #tpu.memory_space<vmem>>, vector<64x2560xi32>
    tpu.vector_store %arg6[%swap3A, %swap3A_33], %or3A {strides = array<i32>} : memref<64x2560xi32, #tpu.memory_space<vmem>>, vector<64x2560xi32>,
    return
  }
  func.func @transform_0(%arg0: i32) -> (i32, i32) {
    %c0_i32 = arith.constant 0 : i32
    %c0_i32_0 = arith.constant 0 : i32
    return %c0_i32, %arg0 : i32, i32
  }
  func.func @transform_1(%arg0: i32) -> (i32, i32) {
    %c0_i32 = arith.constant 0 : i32
    %c0_i32_0 = arith.constant 0 : i32
    %c0_i32_1 = arith.constant 0 : i32
    return %c0_i32, %c0_i32_0 : i32, i32
  }
  func.func @transform_2(%arg0: i32) -> (i32, i32) {
    %c0_i32 = arith.constant 0 : i32
    %c0_i32_0 = arith.constant 0 : i32
    %c0_i32_1 = arith.constant 0 : i32
    return %c0_i32, %c0_i32_0 : i32, i32
  }
  func.func @transform_3(%arg0: i32) -> (i32, i32) {
    %c0_i32 = arith.constant 0 : i32
    %c0_i32_0 = arith.constant 0 : i32
    %c0_i32_1 = arith.constant 0 : i32
    return %c0_i32, %c0_i32_0 : i32, i32
  }
  func.func @transform_4(%arg0: i32) -> (i32, i32) {
    %c0_i32 = arith.constant 0 : i32
    %c0_i32_0 = arith.constant 0 : i32
    %c0_i32_1 = arith.constant 0 : i32
    return %c0_i32, %c0_i32_0 : i32, i32
  }
  func.func @transform_5(%arg0: i32) -> (i32, i32) {
    %c0_i32 = arith.constant 0 : i32
    %c0_i32_0 = arith.constant 0 : i32
    return %c0_i32, %arg0 : i32, i32
  }
}

module attributes {stable_mosaic.version = 14 : i64} {
  func.func @body(%arg0: i32, %arg1: memref<128x2560xf32, #tpu.memory_space<vmem>>, %arg2: memref<128x128xf32, #tpu.memory_space<vmem>>, %arg3: memref<1x128xf32, #tpu.memory_space<vmem>>, %arg4: memref<2560x128xf32, #tpu.memory_space<vmem>>) attributes {dimension_semantics = [#tpu.dimension_semantics<arbitrary>], iteration_bounds = array<i64: 4>, scalar_prefetch = 0 : i64, scratch_operands = 0 : i64, tpu.core_type = #tpu.core_type<tc>, window_params = [{transform_indices = @transform_0, window_bounds = array<i64: 128, 2560>}, {pipeline_mode = #tpu.pipeline_mode<synchronous>, transform_indices = @transform_1, window_bounds = array<i64: 128, 128>}, {pipeline_mode = #tpu.pipeline_mode<synchronous>, transform_indices = @transform_2, window_bounds = array<i64: 1, 128>}, {transform_indices = @transform_3, window_bounds = array<i64: 2560, 128>}]} {
    %get3A = arith.constant 0 : index
    %get3A_0 = arith.constant 0 : index
    %get3A_1 = vector.load %arg1[%get3A, %get3A_0] : memref<128x2560xf32, #tpu.memory_space<vmem>>, vector<128x2560xf32>
    %get3A_2 = arith.constant 0 : index
    %get3A_3 = arith.constant 0 : index
    %get3A_4 = vector.load %arg2[%get3A_2, %get3A_3] : memref<128x128xf32, #tpu.memory_space<vmem>>, vector<128x128xf32>
    %dot_general3A = arith.constant dense<0.000000e+00> : vector<2560x128xf32>
    %dot_general3A_5 = tpu.matmul %get3A_1, %get3A_4, %dot_general3A {dimension_numbers = #tpu.dot_dimension_numbers<[0], [1], [1], [0], [0, 1, 1, 0], [], []>, transpose_lhs_hint = false} : vector<128x2560xf32>, vector<128x128xf32>, vector<2560x128xf32> -> vector<2560x128xf32>
    %get3A_6 = arith.constant 0 : index
    %get3A_7 = arith.constant 0 : index
    %get3A_8 = vector.load %arg3[%get3A_6, %get3A_7] : memref<1x128xf32, #tpu.memory_space<vmem>>, vector<1x128xf32>
    %add3A = vector.broadcast %get3A_8 : vector<1x128xf32> to vector<2560x128xf32>
    %add3A_9 = arith.addf %dot_general3A_5, %add3A : vector<2560x128xf32>
    %swap3A = arith.constant 0 : index
    %swap3A_10 = arith.constant 0 : index
    %swap3A_11 = vector.load %arg4[%swap3A, %swap3A_10] : memref<2560x128xf32, #tpu.memory_space<vmem>>, vector<2560x128xf32>
    tpu.vector_store %arg4[%swap3A, %swap3A_10], %add3A_9 {strides = array<i32>} : memref<2560x128xf32, #tpu.memory_space<vmem>>, vector<2560x128xf32>,
    return
  }
  func.func @transform_0(%arg0: i32) -> (i32, i32) {
    %c0_i32 = arith.constant 0 : i32
    %c0_i32_0 = arith.constant 0 : i32
    return %c0_i32, %arg0 : i32, i32
  }
  func.func @transform_1(%arg0: i32) -> (i32, i32) {
    %c0_i32 = arith.constant 0 : i32
    %c0_i32_0 = arith.constant 0 : i32
    %c0_i32_1 = arith.constant 0 : i32
    return %c0_i32, %c0_i32_0 : i32, i32
  }
  func.func @transform_2(%arg0: i32) -> (i32, i32) {
    %c0_i32 = arith.constant 0 : i32
    %c0_i32_0 = arith.constant 0 : i32
    %c0_i32_1 = arith.constant 0 : i32
    return %c0_i32, %c0_i32_0 : i32, i32
  }
  func.func @transform_3(%arg0: i32) -> (i32, i32) {
    %c0_i32 = arith.constant 0 : i32
    %c0_i32_0 = arith.constant 0 : i32
    return %arg0, %c0_i32 : i32, i32
  }
}

</mosaic_0001>

<sc_bundles>
// kernel: kernel.10.cloned.1.call-start
scs
__scs_entry_jumppad:
0x0: {  	(pc) =	sbr.rel $0x88, $3  }
0x1: {  	(tag) =	ssettag $0x0;
	lr =	simm.s32 $0x1  }
0x2: {  	[smem:$0x3F9B] =	sst lr;
	_ =	strace $0xD0000000  }
0x3: {  	_ = 	snop  }
0x4: {  	_ = 	snop  }
0x5: {  	_ = 	snop  }
0x6: {  	_ = 	snop  }
0x7: {  	_ = 	snop  }
__scs_overlays_trampoline_lowered:
0x8: {  	[smem:$0x3FAA] =	sst s0  }
0x9: {  	[smem:$0x3FAB] =	sst s1  }
0xa: {  	[smem:$0x3FAC] =	sst s2  }
0xb: {  	[smem:$0x3FAD] =	sst s3  }
0xc: {  	[smem:$0x3FAE] =	sst s4  }
0xd: {  	[smem:$0x3FAF] =	sst s5  }
0xe: {  	[smem:$0x3FB0] =	sst s6  }
0xf: {  	[smem:$0x3FB1] =	sst s7  }
0x10: {  	[smem:$0x3FB2] =	sst s8  }
0x11: {  	[smem:$0x3FB3] =	sst s9;
	s0 =	simm.s32 @!p0 $0x0  }
0x12: {  	s1 =	sld [smem:$0x3F99];
	s0 =	simm.s32 @p0 $0x1  }
0x13: {  	[smem:$0x3FB4] =	sst s0;
	s0 =	simm.s32 @!p1 $0x0  }
0x14: {  	s2 =	sld [smem:$0x3F98];
	s0 =	simm.s32 @p1 $0x1  }
0x15: {  	[smem:$0x3FB5] =	sst s0;
	s0 =	simm.s32 @!p2 $0x0  }
0x16: {  	s3 =	sld [smem:$0x3FDB];
	s0 =	simm.s32 @p2 $0x1  }
0x17: {  	s4 =	simm.s32 $0x1BF5;
	[smem:$0x3FB7] =	sst s0  }
0x18: {  	s0 =	sld [smem:$0x3F9A];
	_ =	swait.ge [sflag:s4], $0x0  }
0x19: {  	s7 =	sld [smem:$0x3F9B]  }
0x1a: {  	s8 =	sadd.s32 $0xFFFFE003, lr  }
0x1b: {  	s9 =	sadd.s32 $0xFFFFFEF7, lr;
	s5 =	simm.s32 $0xFFFFFFFF;
	p2 =	slt.u32 s8, $0xFFFFF086  }
0x1c: {  	p1 =	slt.u32 s9, $0xF7A;
	s5 =	simm.s32 @!p2 $0x0  }
0x1d: {  	s5 =	simm.s32 @p1 $0x1;
	p0 =	seq.s32 s7, s2  }
0x1e: {  	s7 =	smul.u32 @!p0 $0xF7A, s2;
	p2 =	seq.s32 @!p0 s5, $0x0  }
0x1f: {  	s9 =	smul.u32 $0xF7A, s1;
	s8 =	simm.s32 @!p0 $0x1BF5;
	p2 =	por !p2, p0  }
0x20: {  	[sflag:s8] =	ssyncset.s32 @!p0 $0xFFFFF086;
	s6 =	sadd.s32 @!p0 s3, s7;
	s7 =	simm.s32 @!p0 $0x108  }
0x21: {  	s3 =	sadd.s32 s3, s9;
	s6 =	sadd.s32 @!p0 $0x88, s6;
	s7 =	simm.s32 @p2 $0x1082  }
0x22: {  	[simem:s7], [sflag:s8] =	dma.local @!p0 [hbm:s6], $0xF7A  }
0x23: {  	s9 =	sor.u32 $0xD0000000, s2;
	s6 =	simm.s32 $0x108;
	_ =	swait.ge @!p0 [sflag:s8], $0x0  }
0x24: {  	s3 =	sadd.s32 $0x88, s3;
	s6 =	simm.s32 @!p1 $0x1082;
	[sflag:s4] =	ssyncset.s32 $0xFFFFF086  }
0x25: {  	[simem:s6], [sflag:s4] =	dma.local [hbm:s3], $0xF7A  }
0x26: {  	[smem:$0x3F9B] =	sst s1;
	(tag) =	ssettag s2;
	_ =	strace s9  }
0x27: {  	s1 =	sld [smem:$0x3FAB]  }
0x28: {  	s2 =	sld [smem:$0x3FAC]  }
0x29: {  	s4 =	sld [smem:$0x3FAE]  }
0x2a: {  	p0 =	seq.s32 s5, $0x0;
	s5 =	sld [smem:$0x3FAF]  }
0x2b: {  	s6 =	sld [smem:$0x3FB0]  }
0x2c: {  	s7 =	sld [smem:$0x3FB1]  }
0x2d: {  	s3 =	simm.s32 $0x108;
	s8 =	sld [smem:$0x3FB2]  }
0x2e: {  	s3 =	simm.s32 @!p0 $0x1082;
	s9 =	sld [smem:$0x3FB3]  }
0x2f: {  	lr =	sadd.s32 s0, s3;
	s0 =	sld [smem:$0x3FAA]  }
0x30: {  	s3 =	sld [smem:$0x3FAD]  }
0x31: {  	[smem:$0x3FB6] =	sst s10  }
0x32: {  	s10 =	sld [smem:$0x3FB4];
	_ =	sdelay $0x3  }
0x33: {  	p0 =	seq.s32 s10, $0x1;
	s10 =	sld [smem:$0x3FB6];
	_ =	sdelay $0x3  }
0x34: {  	[smem:$0x3FB6] =	sst s10  }
0x35: {  	s10 =	sld [smem:$0x3FB5];
	_ =	sdelay $0x3  }
0x36: {  	p1 =	seq.s32 s10, $0x1;
	s10 =	sld [smem:$0x3FB6];
	_ =	sdelay $0x3  }
0x37: {  	[smem:$0x3FB6] =	sst s10  }
0x38: {  	s10 =	sld [smem:$0x3FB7]  }
0x39: {  	_ = 	snop;
	(pc) =	sbr.ind lr, $3  }
0x3a: {  	_ = 	snop  }
0x3b: {  	_ = 	snop  }
0x3c: {  	p2 =	seq.s32 s10, $0x1;
	s10 =	sld [smem:$0x3FB6]  }
0x3d: {  	_ =	shalt  }
0x3e: {  	_ =	shalt  }
0x3f: {  	_ =	shalt  }
0x40: {  	_ =	shalt  }
0x41: {  	_ =	shalt  }
0x42: {  	_ =	shalt  }
0x43: {  	_ =	shalt  }
0x44: {  	_ =	shalt  }
0x45: {  	_ =	shalt  }
0x46: {  	_ =	shalt  }
0x47: {  	_ =	shalt  }
0x48: {  	_ =	shalt  }
0x49: {  	_ =	shalt  }
0x4a: {  	_ =	shalt  }
0x4b: {  	_ =	shalt  }
0x4c: {  	_ =	shalt  }
0x4d: {  	_ =	shalt  }
0x4e: {  	_ =	shalt  }
0x4f: {  	_ =	shalt  }
0x50: {  	_ =	shalt  }
0x51: {  	_ =	shalt  }
0x52: {  	_ =	shalt  }
0x53: {  	_ =	shalt  }
0x54: {  	_ =	shalt  }
0x55: {  	_ =	shalt  }
0x56: {  	_ =	shalt  }
0x57: {  	_ =	shalt  }
0x58: {  	_ =	shalt  }
0x59: {  	_ =	shalt  }
0x5a: {  	_ =	shalt  }
0x5b: {  	_ =	shalt  }
0x5c: {  	_ =	shalt  }
0x5d: {  	_ =	shalt  }
0x5e: {  	_ =	shalt  }
0x5f: {  	_ =	shalt  }
0x60: {  	_ =	shalt  }
0x61: {  	_ =	shalt  }
0x62: {  	_ =	shalt  }
0x63: {  	_ =	shalt  }
0x64: {  	_ =	shalt  }
0x65: {  	_ =	shalt  }
0x66: {  	_ =	shalt  }
0x67: {  	_ =	shalt  }
0x68: {  	_ =	shalt  }
0x69: {  	_ =	shalt  }
0x6a: {  	_ =	shalt  }
0x6b: {  	_ =	shalt  }
0x6c: {  	_ =	shalt  }
0x6d: {  	_ =	shalt  }
0x6e: {  	_ =	shalt  }
0x6f: {  	_ =	shalt  }
0x70: {  	_ =	shalt  }
0x71: {  	_ =	shalt  }
0x72: {  	_ =	shalt  }
0x73: {  	_ =	shalt  }
0x74: {  	_ =	shalt  }
0x75: {  	_ =	shalt  }
0x76: {  	_ =	shalt  }
0x77: {  	_ =	shalt  }
0x78: {  	_ =	shalt  }
0x79: {  	_ =	shalt  }
0x7a: {  	_ =	shalt  }
0x7b: {  	_ =	shalt  }
0x7c: {  	_ =	shalt  }
0x7d: {  	_ =	shalt  }
0x7e: {  	_ =	shalt  }
0x7f: {  	_ =	shalt  }
0x80: {  	_ =	shalt  }
0x81: {  	_ =	shalt  }
0x82: {  	_ =	shalt  }
0x83: {  	_ =	shalt  }
0x84: {  	_ =	shalt  }
0x85: {  	_ =	shalt  }
0x86: {  	_ =	shalt  }
0x87: {  	_ =	shalt  }
.Lfunc_end0:
.L_simem_size_0:
called_computation.1_lowered:
.L_overlay_start_0:
0x88: {  	s2 =	sld [smem:$0x3FD9]  }
0x89: {  	s3 =	sld [smem:$0x3FFE];
	_ =	sdelay $0x1  }
0x8a: {  	s1 =	srdreg.scid  }
0x8b: {  	s0 =	sand.u32 $0x1, s1  }
0x8c: {  	s17 =	sshll.u32 s0, $0xA;
	s2 =	sadd.s32 s3, s2  }
0x8d: {  	s2 =	sadd.s32 s2, s17  }
0x8e: {  	[smem:$0x3FC2] =	sst s2  }
0x8f: {  	_ = 	snop  }
0x90: {  	s2 =	sld [smem:$0x3FD0];
	(tm) =	ssettm $0x1  }
0x91: {  	s18 =	sld [smem:$0x3FFB];
	_ =	sdelay $0x3  }
0x92: {  	_ =	strace s18  }
0x93: {  	s3 =	sld [smem:$0x3FFC];
	_ =	sdelay $0x3  }
0x94: {  	_ =	strace s3  }
0x95: {  	s3 =	sld [smem:$0x3FFD];
	_ =	sdelay $0x3  }
0x96: {  	_ =	strace s3  }
0x97: {  	_ =	strace $0x8FFFFFFF  }
0x98: {  	s19 =	sld [smem:$0x3FDB];
	_ =	sdelay $0x1  }
0x99: {  	s4 =	simm.s32 $_scs_section_size  }
0x9a: {  	s5 =	simm.s32 $_size__tile_overlayer_lowered;
	s6 =	simm.s32 $_tile_overlayer_lowered  }
0x9b: {  	s22 =	simm.s32 $0x1BFF;
	s21 =	sshll.u32 s6, $0x1;
	s3 =	sadd.s32 s4, s19  }
0x9c: {  	s7 =	simm.s32 $0x0;
	s20 =	sshll.u32 s5, $0x1;
	s5 =	sadd.s32 s21, s3  }
0x9d: {  	[timem:s7], [sflag:s22] =	dma.local [hbm:s5], s20  }
0x9e: {  	_ =	swait.ge [sflag:s22], s20  }
0x9f: {  	s4 =	ssub.s32 $0x0, s20;
	[sflag:s22] =	ssyncset.done $0x0  }
0xa0: {  	[sflag:s22] =	ssyncadd.s32 s4;
	_ =	sdelay $0x1  }
0xa1: {  	s23 =	simm.s32 $0x1B8B  }
0xa2: {  	_ =	swait.ge [sflag:s23], $0x1  }
0xa3: {  	[sflag:s23] =	ssyncset.done $0x0  }
0xa4: {  	s25 =	simm.s32 $0x1B8E;
	s24 =	sld [smem:$0x3FFE];
	[sflag:s23] =	ssyncadd.s32 $0xFFFFFFFF  }
0xa5: {  	s26 =	simm.s32 $execute0_lowered;
	[smem:$0x3FD2] =	sst s25  }
0xa6: {  	s5 =	sshll.u32 s26, $0x1;
	_ =	strace $0x80000049;
	[dreg:$0x1] =	wrdreg $0xFFFFFFFF  }
0xa7: {  	s28 =	simm.s32 $_size_execute0_lowered;
	s3 =	sadd.s32 s3, s5;
	[dreg:$0x0] =	wrdreg $0x0  }
0xa8: {  	s5 =	sshll.u32 s28, $0x1;
	[dreg:$0x2] =	wrdreg s3  }
0xa9: {  	[dreg:$0x3] =	wrdreg s5  }
0xaa: {  	[dreg:$0x4] =	wrdreg $0xC0  }
0xab: {  	_ =	task [dreg:s7], $0x5FFFF  }
0xac: {  	[dreg:$0x1] =	wrdreg $0xFFFFFFFF  }
0xad: {  	[dreg:$0x0] =	wrdreg $0x60  }
0xae: {  	[dreg:$0x2] =	wrdreg s24  }
0xaf: {  	[dreg:$0x3] =	wrdreg s2  }
0xb0: {  	[dreg:$0x4] =	wrdreg $0x9  }
0xb1: {  	_ =	task.clear_ibuf [dreg:s7], $0x5FFFF;
	_ =	strace $0x90000049  }
0xb2: {  	s29 =	simm.s32 $0x9;
	_ =	strace $0x8000004B  }
0xb3: {  	_ =	swait.ge [sflag:s29], $0x1  }
0xb4: {  	[sflag:s29] =	ssyncadd.s32 $0xFFFFFFFF  }
0xb5: {  	_ =	strace $0x9000004B  }
0xb6: {  	_ =	sfence  }
0xb7: {  	s30 =	sld [smem:$0x0];
	_ =	sdelay $0x2  }
0xb8: {  	s31 =	sshll.u32 s1, $0xD;
	s1 =	sshrl.u32 s1, $0x2  }
0xb9: {  	s3 =	sand.u32 $0x4000, s31;
	s1 =	sadd.s32 s1, s30  }
0xba: {  	s0 =	sor.u32 s3, s0;
	s1 =	sshll.u32 s1, $0x11  }
0xbb: {  	s0 =	sor.u32 s1, s0  }
0xbc: {  	s0 =	sadd.s32 $0x8F2B, s0  }
0xbd: {  	[sflag:s0] =	ssyncadd.remote.s32 $0x1  }
0xbe: {  	_ =	sfence.sel $0xFFFF  }
0xbf: {  	[dreg:$0x0] =	wrdreg $0xFFFFFFFF;
	(pc) =	sbr.abs _section_cstart, $3  }
0xc0: {  	[dreg:$0x1] =	wrdreg $0xFFFFFFFF  }
0xc1: {  	_ =	task.clear_ibuf [dreg:s7], $0x2FFFF;
	_ =	strace $0x9FFFFFFF  }
0xc2: {  	(tm) =	ssettm $0x7FFFFFFF  }
0xc3: {  	_ =	shalt  }
tec
execute0_lowered:
.L_overlay_start_1:
0x0: {  	(tag) =	ssettag $0x1  }
0x1: {  	s6 =	rddreg [dreg:$0x0]  }
0x2: {  	s1 =	srdreg.scid;
	s0 =	stileid.u32  }
0x3: {  	s9 =	rddreg [dreg:$0x1];
	s2 =	simm.s32 $0x0;
	s14 =	simm.s32 $0x18FA0  }
0x4: {  	s15 =	simm.s32 $0x3;
	s16 =	simm.s32 $0x1;
	s17 =	simm.s32 $0x8000  }
0x5: {  	s18 =	simm.s32 $0x2;
	s19 =	simm.s32 $0x4;
	s20 =	simm.s32 $0xC000  }
0x6: {  	s21 =	simm.s32 $0x10000;
	s22 =	simm.s32 $0x14000;
	s23 =	simm.s32 $0x0  }
0x7: {  	s3 =	sand.u32 $0x1, s1;
	s4 =	sshll.u32 s0, $0x1;
	s1 =	rddreg [dreg:$0x2]  }
0x8: {  	[smem:$0x7FF] =	sst s2;
	s7 =	sadd.s32 $0xBA00, s6;
	s4 =	sor.u32 s3, s4  }
0x9: {  	_ =	strace $0x8000004A;
	s8 =	ssub.s32 $0x2, s3;
	s5 =	smul.u32 $0x4E20, s4  }
0xa: {  	s3 =	sadd.s32 $0x1C00, s6;
	s6 =	sadd.s32 $0x1DF4, s6;
	s11 =	smul.u32 $0x9C4, s4  }
.Ltmp0:
0xb: {  	s10 =	sshrl.u32 s8, $0x1;
	s12 =	sshrl.u32 s5, $0x3;
	(pc) =	sbr.rel .LBB2_1-.Ltmp0, $4  }
0xc: {  	s13 =	ssub.s32 s8, s10;
	s4 =	sadd.s32 s7, s11;
	s30 =	sadd.s32 $0x4E2, s12  }
0xd: {  	s31 =	sadd.s32 s9, s12;
	s12 =	simm.s32 $0x4000;
	s5 =	sadd.s32 s7, s30  }
0xe: {  	s7 =	sadd.s32 s9, s11;
	s8 =	sadd.s32 s9, s30;
	s9 =	sadd.s32 $0x13880, s31  }
0xf: {  	v0 =	vimm.f32 $0.0e+00;
	s10 =	sadd.s32 $0x13D62, s31;
	s11 =	smax.u32 s13, $0x1;
	s13 =	simm.s32 $0x18000  }
.LBB2_16:
0x10: {  	[hbm4b:s7+s2] =	stream.linear.scatter [tilespmem:s17], [sflag:$0x4], $0x2710, $0x38;
	[tilespmem:$0x19F40] =	vst v63  }
0x11: {  	_ =	swait.ge [sflag:s19], $0x2710  }
0x12: {  	[sflag:s19] =	ssyncset.done $0x0  }
0x13: {  	[sflag:s19] =	ssyncadd.s32 $0xFFFFD8F0  }
0x14: {  	[hbm4b:s8+s2] =	stream.linear.scatter [tilespmem:s20], [sflag:$0x4], $0x2710, $0x38;
	[tilespmem:$0x19F40] =	vst v63  }
0x15: {  	_ =	swait.ge [sflag:s19], $0x2710  }
0x16: {  	[sflag:s19] =	ssyncset.done $0x0  }
0x17: {  	[sflag:s19] =	ssyncadd.s32 $0xFFFFD8F0  }
0x18: {  	[hbm4b:s9+s2] =	stream.linear.scatter [tilespmem:s21], [sflag:$0x4], $0x2710, $0x38;
	[tilespmem:$0x19F40] =	vst v63  }
0x19: {  	s23 =	sadd.s32 $0x1, s23;
	_ =	swait.ge [sflag:s19], $0x2710  }
0x1a: {  	p0 =	sne.s32 s23, s11;
	[sflag:s19] =	ssyncset.done $0x0  }
.Ltmp1:
0x1b: {  	[sflag:s19] =	ssyncadd.s32 $0xFFFFD8F0;
	(pc) =	sbr.rel @!p0 .LBB2_17-.Ltmp1, $4  }
0x1c: {  	[hbm4b:s10+s2] =	stream.linear.scatter [tilespmem:s22], [sflag:$0x4], $0x2710, $0x38;
	[tilespmem:$0x19F40] =	vst v63  }
0x1d: {  	_ =	swait.ge [sflag:s19], $0x2710  }
0x1e: {  	[sflag:s19] =	ssyncset.done $0x0  }
0x1f: {  	[sflag:s19] =	ssyncadd.s32 $0xFFFFD8F0  }
.LBB2_1:
0x20: {  	[tilespmem:s2], [sflag:$0x3] =	stream.linear.gather [hbm4b:s4+s2], $0x2710, $0x38;
	[tilespmem:$0x19F40] =	vst v63  }
0x21: {  	_ = 	snop  }
0x22: {  	[tilespmem:s12], [sflag:$0x3] =	stream.linear.gather [hbm4b:s5+s2], $0x2710, $0x38;
	[tilespmem:$0x19F40] =	vst v63  }
0x23: {  	_ = 	snop  }
0x24: {  	[tilespmem:s13], [sflag:$0x1] =	stream.linear.gather [hbm4b:s3+s2], $0xFA0, $0x38;
	[tilespmem:$0x19F40] =	vst v63  }
0x25: {  	s24 =	simm.s32 $0x8040  }
0x26: {  	[tilespmem:s14], [sflag:$0x2] =	stream.linear.gather [hbm4b:s6+s2], $0xFA0, $0x38;
	[tilespmem:$0x19F40] =	vst v63  }
0x27: {  	[tilespmem:s24+$0xFFFFFFC0] =	vst v0  }
0x28: {  	[tilespmem:s24+$0x30] =	vst v0  }
0x29: {  	[tilespmem:s24+$0x20] =	vst v0  }
0x2a: {  	[tilespmem:s24+$0x10] =	vst v0  }
0x2b: {  	[tilespmem:s24+$0x0] =	vst v0  }
0x2c: {  	[tilespmem:s24+$0xFFFFFFF0] =	vst v0  }
0x2d: {  	s25 =	simm.s32 $0x0;
	[tilespmem:s24+$0xFFFFFFE0] =	vst v0  }
.LBB2_2:
0x2e: {  	s25 =	sadd.s32 $0x8, s25;
	[tilespmem:s24+$0xFFFFFFD0] =	vst v0;
	s24 =	sadd.s32 $0x80, s24  }
0x2f: {  	[tilespmem:s24+$0xFFFFFFC0] =	vst v0;
	p0 =	slt.u32 s25, $0x268  }
0x30: {  	[tilespmem:s24+$0x30] =	vst v0  }
.Ltmp2:
0x31: {  	[tilespmem:s24+$0x20] =	vst v0;
	(pc) =	sbr.rel @p0 .LBB2_2-.Ltmp2, $4  }
0x32: {  	[tilespmem:s24+$0x10] =	vst v0  }
0x33: {  	[tilespmem:s24+$0x0] =	vst v0  }
0x34: {  	[tilespmem:s24+$0xFFFFFFF0] =	vst v0  }
0x35: {  	[tilespmem:s24+$0xFFFFFFE0] =	vst v0  }
0x36: {  	[tilespmem:s24+$0xFFFFFFD0] =	vst v0  }
0x37: {  	s24 =	simm.s32 $0xC070;
	[tilespmem:$0xA700] =	vst v0  }
0x38: {  	[tilespmem:s24+$0xFFFFFF90] =	vst v0  }
0x39: {  	[tilespmem:s24+$0x0] =	vst v0  }
0x3a: {  	[tilespmem:s24+$0xFFFFFFF0] =	vst v0  }
0x3b: {  	[tilespmem:s24+$0xFFFFFFE0] =	vst v0  }
0x3c: {  	[tilespmem:s24+$0xFFFFFFD0] =	vst v0  }
0x3d: {  	[tilespmem:s24+$0xFFFFFFC0] =	vst v0  }
0x3e: {  	s25 =	simm.s32 $0x0;
	[tilespmem:s24+$0xFFFFFFB0] =	vst v0  }
.LBB2_4:
0x3f: {  	s25 =	sadd.s32 $0x8, s25;
	[tilespmem:s24+$0xFFFFFFA0] =	vst v0;
	s24 =	sadd.s32 $0x80, s24  }
0x40: {  	[tilespmem:s24+$0xFFFFFF90] =	vst v0;
	p0 =	slt.u32 s25, $0x268  }
0x41: {  	[tilespmem:s24+$0x0] =	vst v0  }
.Ltmp3:
0x42: {  	[tilespmem:s24+$0xFFFFFFF0] =	vst v0;
	(pc) =	sbr.rel @p0 .LBB2_4-.Ltmp3, $4  }
0x43: {  	[tilespmem:s24+$0xFFFFFFE0] =	vst v0  }
0x44: {  	[tilespmem:s24+$0xFFFFFFD0] =	vst v0  }
0x45: {  	[tilespmem:s24+$0xFFFFFFC0] =	vst v0  }
0x46: {  	[tilespmem:s24+$0xFFFFFFB0] =	vst v0  }
0x47: {  	[tilespmem:s24+$0xFFFFFFA0] =	vst v0  }
0x48: {  	s24 =	simm.s32 $0x10070;
	[tilespmem:$0xE700] =	vst v0  }
0x49: {  	[tilespmem:s24+$0xFFFFFF90] =	vst v0  }
0x4a: {  	[tilespmem:s24+$0x0] =	vst v0  }
0x4b: {  	[tilespmem:s24+$0xFFFFFFF0] =	vst v0  }
0x4c: {  	[tilespmem:s24+$0xFFFFFFE0] =	vst v0  }
0x4d: {  	[tilespmem:s24+$0xFFFFFFD0] =	vst v0  }
0x4e: {  	[tilespmem:s24+$0xFFFFFFC0] =	vst v0  }
0x4f: {  	s25 =	simm.s32 $0x0;
	[tilespmem:s24+$0xFFFFFFB0] =	vst v0  }
.LBB2_6:
0x50: {  	s25 =	sadd.s32 $0x8, s25;
	[tilespmem:s24+$0xFFFFFFA0] =	vst v0;
	s24 =	sadd.s32 $0x80, s24  }
0x51: {  	[tilespmem:s24+$0xFFFFFF90] =	vst v0;
	p0 =	slt.u32 s25, $0x268  }
0x52: {  	[tilespmem:s24+$0x0] =	vst v0  }
.Ltmp4:
0x53: {  	[tilespmem:s24+$0xFFFFFFF0] =	vst v0;
	(pc) =	sbr.rel @p0 .LBB2_6-.Ltmp4, $4  }
0x54: {  	[tilespmem:s24+$0xFFFFFFE0] =	vst v0  }
0x55: {  	[tilespmem:s24+$0xFFFFFFD0] =	vst v0  }
0x56: {  	[tilespmem:s24+$0xFFFFFFC0] =	vst v0  }
0x57: {  	[tilespmem:s24+$0xFFFFFFB0] =	vst v0  }
0x58: {  	[tilespmem:s24+$0xFFFFFFA0] =	vst v0  }
0x59: {  	s24 =	simm.s32 $0x14070;
	[tilespmem:$0x12700] =	vst v0  }
0x5a: {  	[tilespmem:s24+$0xFFFFFF90] =	vst v0  }
0x5b: {  	[tilespmem:s24+$0x0] =	vst v0  }
0x5c: {  	[tilespmem:s24+$0xFFFFFFF0] =	vst v0  }
0x5d: {  	[tilespmem:s24+$0xFFFFFFE0] =	vst v0  }
0x5e: {  	[tilespmem:s24+$0xFFFFFFD0] =	vst v0  }
0x5f: {  	[tilespmem:s24+$0xFFFFFFC0] =	vst v0  }
0x60: {  	s25 =	simm.s32 $0x0;
	[tilespmem:s24+$0xFFFFFFB0] =	vst v0  }
.LBB2_8:
0x61: {  	s25 =	sadd.s32 $0x8, s25;
	[tilespmem:s24+$0xFFFFFFA0] =	vst v0;
	s24 =	sadd.s32 $0x80, s24  }
0x62: {  	[tilespmem:s24+$0xFFFFFF90] =	vst v0;
	p0 =	slt.u32 s25, $0x268  }
0x63: {  	[tilespmem:s24+$0x0] =	vst v0  }
.Ltmp5:
0x64: {  	[tilespmem:s24+$0xFFFFFFF0] =	vst v0;
	(pc) =	sbr.rel @p0 .LBB2_8-.Ltmp5, $4  }
0x65: {  	[tilespmem:s24+$0xFFFFFFE0] =	vst v0  }
0x66: {  	[tilespmem:s24+$0xFFFFFFD0] =	vst v0  }
0x67: {  	[tilespmem:s24+$0xFFFFFFC0] =	vst v0  }
0x68: {  	[tilespmem:s24+$0xFFFFFFB0] =	vst v0  }
0x69: {  	[tilespmem:s24+$0xFFFFFFA0] =	vst v0  }
0x6a: {  	[tilespmem:$0x16700] =	vst v0  }
0x6b: {  	_ =	swait.ge [sflag:s15], $0x2710  }
0x6c: {  	[sflag:s15] =	ssyncset.done $0x0  }
0x6d: {  	[sflag:s15] =	ssyncadd.s32 $0xFFFFD8F0  }
0x6e: {  	_ =	swait.ge [sflag:s15], $0x2710  }
0x6f: {  	[sflag:s15] =	ssyncset.done $0x0  }
0x70: {  	s24 =	simm.s32 $0x0;
	[sflag:s15] =	ssyncadd.s32 $0xFFFFD8F0  }
.LBB2_10:
0x71: {  	_ =	swait.ge [sflag:s16], $0xFA0  }
0x72: {  	[sflag:s16] =	ssyncset.done $0x0  }
0x73: {  	s25 =	simm.s32 $0x18020;
	[sflag:s16] =	ssyncadd.s32 $0xFFFFF060  }
0x74: {  	v1 =	vld [tilespmem:s25+$0x20]  }
0x75: {  	v4 =	vld [tilespmem:s25+$0xFFFFFFE0];
	_ =	sdelay $0x1  }
0x76: {  	v2 =	vld [tilespmem:s25+$0xFFFFFFF0]  }
0x77: {  	v3 =	vld [tilespmem:s25+$0x0]  }
0x78: {  	v5 =	vld [tilespmem:s25+$0x10];
	v6 =	vand.u32 $0xFFFF, v1  }
0x79: {  	v9 =	vand.u32 $0xFFFF, v4;
	_ =	sdelay $0x1  }
0x7a: {  	v7 =	vand.u32 $0xFFFF, v2  }
0x7b: {  	v8 =	vand.u32 $0xFFFF, v3  }
0x7c: {  	v10 =	vand.u32 $0xFFFF, v5;
	v6 =	vld.idx.msk [tilespmem:v6+s2+$0x0], $0xffff  }
0x7d: {  	v11 =	vshrl.u32 v1, $0x10;
	v9 =	vld.idx.msk [tilespmem:v9+s2+$0x0], $0xffff  }
0x7e: {  	v14 =	vshrl.u32 v4, $0x10  }
0x7f: {  	v1 =	vand.u32 $0xBFFF, v1;
	v12 =	vor.u32 $0x8000, v11;
	v7 =	vld.idx.msk [tilespmem:v7+s2+$0x0], $0xffff  }
0x80: {  	v1 =	vor.u32 $0x4000, v1;
	v8 =	vld.idx.msk [tilespmem:v8+s2+$0x0], $0xffff  }
0x81: {  	v13 =	vshrl.u32 v2, $0x10;
	v10 =	vld.idx.msk [tilespmem:v10+s2+$0x0], $0xffff;
	v15 =	vshll.u32 v6, $0x10  }
0x82: {  	v16 =	vor.u32 $0x8000, v14;
	v18 =	vshll.u32 v9, $0x10;
	[tilespmem:v11+s17+$0x0] =	vst.idx.add.f32.msk $0xffff, v15  }
0x83: {  	v17 =	vshrl.u32 v3, $0x10;
	v6 =	vand.u32 $0xFFFF0000, v6;
	[tilespmem:v14+s17+$0x0] =	vst.idx.add.f32.msk $0xffff, v18  }
0x84: {  	v4 =	vand.u32 $0xBFFF, v4;
	v15 =	vor.u32 $0x8000, v13;
	[tilespmem:v12+s17+$0x0] =	vst.idx.add.f32.msk $0xffff, v6  }
0x85: {  	v2 =	vand.u32 $0xBFFF, v2;
	v6 =	vshll.u32 v7, $0x10;
	v12 =	vor.u32 $0x8000, v17;
	v1 =	vld.idx.msk [tilespmem:v1+s2+$0x0], $0xffff  }
0x86: {  	v4 =	vor.u32 $0x4000, v4;
	v2 =	vor.u32 $0x4000, v2;
	[tilespmem:v13+s17+$0x0] =	vst.idx.add.f32.msk $0xffff, v6;
	v6 =	vand.u32 $0xFFFF0000, v9  }
0x87: {  	v9 =	vor.u32 $0x4000, v11;
	[tilespmem:v16+s17+$0x0] =	vst.idx.add.f32.msk $0xffff, v6;
	v6 =	vor.u32 $0xC000, v11;
	v11 =	vshll.u32 v8, $0x10  }
0x88: {  	v7 =	vand.u32 $0xFFFF0000, v7;
	[tilespmem:v17+s17+$0x0] =	vst.idx.add.f32.msk $0xffff, v11  }
0x89: {  	v8 =	vand.u32 $0xFFFF0000, v8;
	[tilespmem:v15+s17+$0x0] =	vst.idx.add.f32.msk $0xffff, v7  }
0x8a: {  	v63 =	vshrl.u32 v5, $0x10;
	v3 =	vand.u32 $0xBFFF, v3;
	[tilespmem:v12+s17+$0x0] =	vst.idx.add.f32.msk $0xffff, v8  }
0x8b: {  	v3 =	vor.u32 $0x4000, v3;
	v12 =	vld.idx.msk [tilespmem:v4+s2+$0x0], $0xffff  }
0x8c: {  	v5 =	vand.u32 $0xBFFF, v5;
	v7 =	vor.u32 $0x8000, v63;
	v11 =	vld.idx.msk [tilespmem:v2+s2+$0x0], $0xffff;
	v8 =	vshll.u32 v1, $0x10  }
0x8d: {  	v1 =	vand.u32 $0xFFFF0000, v1;
	[tilespmem:v9+s17+$0x0] =	vst.idx.add.f32.msk $0xffff, v8;
	v9 =	vor.u32 $0x4000, v5  }
0x8e: {  	v8 =	vshll.u32 v10, $0x10;
	[tilespmem:v6+s17+$0x0] =	vst.idx.add.f32.msk $0xffff, v1  }
0x8f: {  	[tilespmem:v63+s17+$0x0] =	vst.idx.add.f32.msk $0xffff, v8  }
0x90: {  	v4 =	vor.u32 $0x4000, v17;
	v2 =	vor.u32 $0x4000, v63;
	v1 =	vand.u32 $0xFFFF0000, v10;
	v10 =	vld.idx.msk [tilespmem:v3+s2+$0x0], $0xffff  }
0x91: {  	v5 =	vor.u32 $0xC000, v13;
	v8 =	vor.u32 $0xC000, v14;
	v6 =	vor.u32 $0x4000, v13;
	[tilespmem:v7+s17+$0x0] =	vst.idx.add.f32.msk $0xffff, v1  }
0x92: {  	s26 =	simm.s32 $0x18070;
	s25 =	simm.s32 $0x0;
	v3 =	vor.u32 $0xC000, v17;
	v7 =	vor.u32 $0x4000, v14;
	v1 =	vor.u32 $0xC000, v63;
	v9 =	vld.idx.msk [tilespmem:v9+s2+$0x0], $0xffff  }
.LBB2_11:
0x93: {  	v13 =	vld [tilespmem:s26+$0x20]  }
0x94: {  	v15 =	vshll.u32 v12, $0x10;
	v12 =	vand.u32 $0xFFFF0000, v12;
	v14 =	vld [tilespmem:s26+$0xFFFFFFF0]  }
0x95: {  	s25 =	sadd.s32 $0x5, s25;
	v17 =	vshll.u32 v11, $0x10;
	v11 =	vand.u32 $0xFFFF0000, v11;
	v16 =	vld [tilespmem:s26+$0x0]  }
0x96: {  	p0 =	slt.u32 s25, $0xF5;
	v19 =	vshll.u32 v10, $0x10;
	v10 =	vand.u32 $0xFFFF0000, v10;
	v18 =	vld [tilespmem:s26+$0x10]  }
0x97: {  	v21 =	vshll.u32 v9, $0x10;
	v22 =	vand.u32 $0xFFFF0000, v9;
	v20 =	vld [tilespmem:s26+$0xFFFFFFE0]  }
0x98: {  	v9 =	vand.u32 $0xFFFF, v13;
	[tilespmem:v7+s17+$0x0] =	vst.idx.add.f32.msk $0xffff, v15  }
0x99: {  	v15 =	vshrl.u32 v14, $0x10;
	v7 =	vand.u32 $0xFFFF, v14;
	v14 =	vand.u32 $0xBFFF, v14;
	[tilespmem:v8+s17+$0x0] =	vst.idx.add.f32.msk $0xffff, v12  }
0x9a: {  	v12 =	vor.u32 $0x8000, v15;
	v23 =	vshrl.u32 v16, $0x10;
	v8 =	vand.u32 $0xFFFF, v16;
	[tilespmem:v6+s17+$0x0] =	vst.idx.add.f32.msk $0xffff, v17  }
0x9b: {  	v17 =	vor.u32 $0x8000, v23;
	v24 =	vshrl.u32 v18, $0x10;
	v6 =	vand.u32 $0xFFFF, v18;
	[tilespmem:v5+s17+$0x0] =	vst.idx.add.f32.msk $0xffff, v11  }
0x9c: {  	v11 =	vshrl.u32 v20, $0x10;
	v5 =	vand.u32 $0xFFFF, v20;
	v25 =	vor.u32 $0x8000, v24;
	[tilespmem:v4+s17+$0x0] =	vst.idx.add.f32.msk $0xffff, v19  }
0x9d: {  	v16 =	vand.u32 $0xBFFF, v16;
	v4 =	vand.u32 $0xBFFF, v20;
	v19 =	vor.u32 $0x8000, v11;
	v9 =	vld.idx.msk [tilespmem:v9+s2+$0x0], $0xffff  }
0x9e: {  	v14 =	vor.u32 $0x4000, v14;
	v20 =	vor.u32 $0x4000, v4;
	v4 =	vand.u32 $0xBFFF, v18;
	v26 =	vld.idx.msk [tilespmem:v7+s2+$0x0], $0xffff  }
0x9f: {  	v28 =	vshrl.u32 v13, $0x10;
	v16 =	vor.u32 $0x4000, v16;
	v27 =	vor.u32 $0x4000, v4;
	v18 =	vld.idx.msk [tilespmem:v8+s2+$0x0], $0xffff  }
0xa0: {  	v30 =	vor.u32 $0x8000, v28;
	v7 =	vor.u32 $0x4000, v11;
	v4 =	vand.u32 $0xBFFF, v13;
	v29 =	vld.idx.msk [tilespmem:v6+s2+$0x0], $0xffff  }
0xa1: {  	v8 =	vor.u32 $0xC000, v11;
	v31 =	vor.u32 $0x4000, v4;
	v6 =	vor.u32 $0x4000, v15;
	v13 =	vld.idx.msk [tilespmem:v5+s2+$0x0], $0xffff  }
0xa2: {  	v4 =	vor.u32 $0x4000, v23;
	v5 =	vor.u32 $0xC000, v15;
	[tilespmem:v3+s17+$0x0] =	vst.idx.add.f32.msk $0xffff, v10;
	v3 =	vor.u32 $0xC000, v23  }
0xa3: {  	v32 =	vor.u32 $0xC000, v24;
	v10 =	vshll.u32 v9, $0x10;
	[tilespmem:v2+s17+$0x0] =	vst.idx.add.f32.msk $0xffff, v21;
	v2 =	vor.u32 $0x4000, v24  }
0xa4: {  	v9 =	vand.u32 $0xFFFF0000, v9;
	v21 =	vshll.u32 v26, $0x10;
	v26 =	vand.u32 $0xFFFF0000, v26;
	[tilespmem:v28+s17+$0x0] =	vst.idx.add.f32.msk $0xffff, v10  }
0xa5: {  	v10 =	vshll.u32 v18, $0x10;
	v18 =	vand.u32 $0xFFFF0000, v18;
	[tilespmem:v30+s17+$0x0] =	vst.idx.add.f32.msk $0xffff, v9  }
0xa6: {  	v9 =	vshll.u32 v29, $0x10;
	v29 =	vand.u32 $0xFFFF0000, v29;
	v30 =	vld.idx.msk [tilespmem:v31+s2+$0x0], $0xffff  }
0xa7: {  	v31 =	vshll.u32 v13, $0x10;
	v13 =	vand.u32 $0xFFFF0000, v13;
	[tilespmem:v15+s17+$0x0] =	vst.idx.add.f32.msk $0xffff, v21  }
0xa8: {  	[tilespmem:v11+s17+$0x0] =	vst.idx.add.f32.msk $0xffff, v31;
	v11 =	vor.u32 $0x4000, v28  }
0xa9: {  	[tilespmem:v19+s17+$0x0] =	vst.idx.add.f32.msk $0xffff, v13;
	v13 =	vor.u32 $0xC000, v28  }
0xaa: {  	[tilespmem:v12+s17+$0x0] =	vst.idx.add.f32.msk $0xffff, v26  }
0xab: {  	[tilespmem:v23+s17+$0x0] =	vst.idx.add.f32.msk $0xffff, v10  }
0xac: {  	v10 =	vshll.u32 v30, $0x10;
	[tilespmem:v17+s17+$0x0] =	vst.idx.add.f32.msk $0xffff, v18  }
0xad: {  	v12 =	vand.u32 $0xFFFF0000, v30;
	[tilespmem:v11+s17+$0x0] =	vst.idx.add.f32.msk $0xffff, v10  }
0xae: {  	[tilespmem:v13+s17+$0x0] =	vst.idx.add.f32.msk $0xffff, v12  }
0xaf: {  	[tilespmem:v24+s17+$0x0] =	vst.idx.add.f32.msk $0xffff, v9  }
0xb0: {  	[tilespmem:v25+s17+$0x0] =	vst.idx.add.f32.msk $0xffff, v29  }
.Ltmp6:
0xb1: {  	v12 =	vld.idx.msk [tilespmem:v20+s2+$0x0], $0xffff;
	(pc) =	sbr.rel @p0 .LBB2_11-.Ltmp6, $4  }
0xb2: {  	v11 =	vld.idx.msk [tilespmem:v14+s2+$0x0], $0xffff  }
0xb3: {  	v10 =	vld.idx.msk [tilespmem:v16+s2+$0x0], $0xffff  }
0xb4: {  	v9 =	vld.idx.msk [tilespmem:v27+s2+$0x0], $0xffff  }
0xb5: {  	s26 =	sadd.s32 $0x50, s26;
	[tilespmem:v1+s17+$0x0] =	vst.idx.add.f32.msk $0xffff, v22;
	v1 =	vmov v32  }
0xb6: {  	_ =	sdelay $0x2  }
0xb7: {  	v13 =	vshll.u32 v12, $0x10  }
0xb8: {  	v12 =	vand.u32 $0xFFFF0000, v12;
	[tilespmem:v7+s17+$0x0] =	vst.idx.add.f32.msk $0xffff, v13  }
0xb9: {  	v7 =	vshll.u32 v11, $0x10;
	[tilespmem:v8+s17+$0x0] =	vst.idx.add.f32.msk $0xffff, v12  }
0xba: {  	p0 =	seq.s32 s24, $0x27;
	v8 =	vand.u32 $0xFFFF0000, v11;
	[tilespmem:v6+s17+$0x0] =	vst.idx.add.f32.msk $0xffff, v7  }
0xbb: {  	s25 =	smul.u32 @!p0 $0x1F40, s24;
	v6 =	vshll.u32 v10, $0x10;
	[tilespmem:v5+s17+$0x0] =	vst.idx.add.f32.msk $0xffff, v8  }
0xbc: {  	v5 =	vand.u32 $0xFFFF0000, v10;
	[tilespmem:v4+s17+$0x0] =	vst.idx.add.f32.msk $0xffff, v6  }
0xbd: {  	v4 =	vshll.u32 v9, $0x10;
	s25 =	sshrl.u32 @!p0 s25, $0x3;
	[tilespmem:v3+s17+$0x0] =	vst.idx.add.f32.msk $0xffff, v5  }
0xbe: {  	v3 =	vand.u32 $0xFFFF0000, v9;
	[tilespmem:v2+s17+$0x0] =	vst.idx.add.f32.msk $0xffff, v4;
	s25 =	sadd.s32 @!p0 s3, s25  }
0xbf: {  	s26 =	simm.s32 @!p0 $0x0;
	s28 =	simm.s32 @!p0 $0x18000;
	[tilespmem:v1+s17+$0x0] =	vst.idx.add.f32.msk $0xffff, v3;
	s25 =	sadd.s32 @!p0 $0x3E8, s25  }
0xc0: {  	[tilespmem:s28], [sflag:$0x1] =	stream.linear.gather @!p0 [hbm4b:s25+s26], $0xFA0, $0x38;
	[tilespmem:$0x19F40] =	vst v63  }
0xc1: {  	_ =	swait.ge [sflag:s18], $0xFA0  }
0xc2: {  	[sflag:s18] =	ssyncset.done $0x0  }
0xc3: {  	s31 =	simm.s32 $0x18FE0;
	[sflag:s18] =	ssyncadd.s32 $0xFFFFF060  }
0xc4: {  	v1 =	vld [tilespmem:s31+$0x0]  }
0xc5: {  	v4 =	vld [tilespmem:s31+$0xFFFFFFC0];
	_ =	sdelay $0x1  }
0xc6: {  	v2 =	vld [tilespmem:s31+$0xFFFFFFD0]  }
0xc7: {  	v3 =	vld [tilespmem:s31+$0xFFFFFFE0]  }
0xc8: {  	v5 =	vld [tilespmem:s31+$0xFFFFFFF0];
	v6 =	vand.u32 $0xFFFF, v1  }
0xc9: {  	v9 =	vand.u32 $0xFFFF, v4;
	_ =	sdelay $0x1  }
0xca: {  	v7 =	vand.u32 $0xFFFF, v2  }
0xcb: {  	v8 =	vand.u32 $0xFFFF, v3  }
0xcc: {  	v10 =	vand.u32 $0xFFFF, v5;
	v6 =	vld.idx.msk [tilespmem:v6+s2+$0x0], $0xffff  }
0xcd: {  	v11 =	vshrl.u32 v1, $0x10;
	v9 =	vld.idx.msk [tilespmem:v9+s2+$0x0], $0xffff  }
0xce: {  	v14 =	vshrl.u32 v4, $0x10  }
0xcf: {  	v1 =	vand.u32 $0xBFFF, v1;
	v12 =	vor.u32 $0x8000, v11;
	v7 =	vld.idx.msk [tilespmem:v7+s2+$0x0], $0xffff  }
0xd0: {  	v1 =	vor.u32 $0x4000, v1;
	v8 =	vld.idx.msk [tilespmem:v8+s2+$0x0], $0xffff  }
0xd1: {  	v13 =	vshrl.u32 v2, $0x10;
	v10 =	vld.idx.msk [tilespmem:v10+s2+$0x0], $0xffff;
	v15 =	vshll.u32 v6, $0x10  }
0xd2: {  	v16 =	vor.u32 $0x8000, v14;
	v18 =	vshll.u32 v9, $0x10;
	[tilespmem:v11+s17+$0x0] =	vst.idx.add.f32.msk $0xffff, v15  }
0xd3: {  	v17 =	vshrl.u32 v3, $0x10;
	v6 =	vand.u32 $0xFFFF0000, v6;
	[tilespmem:v14+s17+$0x0] =	vst.idx.add.f32.msk $0xffff, v18  }
0xd4: {  	v4 =	vand.u32 $0xBFFF, v4;
	v15 =	vor.u32 $0x8000, v13;
	[tilespmem:v12+s17+$0x0] =	vst.idx.add.f32.msk $0xffff, v6  }
0xd5: {  	v2 =	vand.u32 $0xBFFF, v2;
	v6 =	vshll.u32 v7, $0x10;
	v12 =	vor.u32 $0x8000, v17;
	v1 =	vld.idx.msk [tilespmem:v1+s2+$0x0], $0xffff  }
0xd6: {  	v4 =	vor.u32 $0x4000, v4;
	v2 =	vor.u32 $0x4000, v2;
	[tilespmem:v13+s17+$0x0] =	vst.idx.add.f32.msk $0xffff, v6;
	v6 =	vand.u32 $0xFFFF0000, v9  }
0xd7: {  	v9 =	vor.u32 $0x4000, v11;
	[tilespmem:v16+s17+$0x0] =	vst.idx.add.f32.msk $0xffff, v6;
	v6 =	vor.u32 $0xC000, v11;
	v11 =	vshll.u32 v8, $0x10  }
0xd8: {  	v7 =	vand.u32 $0xFFFF0000, v7;
	[tilespmem:v17+s17+$0x0] =	vst.idx.add.f32.msk $0xffff, v11  }
0xd9: {  	v8 =	vand.u32 $0xFFFF0000, v8;
	[tilespmem:v15+s17+$0x0] =	vst.idx.add.f32.msk $0xffff, v7  }
0xda: {  	v63 =	vshrl.u32 v5, $0x10;
	v3 =	vand.u32 $0xBFFF, v3;
	[tilespmem:v12+s17+$0x0] =	vst.idx.add.f32.msk $0xffff, v8  }
0xdb: {  	v3 =	vor.u32 $0x4000, v3;
	v12 =	vld.idx.msk [tilespmem:v4+s2+$0x0], $0xffff  }
0xdc: {  	v5 =	vand.u32 $0xBFFF, v5;
	v7 =	vor.u32 $0x8000, v63;
	v11 =	vld.idx.msk [tilespmem:v2+s2+$0x0], $0xffff;
	v8 =	vshll.u32 v1, $0x10  }
0xdd: {  	v1 =	vand.u32 $0xFFFF0000, v1;
	[tilespmem:v9+s17+$0x0] =	vst.idx.add.f32.msk $0xffff, v8;
	v9 =	vor.u32 $0x4000, v5  }
0xde: {  	v8 =	vshll.u32 v10, $0x10;
	[tilespmem:v6+s17+$0x0] =	vst.idx.add.f32.msk $0xffff, v1  }
0xdf: {  	[tilespmem:v63+s17+$0x0] =	vst.idx.add.f32.msk $0xffff, v8  }
0xe0: {  	v4 =	vor.u32 $0x4000, v17;
	v2 =	vor.u32 $0x4000, v63;
	v1 =	vand.u32 $0xFFFF0000, v10;
	v10 =	vld.idx.msk [tilespmem:v3+s2+$0x0], $0xffff  }
0xe1: {  	v5 =	vor.u32 $0xC000, v13;
	v8 =	vor.u32 $0xC000, v14;
	v6 =	vor.u32 $0x4000, v13;
	[tilespmem:v7+s17+$0x0] =	vst.idx.add.f32.msk $0xffff, v1  }
0xe2: {  	s25 =	simm.s32 $0x0;
	s26 =	simm.s32 $0x19030;
	v3 =	vor.u32 $0xC000, v17;
	v7 =	vor.u32 $0x4000, v14;
	v1 =	vor.u32 $0xC000, v63;
	v9 =	vld.idx.msk [tilespmem:v9+s2+$0x0], $0xffff  }
.LBB2_13:
0xe3: {  	v13 =	vld [tilespmem:s26+$0x0]  }
0xe4: {  	v15 =	vshll.u32 v12, $0x10;
	v12 =	vand.u32 $0xFFFF0000, v12;
	v14 =	vld [tilespmem:s26+$0xFFFFFFD0]  }
0xe5: {  	s25 =	sadd.s32 $0x5, s25;
	v17 =	vshll.u32 v11, $0x10;
	v11 =	vand.u32 $0xFFFF0000, v11;
	v16 =	vld [tilespmem:s26+$0xFFFFFFE0]  }
0xe6: {  	p1 =	slt.u32 s25, $0xF5;
	v19 =	vshll.u32 v10, $0x10;
	v10 =	vand.u32 $0xFFFF0000, v10;
	v18 =	vld [tilespmem:s26+$0xFFFFFFF0]  }
0xe7: {  	v21 =	vshll.u32 v9, $0x10;
	v22 =	vand.u32 $0xFFFF0000, v9;
	v20 =	vld [tilespmem:s26+$0xFFFFFFC0]  }
0xe8: {  	v9 =	vand.u32 $0xFFFF, v13;
	[tilespmem:v7+s17+$0x0] =	vst.idx.add.f32.msk $0xffff, v15  }
0xe9: {  	v15 =	vshrl.u32 v14, $0x10;
	v7 =	vand.u32 $0xFFFF, v14;
	v14 =	vand.u32 $0xBFFF, v14;
	[tilespmem:v8+s17+$0x0] =	vst.idx.add.f32.msk $0xffff, v12  }
0xea: {  	v12 =	vor.u32 $0x8000, v15;
	v23 =	vshrl.u32 v16, $0x10;
	v8 =	vand.u32 $0xFFFF, v16;
	[tilespmem:v6+s17+$0x0] =	vst.idx.add.f32.msk $0xffff, v17  }
0xeb: {  	v17 =	vor.u32 $0x8000, v23;
	v24 =	vshrl.u32 v18, $0x10;
	v6 =	vand.u32 $0xFFFF, v18;
	[tilespmem:v5+s17+$0x0] =	vst.idx.add.f32.msk $0xffff, v11  }
0xec: {  	v11 =	vshrl.u32 v20, $0x10;
	v5 =	vand.u32 $0xFFFF, v20;
	v25 =	vor.u32 $0x8000, v24;
	[tilespmem:v4+s17+$0x0] =	vst.idx.add.f32.msk $0xffff, v19  }
0xed: {  	v16 =	vand.u32 $0xBFFF, v16;
	v4 =	vand.u32 $0xBFFF, v20;
	v19 =	vor.u32 $0x8000, v11;
	v9 =	vld.idx.msk [tilespmem:v9+s2+$0x0], $0xffff  }
0xee: {  	v14 =	vor.u32 $0x4000, v14;
	v20 =	vor.u32 $0x4000, v4;
	v4 =	vand.u32 $0xBFFF, v18;
	v26 =	vld.idx.msk [tilespmem:v7+s2+$0x0], $0xffff  }
0xef: {  	v28 =	vshrl.u32 v13, $0x10;
	v16 =	vor.u32 $0x4000, v16;
	v27 =	vor.u32 $0x4000, v4;
	v18 =	vld.idx.msk [tilespmem:v8+s2+$0x0], $0xffff  }
0xf0: {  	v30 =	vor.u32 $0x8000, v28;
	v7 =	vor.u32 $0x4000, v11;
	v4 =	vand.u32 $0xBFFF, v13;
	v29 =	vld.idx.msk [tilespmem:v6+s2+$0x0], $0xffff  }
0xf1: {  	v8 =	vor.u32 $0xC000, v11;
	v31 =	vor.u32 $0x4000, v4;
	v6 =	vor.u32 $0x4000, v15;
	v13 =	vld.idx.msk [tilespmem:v5+s2+$0x0], $0xffff  }
0xf2: {  	v4 =	vor.u32 $0x4000, v23;
	v5 =	vor.u32 $0xC000, v15;
	[tilespmem:v3+s17+$0x0] =	vst.idx.add.f32.msk $0xffff, v10;
	v3 =	vor.u32 $0xC000, v23  }
0xf3: {  	v32 =	vor.u32 $0xC000, v24;
	v10 =	vshll.u32 v9, $0x10;
	[tilespmem:v2+s17+$0x0] =	vst.idx.add.f32.msk $0xffff, v21;
	v2 =	vor.u32 $0x4000, v24  }
0xf4: {  	v9 =	vand.u32 $0xFFFF0000, v9;
	v21 =	vshll.u32 v26, $0x10;
	v26 =	vand.u32 $0xFFFF0000, v26;
	[tilespmem:v28+s17+$0x0] =	vst.idx.add.f32.msk $0xffff, v10  }
0xf5: {  	v10 =	vshll.u32 v18, $0x10;
	v18 =	vand.u32 $0xFFFF0000, v18;
	[tilespmem:v30+s17+$0x0] =	vst.idx.add.f32.msk $0xffff, v9  }
0xf6: {  	v9 =	vshll.u32 v29, $0x10;
	v29 =	vand.u32 $0xFFFF0000, v29;
	v30 =	vld.idx.msk [tilespmem:v31+s2+$0x0], $0xffff  }
0xf7: {  	v31 =	vshll.u32 v13, $0x10;
	v13 =	vand.u32 $0xFFFF0000, v13;
	[tilespmem:v15+s17+$0x0] =	vst.idx.add.f32.msk $0xffff, v21  }
0xf8: {  	[tilespmem:v11+s17+$0x0] =	vst.idx.add.f32.msk $0xffff, v31;
	v11 =	vor.u32 $0x4000, v28  }
0xf9: {  	[tilespmem:v19+s17+$0x0] =	vst.idx.add.f32.msk $0xffff, v13;
	v13 =	vor.u32 $0xC000, v28  }
0xfa: {  	[tilespmem:v12+s17+$0x0] =	vst.idx.add.f32.msk $0xffff, v26  }
0xfb: {  	[tilespmem:v23+s17+$0x0] =	vst.idx.add.f32.msk $0xffff, v10  }
0xfc: {  	v10 =	vshll.u32 v30, $0x10;
	[tilespmem:v17+s17+$0x0] =	vst.idx.add.f32.msk $0xffff, v18  }
0xfd: {  	v12 =	vand.u32 $0xFFFF0000, v30;
	[tilespmem:v11+s17+$0x0] =	vst.idx.add.f32.msk $0xffff, v10  }
0xfe: {  	[tilespmem:v13+s17+$0x0] =	vst.idx.add.f32.msk $0xffff, v12  }
0xff: {  	[tilespmem:v24+s17+$0x0] =	vst.idx.add.f32.msk $0xffff, v9  }
0x100: {  	[tilespmem:v25+s17+$0x0] =	vst.idx.add.f32.msk $0xffff, v29  }
.Ltmp7:
0x101: {  	v12 =	vld.idx.msk [tilespmem:v20+s2+$0x0], $0xffff;
	(pc) =	sbr.rel @p1 .LBB2_13-.Ltmp7, $4  }
0x102: {  	v11 =	vld.idx.msk [tilespmem:v14+s2+$0x0], $0xffff  }
0x103: {  	v10 =	vld.idx.msk [tilespmem:v16+s2+$0x0], $0xffff  }
0x104: {  	v9 =	vld.idx.msk [tilespmem:v27+s2+$0x0], $0xffff  }
0x105: {  	s26 =	sadd.s32 $0x50, s26;
	[tilespmem:v1+s17+$0x0] =	vst.idx.add.f32.msk $0xffff, v22;
	v1 =	vmov v32  }
0x106: {  	_ =	sdelay $0x2  }
0x107: {  	v13 =	vshll.u32 v12, $0x10  }
0x108: {  	v58 =	vand.u32 $0xFFFF0000, v12;
	[tilespmem:v7+s17+$0x0] =	vst.idx.add.f32.msk $0xffff, v13  }
0x109: {  	v59 =	vshll.u32 v11, $0x10;
	[tilespmem:v8+s17+$0x0] =	vst.idx.add.f32.msk $0xffff, v58  }
0x10a: {  	v60 =	vand.u32 $0xFFFF0000, v11;
	[tilespmem:v6+s17+$0x0] =	vst.idx.add.f32.msk $0xffff, v59  }
.Ltmp8:
0x10b: {  	v61 =	vshll.u32 v10, $0x10;
	[tilespmem:v5+s17+$0x0] =	vst.idx.add.f32.msk $0xffff, v60;
	(pc) =	sbr.rel @p0 .LBB2_16-.Ltmp8, $4  }
0x10c: {  	v62 =	vand.u32 $0xFFFF0000, v10;
	[tilespmem:v4+s17+$0x0] =	vst.idx.add.f32.msk $0xffff, v61  }
0x10d: {  	v63 =	vshll.u32 v9, $0x10;
	[tilespmem:v3+s17+$0x0] =	vst.idx.add.f32.msk $0xffff, v62  }
0x10e: {  	v3 =	vand.u32 $0xFFFF0000, v9;
	[tilespmem:v2+s17+$0x0] =	vst.idx.add.f32.msk $0xffff, v63  }
0x10f: {  	[tilespmem:v1+s17+$0x0] =	vst.idx.add.f32.msk $0xffff, v3  }
0x110: {  	s25 =	smul.u32 $0x1F40, s24  }
.Ltmp9:
0x111: {  	_ = 	snop;
	(pc) =	sbr.rel .LBB2_10-.Ltmp9, $4  }
0x112: {  	s25 =	sshrl.u32 s25, $0x3  }
0x113: {  	s25 =	sadd.s32 s3, s25  }
0x114: {  	s24 =	sadd.s32 $0x1, s24;
	s25 =	sadd.s32 $0x5DC, s25  }
0x115: {  	[tilespmem:s14], [sflag:$0x2] =	stream.linear.gather [hbm4b:s25+s2], $0xFA0, $0x38;
	[tilespmem:$0x19F40] =	vst v63  }
.LBB2_17:
0x116: {  	_ =	sfence.sel $0x180000  }
0x117: {  	[bflag:$0x0] =	sbarrier.arrive $0xFFFF  }
0x118: {  	p0 =	sne.s32 s0, $0x0;
	_ =	strace $0x9000004A  }
0x119: {  	s0 =	sadd.s32 @!p0 $0x100000, s1;
	[bflag:$0x2] =	sbarrier.arrive $0xFFFF  }
0x11a: {  	[sflag:s0] =	ssyncadd.tile.s32 @!p0 $0x1;
	_ =	shalt  }
.Lfunc_end2:
_tile_overlayer_lowered:
.L_overlay_start_2:
0x11b: {  	(tag) =	ssettag $0x2  }
0x11c: {  	s0 =	rddreg [dreg:$0x0];
	s2 =	stileid.u32  }
0x11d: {  	s1 =	rddreg [dreg:$0x1];
	p0 =	sne.s32 s2, $0x0  }
0x11e: {  	s3 =	rddreg [dreg:$0x2];
	[bflag:$0x3] =	sbarrier.arrive $0xFFFF;
	s2 =	simm.s32 @!p0 $0x1C04  }
0x11f: {  	[timem:s3], [sflag:s2] =	dma.local @!p0 [hbm:s0], s1  }
0x120: {  	s0 =	simm.s32 @!p0 $0x4  }
0x121: {  	_ =	swait.ge @!p0 [sflag:s0], s1  }
0x122: {  	s1 =	ssub.s32 @!p0 $0x0, s1;
	[sflag:s0] =	ssyncset.done @!p0 $0x0  }
0x123: {  	[sflag:s0] =	ssyncadd.s32 @!p0 s1  }
0x124: {  	[bflag:$0x3] =	sbarrier.arrive $0xFFFF  }
0x125: {  	_ =	shalt  }

// kernel: kernel.7.cloned.1.call-start
scs
__scs_entry_jumppad:
0x0: {  	(pc) =	sbr.rel $0x88, $3  }
0x1: {  	(tag) =	ssettag $0x0;
	lr =	simm.s32 $0x1  }
0x2: {  	[smem:$0x3F9B] =	sst lr;
	_ =	strace $0xD0000000  }
0x3: {  	_ = 	snop  }
0x4: {  	_ = 	snop  }
0x5: {  	_ = 	snop  }
0x6: {  	_ = 	snop  }
0x7: {  	_ = 	snop  }
__scs_overlays_trampoline_lowered:
0x8: {  	[smem:$0x3FAA] =	sst s0  }
0x9: {  	[smem:$0x3FAB] =	sst s1  }
0xa: {  	[smem:$0x3FAC] =	sst s2  }
0xb: {  	[smem:$0x3FAD] =	sst s3  }
0xc: {  	[smem:$0x3FAE] =	sst s4  }
0xd: {  	[smem:$0x3FAF] =	sst s5  }
0xe: {  	[smem:$0x3FB0] =	sst s6  }
0xf: {  	[smem:$0x3FB1] =	sst s7  }
0x10: {  	[smem:$0x3FB2] =	sst s8  }
0x11: {  	[smem:$0x3FB3] =	sst s9;
	s0 =	simm.s32 @!p0 $0x0  }
0x12: {  	s1 =	sld [smem:$0x3F99];
	s0 =	simm.s32 @p0 $0x1  }
0x13: {  	[smem:$0x3FB4] =	sst s0;
	s0 =	simm.s32 @!p1 $0x0  }
0x14: {  	s2 =	sld [smem:$0x3F98];
	s0 =	simm.s32 @p1 $0x1  }
0x15: {  	[smem:$0x3FB5] =	sst s0;
	s0 =	simm.s32 @!p2 $0x0  }
0x16: {  	s3 =	sld [smem:$0x3FDB];
	s0 =	simm.s32 @p2 $0x1  }
0x17: {  	s4 =	simm.s32 $0x1BF5;
	[smem:$0x3FB7] =	sst s0  }
0x18: {  	s0 =	sld [smem:$0x3F9A];
	_ =	swait.ge [sflag:s4], $0x0  }
0x19: {  	s7 =	sld [smem:$0x3F9B]  }
0x1a: {  	s8 =	sadd.s32 $0xFFFFE003, lr  }
0x1b: {  	s9 =	sadd.s32 $0xFFFFFEF7, lr;
	s5 =	simm.s32 $0xFFFFFFFF;
	p2 =	slt.u32 s8, $0xFFFFF086  }
0x1c: {  	p1 =	slt.u32 s9, $0xF7A;
	s5 =	simm.s32 @!p2 $0x0  }
0x1d: {  	s5 =	simm.s32 @p1 $0x1;
	p0 =	seq.s32 s7, s2  }
0x1e: {  	s7 =	smul.u32 @!p0 $0xF7A, s2;
	p2 =	seq.s32 @!p0 s5, $0x0  }
0x1f: {  	s9 =	smul.u32 $0xF7A, s1;
	s8 =	simm.s32 @!p0 $0x1BF5;
	p2 =	por !p2, p0  }
0x20: {  	[sflag:s8] =	ssyncset.s32 @!p0 $0xFFFFF086;
	s6 =	sadd.s32 @!p0 s3, s7;
	s7 =	simm.s32 @!p0 $0x108  }
0x21: {  	s3 =	sadd.s32 s3, s9;
	s6 =	sadd.s32 @!p0 $0x88, s6;
	s7 =	simm.s32 @p2 $0x1082  }
0x22: {  	[simem:s7], [sflag:s8] =	dma.local @!p0 [hbm:s6], $0xF7A  }
0x23: {  	s9 =	sor.u32 $0xD0000000, s2;
	s6 =	simm.s32 $0x108;
	_ =	swait.ge @!p0 [sflag:s8], $0x0  }
0x24: {  	s3 =	sadd.s32 $0x88, s3;
	s6 =	simm.s32 @!p1 $0x1082;
	[sflag:s4] =	ssyncset.s32 $0xFFFFF086  }
0x25: {  	[simem:s6], [sflag:s4] =	dma.local [hbm:s3], $0xF7A  }
0x26: {  	[smem:$0x3F9B] =	sst s1;
	(tag) =	ssettag s2;
	_ =	strace s9  }
0x27: {  	s1 =	sld [smem:$0x3FAB]  }
0x28: {  	s2 =	sld [smem:$0x3FAC]  }
0x29: {  	s4 =	sld [smem:$0x3FAE]  }
0x2a: {  	p0 =	seq.s32 s5, $0x0;
	s5 =	sld [smem:$0x3FAF]  }
0x2b: {  	s6 =	sld [smem:$0x3FB0]  }
0x2c: {  	s7 =	sld [smem:$0x3FB1]  }
0x2d: {  	s3 =	simm.s32 $0x108;
	s8 =	sld [smem:$0x3FB2]  }
0x2e: {  	s3 =	simm.s32 @!p0 $0x1082;
	s9 =	sld [smem:$0x3FB3]  }
0x2f: {  	lr =	sadd.s32 s0, s3;
	s0 =	sld [smem:$0x3FAA]  }
0x30: {  	s3 =	sld [smem:$0x3FAD]  }
0x31: {  	[smem:$0x3FB6] =	sst s10  }
0x32: {  	s10 =	sld [smem:$0x3FB4];
	_ =	sdelay $0x3  }
0x33: {  	p0 =	seq.s32 s10, $0x1;
	s10 =	sld [smem:$0x3FB6];
	_ =	sdelay $0x3  }
0x34: {  	[smem:$0x3FB6] =	sst s10  }
0x35: {  	s10 =	sld [smem:$0x3FB5];
	_ =	sdelay $0x3  }
0x36: {  	p1 =	seq.s32 s10, $0x1;
	s10 =	sld [smem:$0x3FB6];
	_ =	sdelay $0x3  }
0x37: {  	[smem:$0x3FB6] =	sst s10  }
0x38: {  	s10 =	sld [smem:$0x3FB7]  }
0x39: {  	_ = 	snop;
	(pc) =	sbr.ind lr, $3  }
0x3a: {  	_ = 	snop  }
0x3b: {  	_ = 	snop  }
0x3c: {  	p2 =	seq.s32 s10, $0x1;
	s10 =	sld [smem:$0x3FB6]  }
0x3d: {  	_ =	shalt  }
0x3e: {  	_ =	shalt  }
0x3f: {  	_ =	shalt  }
0x40: {  	_ =	shalt  }
0x41: {  	_ =	shalt  }
0x42: {  	_ =	shalt  }
0x43: {  	_ =	shalt  }
0x44: {  	_ =	shalt  }
0x45: {  	_ =	shalt  }
0x46: {  	_ =	shalt  }
0x47: {  	_ =	shalt  }
0x48: {  	_ =	shalt  }
0x49: {  	_ =	shalt  }
0x4a: {  	_ =	shalt  }
0x4b: {  	_ =	shalt  }
0x4c: {  	_ =	shalt  }
0x4d: {  	_ =	shalt  }
0x4e: {  	_ =	shalt  }
0x4f: {  	_ =	shalt  }
0x50: {  	_ =	shalt  }
0x51: {  	_ =	shalt  }
0x52: {  	_ =	shalt  }
0x53: {  	_ =	shalt  }
0x54: {  	_ =	shalt  }
0x55: {  	_ =	shalt  }
0x56: {  	_ =	shalt  }
0x57: {  	_ =	shalt  }
0x58: {  	_ =	shalt  }
0x59: {  	_ =	shalt  }
0x5a: {  	_ =	shalt  }
0x5b: {  	_ =	shalt  }
0x5c: {  	_ =	shalt  }
0x5d: {  	_ =	shalt  }
0x5e: {  	_ =	shalt  }
0x5f: {  	_ =	shalt  }
0x60: {  	_ =	shalt  }
0x61: {  	_ =	shalt  }
0x62: {  	_ =	shalt  }
0x63: {  	_ =	shalt  }
0x64: {  	_ =	shalt  }
0x65: {  	_ =	shalt  }
0x66: {  	_ =	shalt  }
0x67: {  	_ =	shalt  }
0x68: {  	_ =	shalt  }
0x69: {  	_ =	shalt  }
0x6a: {  	_ =	shalt  }
0x6b: {  	_ =	shalt  }
0x6c: {  	_ =	shalt  }
0x6d: {  	_ =	shalt  }
0x6e: {  	_ =	shalt  }
0x6f: {  	_ =	shalt  }
0x70: {  	_ =	shalt  }
0x71: {  	_ =	shalt  }
0x72: {  	_ =	shalt  }
0x73: {  	_ =	shalt  }
0x74: {  	_ =	shalt  }
0x75: {  	_ =	shalt  }
0x76: {  	_ =	shalt  }
0x77: {  	_ =	shalt  }
0x78: {  	_ =	shalt  }
0x79: {  	_ =	shalt  }
0x7a: {  	_ =	shalt  }
0x7b: {  	_ =	shalt  }
0x7c: {  	_ =	shalt  }
0x7d: {  	_ =	shalt  }
0x7e: {  	_ =	shalt  }
0x7f: {  	_ =	shalt  }
0x80: {  	_ =	shalt  }
0x81: {  	_ =	shalt  }
0x82: {  	_ =	shalt  }
0x83: {  	_ =	shalt  }
0x84: {  	_ =	shalt  }
0x85: {  	_ =	shalt  }
0x86: {  	_ =	shalt  }
0x87: {  	_ =	shalt  }
.Lfunc_end0:
.L_simem_size_0:
called_computation_lowered:
.L_overlay_start_0:
0x88: {  	s2 =	sld [smem:$0x3FD9]  }
0x89: {  	s3 =	sld [smem:$0x3FFE];
	_ =	sdelay $0x1  }
0x8a: {  	s1 =	srdreg.scid  }
0x8b: {  	s0 =	sand.u32 $0x1, s1  }
0x8c: {  	s17 =	sshll.u32 s0, $0xA;
	s2 =	sadd.s32 s3, s2  }
0x8d: {  	s2 =	sadd.s32 s2, s17  }
0x8e: {  	[smem:$0x3FC2] =	sst s2  }
0x8f: {  	_ = 	snop  }
0x90: {  	s2 =	sld [smem:$0x3FD0];
	(tm) =	ssettm $0x1  }
0x91: {  	s18 =	sld [smem:$0x3FFB];
	_ =	sdelay $0x3  }
0x92: {  	_ =	strace s18  }
0x93: {  	s3 =	sld [smem:$0x3FFC];
	_ =	sdelay $0x3  }
0x94: {  	_ =	strace s3  }
0x95: {  	s3 =	sld [smem:$0x3FFD];
	_ =	sdelay $0x3  }
0x96: {  	_ =	strace s3  }
0x97: {  	_ =	strace $0x8FFFFFFF  }
0x98: {  	s19 =	sld [smem:$0x3FDB];
	_ =	sdelay $0x1  }
0x99: {  	s4 =	simm.s32 $_scs_section_size  }
0x9a: {  	s5 =	simm.s32 $_size__tile_overlayer_lowered;
	s6 =	simm.s32 $_tile_overlayer_lowered  }
0x9b: {  	s22 =	simm.s32 $0x1BFF;
	s21 =	sshll.u32 s6, $0x1;
	s3 =	sadd.s32 s4, s19  }
0x9c: {  	s7 =	simm.s32 $0x0;
	s20 =	sshll.u32 s5, $0x1;
	s5 =	sadd.s32 s21, s3  }
0x9d: {  	[timem:s7], [sflag:s22] =	dma.local [hbm:s5], s20  }
0x9e: {  	_ =	swait.ge [sflag:s22], s20  }
0x9f: {  	s4 =	ssub.s32 $0x0, s20;
	[sflag:s22] =	ssyncset.done $0x0  }
0xa0: {  	[sflag:s22] =	ssyncadd.s32 s4;
	_ =	sdelay $0x1  }
0xa1: {  	s23 =	simm.s32 $0x1B8B  }
0xa2: {  	_ =	swait.ge [sflag:s23], $0x1  }
0xa3: {  	[sflag:s23] =	ssyncset.done $0x0  }
0xa4: {  	s25 =	simm.s32 $0x1B8E;
	s24 =	sld [smem:$0x3FFE];
	[sflag:s23] =	ssyncadd.s32 $0xFFFFFFFF  }
0xa5: {  	s26 =	simm.s32 $execute0_lowered;
	[smem:$0x3FD2] =	sst s25  }
0xa6: {  	s5 =	sshll.u32 s26, $0x1;
	_ =	strace $0x80000046;
	[dreg:$0x1] =	wrdreg $0xFFFFFFFF  }
0xa7: {  	s28 =	simm.s32 $_size_execute0_lowered;
	s3 =	sadd.s32 s3, s5;
	[dreg:$0x0] =	wrdreg $0x0  }
0xa8: {  	s5 =	sshll.u32 s28, $0x1;
	[dreg:$0x2] =	wrdreg s3  }
0xa9: {  	[dreg:$0x3] =	wrdreg s5  }
0xaa: {  	[dreg:$0x4] =	wrdreg $0xC0  }
0xab: {  	_ =	task [dreg:s7], $0x5FFFF  }
0xac: {  	[dreg:$0x1] =	wrdreg $0xFFFFFFFF  }
0xad: {  	[dreg:$0x0] =	wrdreg $0x60  }
0xae: {  	[dreg:$0x2] =	wrdreg s24  }
0xaf: {  	[dreg:$0x3] =	wrdreg s2  }
0xb0: {  	[dreg:$0x4] =	wrdreg $0x9  }
0xb1: {  	_ =	task.clear_ibuf [dreg:s7], $0x5FFFF;
	_ =	strace $0x90000046  }
0xb2: {  	s29 =	simm.s32 $0x9;
	_ =	strace $0x80000048  }
0xb3: {  	_ =	swait.ge [sflag:s29], $0x1  }
0xb4: {  	[sflag:s29] =	ssyncadd.s32 $0xFFFFFFFF  }
0xb5: {  	_ =	strace $0x90000048  }
0xb6: {  	_ =	sfence  }
0xb7: {  	s30 =	sld [smem:$0x0];
	_ =	sdelay $0x2  }
0xb8: {  	s31 =	sshll.u32 s1, $0xD;
	s1 =	sshrl.u32 s1, $0x2  }
0xb9: {  	s3 =	sand.u32 $0x4000, s31;
	s1 =	sadd.s32 s1, s30  }
0xba: {  	s0 =	sor.u32 s3, s0;
	s1 =	sshll.u32 s1, $0x11  }
0xbb: {  	s0 =	sor.u32 s1, s0  }
0xbc: {  	s0 =	sadd.s32 $0x8F2B, s0  }
0xbd: {  	[sflag:s0] =	ssyncadd.remote.s32 $0x1  }
0xbe: {  	_ =	sfence.sel $0xFFFF  }
0xbf: {  	[dreg:$0x0] =	wrdreg $0xFFFFFFFF;
	(pc) =	sbr.abs _section_cstart, $3  }
0xc0: {  	[dreg:$0x1] =	wrdreg $0xFFFFFFFF  }
0xc1: {  	_ =	task.clear_ibuf [dreg:s7], $0x2FFFF;
	_ =	strace $0x9FFFFFFF  }
0xc2: {  	(tm) =	ssettm $0x7FFFFFFF  }
0xc3: {  	_ =	shalt  }
tec
execute0_lowered:
.L_overlay_start_1:
0x0: {  	(tag) =	ssettag $0x1  }
0x1: {  	s6 =	rddreg [dreg:$0x0]  }
0x2: {  	s1 =	srdreg.scid;
	s0 =	stileid.u32  }
0x3: {  	s9 =	rddreg [dreg:$0x1];
	s2 =	simm.s32 $0x0;
	s14 =	simm.s32 $0x18FA0  }
0x4: {  	s15 =	simm.s32 $0x3;
	s16 =	simm.s32 $0x1;
	s17 =	simm.s32 $0x8000  }
0x5: {  	s18 =	simm.s32 $0x2;
	s19 =	simm.s32 $0x4;
	s20 =	simm.s32 $0xC000  }
0x6: {  	s21 =	simm.s32 $0x10000;
	s22 =	simm.s32 $0x14000;
	s23 =	simm.s32 $0x0  }
0x7: {  	s3 =	sand.u32 $0x1, s1;
	s4 =	sshll.u32 s0, $0x1;
	s1 =	rddreg [dreg:$0x2]  }
0x8: {  	[smem:$0x7FF] =	sst s2;
	s7 =	sadd.s32 $0xBA00, s6;
	s4 =	sor.u32 s3, s4  }
0x9: {  	_ =	strace $0x80000047;
	s8 =	ssub.s32 $0x2, s3;
	s5 =	smul.u32 $0x4E20, s4  }
0xa: {  	s3 =	sadd.s32 $0x1C00, s6;
	s6 =	sadd.s32 $0x1DF4, s6;
	s11 =	smul.u32 $0x9C4, s4  }
.Ltmp0:
0xb: {  	s10 =	sshrl.u32 s8, $0x1;
	s12 =	sshrl.u32 s5, $0x3;
	(pc) =	sbr.rel .LBB2_1-.Ltmp0, $4  }
0xc: {  	s13 =	ssub.s32 s8, s10;
	s4 =	sadd.s32 s7, s11;
	s30 =	sadd.s32 $0x4E2, s12  }
0xd: {  	s31 =	sadd.s32 s9, s12;
	s12 =	simm.s32 $0x4000;
	s5 =	sadd.s32 s7, s30  }
0xe: {  	s7 =	sadd.s32 s9, s11;
	s8 =	sadd.s32 s9, s30;
	s9 =	sadd.s32 $0x13880, s31  }
0xf: {  	v0 =	vimm.f32 $0.0e+00;
	s10 =	sadd.s32 $0x13D62, s31;
	s11 =	smax.u32 s13, $0x1;
	s13 =	simm.s32 $0x18000  }
.LBB2_16:
0x10: {  	[hbm4b:s7+s2] =	stream.linear.scatter [tilespmem:s17], [sflag:$0x4], $0x2710, $0x38;
	[tilespmem:$0x19F40] =	vst v63  }
0x11: {  	_ =	swait.ge [sflag:s19], $0x2710  }
0x12: {  	[sflag:s19] =	ssyncset.done $0x0  }
0x13: {  	[sflag:s19] =	ssyncadd.s32 $0xFFFFD8F0  }
0x14: {  	[hbm4b:s8+s2] =	stream.linear.scatter [tilespmem:s20], [sflag:$0x4], $0x2710, $0x38;
	[tilespmem:$0x19F40] =	vst v63  }
0x15: {  	_ =	swait.ge [sflag:s19], $0x2710  }
0x16: {  	[sflag:s19] =	ssyncset.done $0x0  }
0x17: {  	[sflag:s19] =	ssyncadd.s32 $0xFFFFD8F0  }
0x18: {  	[hbm4b:s9+s2] =	stream.linear.scatter [tilespmem:s21], [sflag:$0x4], $0x2710, $0x38;
	[tilespmem:$0x19F40] =	vst v63  }
0x19: {  	s23 =	sadd.s32 $0x1, s23;
	_ =	swait.ge [sflag:s19], $0x2710  }
0x1a: {  	p0 =	sne.s32 s23, s11;
	[sflag:s19] =	ssyncset.done $0x0  }
.Ltmp1:
0x1b: {  	[sflag:s19] =	ssyncadd.s32 $0xFFFFD8F0;
	(pc) =	sbr.rel @!p0 .LBB2_17-.Ltmp1, $4  }
0x1c: {  	[hbm4b:s10+s2] =	stream.linear.scatter [tilespmem:s22], [sflag:$0x4], $0x2710, $0x38;
	[tilespmem:$0x19F40] =	vst v63  }
0x1d: {  	_ =	swait.ge [sflag:s19], $0x2710  }
0x1e: {  	[sflag:s19] =	ssyncset.done $0x0  }
0x1f: {  	[sflag:s19] =	ssyncadd.s32 $0xFFFFD8F0  }
.LBB2_1:
0x20: {  	[tilespmem:s2], [sflag:$0x3] =	stream.linear.gather [hbm4b:s4+s2], $0x2710, $0x38;
	[tilespmem:$0x19F40] =	vst v63  }
0x21: {  	_ = 	snop  }
0x22: {  	[tilespmem:s12], [sflag:$0x3] =	stream.linear.gather [hbm4b:s5+s2], $0x2710, $0x38;
	[tilespmem:$0x19F40] =	vst v63  }
0x23: {  	_ = 	snop  }
0x24: {  	[tilespmem:s13], [sflag:$0x1] =	stream.linear.gather [hbm4b:s3+s2], $0xFA0, $0x38;
	[tilespmem:$0x19F40] =	vst v63  }
0x25: {  	s24 =	simm.s32 $0x8040  }
0x26: {  	[tilespmem:s14], [sflag:$0x2] =	stream.linear.gather [hbm4b:s6+s2], $0xFA0, $0x38;
	[tilespmem:$0x19F40] =	vst v63  }
0x27: {  	[tilespmem:s24+$0xFFFFFFC0] =	vst v0  }
0x28: {  	[tilespmem:s24+$0x30] =	vst v0  }
0x29: {  	[tilespmem:s24+$0x20] =	vst v0  }
0x2a: {  	[tilespmem:s24+$0x10] =	vst v0  }
0x2b: {  	[tilespmem:s24+$0x0] =	vst v0  }
0x2c: {  	[tilespmem:s24+$0xFFFFFFF0] =	vst v0  }
0x2d: {  	s25 =	simm.s32 $0x0;
	[tilespmem:s24+$0xFFFFFFE0] =	vst v0  }
.LBB2_2:
0x2e: {  	s25 =	sadd.s32 $0x8, s25;
	[tilespmem:s24+$0xFFFFFFD0] =	vst v0;
	s24 =	sadd.s32 $0x80, s24  }
0x2f: {  	[tilespmem:s24+$0xFFFFFFC0] =	vst v0;
	p0 =	slt.u32 s25, $0x268  }
0x30: {  	[tilespmem:s24+$0x30] =	vst v0  }
.Ltmp2:
0x31: {  	[tilespmem:s24+$0x20] =	vst v0;
	(pc) =	sbr.rel @p0 .LBB2_2-.Ltmp2, $4  }
0x32: {  	[tilespmem:s24+$0x10] =	vst v0  }
0x33: {  	[tilespmem:s24+$0x0] =	vst v0  }
0x34: {  	[tilespmem:s24+$0xFFFFFFF0] =	vst v0  }
0x35: {  	[tilespmem:s24+$0xFFFFFFE0] =	vst v0  }
0x36: {  	[tilespmem:s24+$0xFFFFFFD0] =	vst v0  }
0x37: {  	s24 =	simm.s32 $0xC070;
	[tilespmem:$0xA700] =	vst v0  }
0x38: {  	[tilespmem:s24+$0xFFFFFF90] =	vst v0  }
0x39: {  	[tilespmem:s24+$0x0] =	vst v0  }
0x3a: {  	[tilespmem:s24+$0xFFFFFFF0] =	vst v0  }
0x3b: {  	[tilespmem:s24+$0xFFFFFFE0] =	vst v0  }
0x3c: {  	[tilespmem:s24+$0xFFFFFFD0] =	vst v0  }
0x3d: {  	[tilespmem:s24+$0xFFFFFFC0] =	vst v0  }
0x3e: {  	s25 =	simm.s32 $0x0;
	[tilespmem:s24+$0xFFFFFFB0] =	vst v0  }
.LBB2_4:
0x3f: {  	s25 =	sadd.s32 $0x8, s25;
	[tilespmem:s24+$0xFFFFFFA0] =	vst v0;
	s24 =	sadd.s32 $0x80, s24  }
0x40: {  	[tilespmem:s24+$0xFFFFFF90] =	vst v0;
	p0 =	slt.u32 s25, $0x268  }
0x41: {  	[tilespmem:s24+$0x0] =	vst v0  }
.Ltmp3:
0x42: {  	[tilespmem:s24+$0xFFFFFFF0] =	vst v0;
	(pc) =	sbr.rel @p0 .LBB2_4-.Ltmp3, $4  }
0x43: {  	[tilespmem:s24+$0xFFFFFFE0] =	vst v0  }
0x44: {  	[tilespmem:s24+$0xFFFFFFD0] =	vst v0  }
0x45: {  	[tilespmem:s24+$0xFFFFFFC0] =	vst v0  }
0x46: {  	[tilespmem:s24+$0xFFFFFFB0] =	vst v0  }
0x47: {  	[tilespmem:s24+$0xFFFFFFA0] =	vst v0  }
0x48: {  	s24 =	simm.s32 $0x10070;
	[tilespmem:$0xE700] =	vst v0  }
0x49: {  	[tilespmem:s24+$0xFFFFFF90] =	vst v0  }
0x4a: {  	[tilespmem:s24+$0x0] =	vst v0  }
0x4b: {  	[tilespmem:s24+$0xFFFFFFF0] =	vst v0  }
0x4c: {  	[tilespmem:s24+$0xFFFFFFE0] =	vst v0  }
0x4d: {  	[tilespmem:s24+$0xFFFFFFD0] =	vst v0  }
0x4e: {  	[tilespmem:s24+$0xFFFFFFC0] =	vst v0  }
0x4f: {  	s25 =	simm.s32 $0x0;
	[tilespmem:s24+$0xFFFFFFB0] =	vst v0  }
.LBB2_6:
0x50: {  	s25 =	sadd.s32 $0x8, s25;
	[tilespmem:s24+$0xFFFFFFA0] =	vst v0;
	s24 =	sadd.s32 $0x80, s24  }
0x51: {  	[tilespmem:s24+$0xFFFFFF90] =	vst v0;
	p0 =	slt.u32 s25, $0x268  }
0x52: {  	[tilespmem:s24+$0x0] =	vst v0  }
.Ltmp4:
0x53: {  	[tilespmem:s24+$0xFFFFFFF0] =	vst v0;
	(pc) =	sbr.rel @p0 .LBB2_6-.Ltmp4, $4  }
0x54: {  	[tilespmem:s24+$0xFFFFFFE0] =	vst v0  }
0x55: {  	[tilespmem:s24+$0xFFFFFFD0] =	vst v0  }
0x56: {  	[tilespmem:s24+$0xFFFFFFC0] =	vst v0  }
0x57: {  	[tilespmem:s24+$0xFFFFFFB0] =	vst v0  }
0x58: {  	[tilespmem:s24+$0xFFFFFFA0] =	vst v0  }
0x59: {  	s24 =	simm.s32 $0x14070;
	[tilespmem:$0x12700] =	vst v0  }
0x5a: {  	[tilespmem:s24+$0xFFFFFF90] =	vst v0  }
0x5b: {  	[tilespmem:s24+$0x0] =	vst v0  }
0x5c: {  	[tilespmem:s24+$0xFFFFFFF0] =	vst v0  }
0x5d: {  	[tilespmem:s24+$0xFFFFFFE0] =	vst v0  }
0x5e: {  	[tilespmem:s24+$0xFFFFFFD0] =	vst v0  }
0x5f: {  	[tilespmem:s24+$0xFFFFFFC0] =	vst v0  }
0x60: {  	s25 =	simm.s32 $0x0;
	[tilespmem:s24+$0xFFFFFFB0] =	vst v0  }
.LBB2_8:
0x61: {  	s25 =	sadd.s32 $0x8, s25;
	[tilespmem:s24+$0xFFFFFFA0] =	vst v0;
	s24 =	sadd.s32 $0x80, s24  }
0x62: {  	[tilespmem:s24+$0xFFFFFF90] =	vst v0;
	p0 =	slt.u32 s25, $0x268  }
0x63: {  	[tilespmem:s24+$0x0] =	vst v0  }
.Ltmp5:
0x64: {  	[tilespmem:s24+$0xFFFFFFF0] =	vst v0;
	(pc) =	sbr.rel @p0 .LBB2_8-.Ltmp5, $4  }
0x65: {  	[tilespmem:s24+$0xFFFFFFE0] =	vst v0  }
0x66: {  	[tilespmem:s24+$0xFFFFFFD0] =	vst v0  }
0x67: {  	[tilespmem:s24+$0xFFFFFFC0] =	vst v0  }
0x68: {  	[tilespmem:s24+$0xFFFFFFB0] =	vst v0  }
0x69: {  	[tilespmem:s24+$0xFFFFFFA0] =	vst v0  }
0x6a: {  	[tilespmem:$0x16700] =	vst v0  }
0x6b: {  	_ =	swait.ge [sflag:s15], $0x2710  }
0x6c: {  	[sflag:s15] =	ssyncset.done $0x0  }
0x6d: {  	[sflag:s15] =	ssyncadd.s32 $0xFFFFD8F0  }
0x6e: {  	_ =	swait.ge [sflag:s15], $0x2710  }
0x6f: {  	[sflag:s15] =	ssyncset.done $0x0  }
0x70: {  	s24 =	simm.s32 $0x0;
	[sflag:s15] =	ssyncadd.s32 $0xFFFFD8F0  }
.LBB2_10:
0x71: {  	_ =	swait.ge [sflag:s16], $0xFA0  }
0x72: {  	[sflag:s16] =	ssyncset.done $0x0  }
0x73: {  	s25 =	simm.s32 $0x18020;
	[sflag:s16] =	ssyncadd.s32 $0xFFFFF060  }
0x74: {  	v1 =	vld [tilespmem:s25+$0x20]  }
0x75: {  	v4 =	vld [tilespmem:s25+$0xFFFFFFE0];
	_ =	sdelay $0x1  }
0x76: {  	v2 =	vld [tilespmem:s25+$0xFFFFFFF0]  }
0x77: {  	v3 =	vld [tilespmem:s25+$0x0]  }
0x78: {  	v5 =	vld [tilespmem:s25+$0x10];
	v6 =	vand.u32 $0xFFFF, v1  }
0x79: {  	v9 =	vand.u32 $0xFFFF, v4;
	_ =	sdelay $0x1  }
0x7a: {  	v7 =	vand.u32 $0xFFFF, v2  }
0x7b: {  	v8 =	vand.u32 $0xFFFF, v3  }
0x7c: {  	v10 =	vand.u32 $0xFFFF, v5;
	v6 =	vld.idx.msk [tilespmem:v6+s2+$0x0], $0xffff  }
0x7d: {  	v11 =	vshrl.u32 v1, $0x10;
	v9 =	vld.idx.msk [tilespmem:v9+s2+$0x0], $0xffff  }
0x7e: {  	v14 =	vshrl.u32 v4, $0x10  }
0x7f: {  	v1 =	vand.u32 $0xBFFF, v1;
	v12 =	vor.u32 $0x8000, v11;
	v7 =	vld.idx.msk [tilespmem:v7+s2+$0x0], $0xffff  }
0x80: {  	v1 =	vor.u32 $0x4000, v1;
	v8 =	vld.idx.msk [tilespmem:v8+s2+$0x0], $0xffff  }
0x81: {  	v13 =	vshrl.u32 v2, $0x10;
	v10 =	vld.idx.msk [tilespmem:v10+s2+$0x0], $0xffff;
	v15 =	vshll.u32 v6, $0x10  }
0x82: {  	v16 =	vor.u32 $0x8000, v14;
	v18 =	vshll.u32 v9, $0x10;
	[tilespmem:v11+s17+$0x0] =	vst.idx.add.f32.msk $0xffff, v15  }
0x83: {  	v17 =	vshrl.u32 v3, $0x10;
	v6 =	vand.u32 $0xFFFF0000, v6;
	[tilespmem:v14+s17+$0x0] =	vst.idx.add.f32.msk $0xffff, v18  }
0x84: {  	v4 =	vand.u32 $0xBFFF, v4;
	v15 =	vor.u32 $0x8000, v13;
	[tilespmem:v12+s17+$0x0] =	vst.idx.add.f32.msk $0xffff, v6  }
0x85: {  	v2 =	vand.u32 $0xBFFF, v2;
	v6 =	vshll.u32 v7, $0x10;
	v12 =	vor.u32 $0x8000, v17;
	v1 =	vld.idx.msk [tilespmem:v1+s2+$0x0], $0xffff  }
0x86: {  	v4 =	vor.u32 $0x4000, v4;
	v2 =	vor.u32 $0x4000, v2;
	[tilespmem:v13+s17+$0x0] =	vst.idx.add.f32.msk $0xffff, v6;
	v6 =	vand.u32 $0xFFFF0000, v9  }
0x87: {  	v9 =	vor.u32 $0x4000, v11;
	[tilespmem:v16+s17+$0x0] =	vst.idx.add.f32.msk $0xffff, v6;
	v6 =	vor.u32 $0xC000, v11;
	v11 =	vshll.u32 v8, $0x10  }
0x88: {  	v7 =	vand.u32 $0xFFFF0000, v7;
	[tilespmem:v17+s17+$0x0] =	vst.idx.add.f32.msk $0xffff, v11  }
0x89: {  	v8 =	vand.u32 $0xFFFF0000, v8;
	[tilespmem:v15+s17+$0x0] =	vst.idx.add.f32.msk $0xffff, v7  }
0x8a: {  	v63 =	vshrl.u32 v5, $0x10;
	v3 =	vand.u32 $0xBFFF, v3;
	[tilespmem:v12+s17+$0x0] =	vst.idx.add.f32.msk $0xffff, v8  }
0x8b: {  	v3 =	vor.u32 $0x4000, v3;
	v12 =	vld.idx.msk [tilespmem:v4+s2+$0x0], $0xffff  }
0x8c: {  	v5 =	vand.u32 $0xBFFF, v5;
	v7 =	vor.u32 $0x8000, v63;
	v11 =	vld.idx.msk [tilespmem:v2+s2+$0x0], $0xffff;
	v8 =	vshll.u32 v1, $0x10  }
0x8d: {  	v1 =	vand.u32 $0xFFFF0000, v1;
	[tilespmem:v9+s17+$0x0] =	vst.idx.add.f32.msk $0xffff, v8;
	v9 =	vor.u32 $0x4000, v5  }
0x8e: {  	v8 =	vshll.u32 v10, $0x10;
	[tilespmem:v6+s17+$0x0] =	vst.idx.add.f32.msk $0xffff, v1  }
0x8f: {  	[tilespmem:v63+s17+$0x0] =	vst.idx.add.f32.msk $0xffff, v8  }
0x90: {  	v4 =	vor.u32 $0x4000, v17;
	v2 =	vor.u32 $0x4000, v63;
	v1 =	vand.u32 $0xFFFF0000, v10;
	v10 =	vld.idx.msk [tilespmem:v3+s2+$0x0], $0xffff  }
0x91: {  	v5 =	vor.u32 $0xC000, v13;
	v8 =	vor.u32 $0xC000, v14;
	v6 =	vor.u32 $0x4000, v13;
	[tilespmem:v7+s17+$0x0] =	vst.idx.add.f32.msk $0xffff, v1  }
0x92: {  	s26 =	simm.s32 $0x18070;
	s25 =	simm.s32 $0x0;
	v3 =	vor.u32 $0xC000, v17;
	v7 =	vor.u32 $0x4000, v14;
	v1 =	vor.u32 $0xC000, v63;
	v9 =	vld.idx.msk [tilespmem:v9+s2+$0x0], $0xffff  }
.LBB2_11:
0x93: {  	v13 =	vld [tilespmem:s26+$0x20]  }
0x94: {  	v15 =	vshll.u32 v12, $0x10;
	v12 =	vand.u32 $0xFFFF0000, v12;
	v14 =	vld [tilespmem:s26+$0xFFFFFFF0]  }
0x95: {  	s25 =	sadd.s32 $0x5, s25;
	v17 =	vshll.u32 v11, $0x10;
	v11 =	vand.u32 $0xFFFF0000, v11;
	v16 =	vld [tilespmem:s26+$0x0]  }
0x96: {  	p0 =	slt.u32 s25, $0xF5;
	v19 =	vshll.u32 v10, $0x10;
	v10 =	vand.u32 $0xFFFF0000, v10;
	v18 =	vld [tilespmem:s26+$0x10]  }
0x97: {  	v21 =	vshll.u32 v9, $0x10;
	v22 =	vand.u32 $0xFFFF0000, v9;
	v20 =	vld [tilespmem:s26+$0xFFFFFFE0]  }
0x98: {  	v9 =	vand.u32 $0xFFFF, v13;
	[tilespmem:v7+s17+$0x0] =	vst.idx.add.f32.msk $0xffff, v15  }
0x99: {  	v15 =	vshrl.u32 v14, $0x10;
	v7 =	vand.u32 $0xFFFF, v14;
	v14 =	vand.u32 $0xBFFF, v14;
	[tilespmem:v8+s17+$0x0] =	vst.idx.add.f32.msk $0xffff, v12  }
0x9a: {  	v12 =	vor.u32 $0x8000, v15;
	v23 =	vshrl.u32 v16, $0x10;
	v8 =	vand.u32 $0xFFFF, v16;
	[tilespmem:v6+s17+$0x0] =	vst.idx.add.f32.msk $0xffff, v17  }
0x9b: {  	v17 =	vor.u32 $0x8000, v23;
	v24 =	vshrl.u32 v18, $0x10;
	v6 =	vand.u32 $0xFFFF, v18;
	[tilespmem:v5+s17+$0x0] =	vst.idx.add.f32.msk $0xffff, v11  }
0x9c: {  	v11 =	vshrl.u32 v20, $0x10;
	v5 =	vand.u32 $0xFFFF, v20;
	v25 =	vor.u32 $0x8000, v24;
	[tilespmem:v4+s17+$0x0] =	vst.idx.add.f32.msk $0xffff, v19  }
0x9d: {  	v16 =	vand.u32 $0xBFFF, v16;
	v4 =	vand.u32 $0xBFFF, v20;
	v19 =	vor.u32 $0x8000, v11;
	v9 =	vld.idx.msk [tilespmem:v9+s2+$0x0], $0xffff  }
0x9e: {  	v14 =	vor.u32 $0x4000, v14;
	v20 =	vor.u32 $0x4000, v4;
	v4 =	vand.u32 $0xBFFF, v18;
	v26 =	vld.idx.msk [tilespmem:v7+s2+$0x0], $0xffff  }
0x9f: {  	v28 =	vshrl.u32 v13, $0x10;
	v16 =	vor.u32 $0x4000, v16;
	v27 =	vor.u32 $0x4000, v4;
	v18 =	vld.idx.msk [tilespmem:v8+s2+$0x0], $0xffff  }
0xa0: {  	v30 =	vor.u32 $0x8000, v28;
	v7 =	vor.u32 $0x4000, v11;
	v4 =	vand.u32 $0xBFFF, v13;
	v29 =	vld.idx.msk [tilespmem:v6+s2+$0x0], $0xffff  }
0xa1: {  	v8 =	vor.u32 $0xC000, v11;
	v31 =	vor.u32 $0x4000, v4;
	v6 =	vor.u32 $0x4000, v15;
	v13 =	vld.idx.msk [tilespmem:v5+s2+$0x0], $0xffff  }
0xa2: {  	v4 =	vor.u32 $0x4000, v23;
	v5 =	vor.u32 $0xC000, v15;
	[tilespmem:v3+s17+$0x0] =	vst.idx.add.f32.msk $0xffff, v10;
	v3 =	vor.u32 $0xC000, v23  }
0xa3: {  	v32 =	vor.u32 $0xC000, v24;
	v10 =	vshll.u32 v9, $0x10;
	[tilespmem:v2+s17+$0x0] =	vst.idx.add.f32.msk $0xffff, v21;
	v2 =	vor.u32 $0x4000, v24  }
0xa4: {  	v9 =	vand.u32 $0xFFFF0000, v9;
	v21 =	vshll.u32 v26, $0x10;
	v26 =	vand.u32 $0xFFFF0000, v26;
	[tilespmem:v28+s17+$0x0] =	vst.idx.add.f32.msk $0xffff, v10  }
0xa5: {  	v10 =	vshll.u32 v18, $0x10;
	v18 =	vand.u32 $0xFFFF0000, v18;
	[tilespmem:v30+s17+$0x0] =	vst.idx.add.f32.msk $0xffff, v9  }
0xa6: {  	v9 =	vshll.u32 v29, $0x10;
	v29 =	vand.u32 $0xFFFF0000, v29;
	v30 =	vld.idx.msk [tilespmem:v31+s2+$0x0], $0xffff  }
0xa7: {  	v31 =	vshll.u32 v13, $0x10;
	v13 =	vand.u32 $0xFFFF0000, v13;
	[tilespmem:v15+s17+$0x0] =	vst.idx.add.f32.msk $0xffff, v21  }
0xa8: {  	[tilespmem:v11+s17+$0x0] =	vst.idx.add.f32.msk $0xffff, v31;
	v11 =	vor.u32 $0x4000, v28  }
0xa9: {  	[tilespmem:v19+s17+$0x0] =	vst.idx.add.f32.msk $0xffff, v13;
	v13 =	vor.u32 $0xC000, v28  }
0xaa: {  	[tilespmem:v12+s17+$0x0] =	vst.idx.add.f32.msk $0xffff, v26  }
0xab: {  	[tilespmem:v23+s17+$0x0] =	vst.idx.add.f32.msk $0xffff, v10  }
0xac: {  	v10 =	vshll.u32 v30, $0x10;
	[tilespmem:v17+s17+$0x0] =	vst.idx.add.f32.msk $0xffff, v18  }
0xad: {  	v12 =	vand.u32 $0xFFFF0000, v30;
	[tilespmem:v11+s17+$0x0] =	vst.idx.add.f32.msk $0xffff, v10  }
0xae: {  	[tilespmem:v13+s17+$0x0] =	vst.idx.add.f32.msk $0xffff, v12  }
0xaf: {  	[tilespmem:v24+s17+$0x0] =	vst.idx.add.f32.msk $0xffff, v9  }
0xb0: {  	[tilespmem:v25+s17+$0x0] =	vst.idx.add.f32.msk $0xffff, v29  }
.Ltmp6:
0xb1: {  	v12 =	vld.idx.msk [tilespmem:v20+s2+$0x0], $0xffff;
	(pc) =	sbr.rel @p0 .LBB2_11-.Ltmp6, $4  }
0xb2: {  	v11 =	vld.idx.msk [tilespmem:v14+s2+$0x0], $0xffff  }
0xb3: {  	v10 =	vld.idx.msk [tilespmem:v16+s2+$0x0], $0xffff  }
0xb4: {  	v9 =	vld.idx.msk [tilespmem:v27+s2+$0x0], $0xffff  }
0xb5: {  	s26 =	sadd.s32 $0x50, s26;
	[tilespmem:v1+s17+$0x0] =	vst.idx.add.f32.msk $0xffff, v22;
	v1 =	vmov v32  }
0xb6: {  	_ =	sdelay $0x2  }
0xb7: {  	v13 =	vshll.u32 v12, $0x10  }
0xb8: {  	v12 =	vand.u32 $0xFFFF0000, v12;
	[tilespmem:v7+s17+$0x0] =	vst.idx.add.f32.msk $0xffff, v13  }
0xb9: {  	v7 =	vshll.u32 v11, $0x10;
	[tilespmem:v8+s17+$0x0] =	vst.idx.add.f32.msk $0xffff, v12  }
0xba: {  	p0 =	seq.s32 s24, $0x27;
	v8 =	vand.u32 $0xFFFF0000, v11;
	[tilespmem:v6+s17+$0x0] =	vst.idx.add.f32.msk $0xffff, v7  }
0xbb: {  	s25 =	smul.u32 @!p0 $0x1F40, s24;
	v6 =	vshll.u32 v10, $0x10;
	[tilespmem:v5+s17+$0x0] =	vst.idx.add.f32.msk $0xffff, v8  }
0xbc: {  	v5 =	vand.u32 $0xFFFF0000, v10;
	[tilespmem:v4+s17+$0x0] =	vst.idx.add.f32.msk $0xffff, v6  }
0xbd: {  	v4 =	vshll.u32 v9, $0x10;
	s25 =	sshrl.u32 @!p0 s25, $0x3;
	[tilespmem:v3+s17+$0x0] =	vst.idx.add.f32.msk $0xffff, v5  }
0xbe: {  	v3 =	vand.u32 $0xFFFF0000, v9;
	[tilespmem:v2+s17+$0x0] =	vst.idx.add.f32.msk $0xffff, v4;
	s25 =	sadd.s32 @!p0 s3, s25  }
0xbf: {  	s26 =	simm.s32 @!p0 $0x0;
	s28 =	simm.s32 @!p0 $0x18000;
	[tilespmem:v1+s17+$0x0] =	vst.idx.add.f32.msk $0xffff, v3;
	s25 =	sadd.s32 @!p0 $0x3E8, s25  }
0xc0: {  	[tilespmem:s28], [sflag:$0x1] =	stream.linear.gather @!p0 [hbm4b:s25+s26], $0xFA0, $0x38;
	[tilespmem:$0x19F40] =	vst v63  }
0xc1: {  	_ =	swait.ge [sflag:s18], $0xFA0  }
0xc2: {  	[sflag:s18] =	ssyncset.done $0x0  }
0xc3: {  	s31 =	simm.s32 $0x18FE0;
	[sflag:s18] =	ssyncadd.s32 $0xFFFFF060  }
0xc4: {  	v1 =	vld [tilespmem:s31+$0x0]  }
0xc5: {  	v4 =	vld [tilespmem:s31+$0xFFFFFFC0];
	_ =	sdelay $0x1  }
0xc6: {  	v2 =	vld [tilespmem:s31+$0xFFFFFFD0]  }
0xc7: {  	v3 =	vld [tilespmem:s31+$0xFFFFFFE0]  }
0xc8: {  	v5 =	vld [tilespmem:s31+$0xFFFFFFF0];
	v6 =	vand.u32 $0xFFFF, v1  }
0xc9: {  	v9 =	vand.u32 $0xFFFF, v4;
	_ =	sdelay $0x1  }
0xca: {  	v7 =	vand.u32 $0xFFFF, v2  }
0xcb: {  	v8 =	vand.u32 $0xFFFF, v3  }
0xcc: {  	v10 =	vand.u32 $0xFFFF, v5;
	v6 =	vld.idx.msk [tilespmem:v6+s2+$0x0], $0xffff  }
0xcd: {  	v11 =	vshrl.u32 v1, $0x10;
	v9 =	vld.idx.msk [tilespmem:v9+s2+$0x0], $0xffff  }
0xce: {  	v14 =	vshrl.u32 v4, $0x10  }
0xcf: {  	v1 =	vand.u32 $0xBFFF, v1;
	v12 =	vor.u32 $0x8000, v11;
	v7 =	vld.idx.msk [tilespmem:v7+s2+$0x0], $0xffff  }
0xd0: {  	v1 =	vor.u32 $0x4000, v1;
	v8 =	vld.idx.msk [tilespmem:v8+s2+$0x0], $0xffff  }
0xd1: {  	v13 =	vshrl.u32 v2, $0x10;
	v10 =	vld.idx.msk [tilespmem:v10+s2+$0x0], $0xffff;
	v15 =	vshll.u32 v6, $0x10  }
0xd2: {  	v16 =	vor.u32 $0x8000, v14;
	v18 =	vshll.u32 v9, $0x10;
	[tilespmem:v11+s17+$0x0] =	vst.idx.add.f32.msk $0xffff, v15  }
0xd3: {  	v17 =	vshrl.u32 v3, $0x10;
	v6 =	vand.u32 $0xFFFF0000, v6;
	[tilespmem:v14+s17+$0x0] =	vst.idx.add.f32.msk $0xffff, v18  }
0xd4: {  	v4 =	vand.u32 $0xBFFF, v4;
	v15 =	vor.u32 $0x8000, v13;
	[tilespmem:v12+s17+$0x0] =	vst.idx.add.f32.msk $0xffff, v6  }
0xd5: {  	v2 =	vand.u32 $0xBFFF, v2;
	v6 =	vshll.u32 v7, $0x10;
	v12 =	vor.u32 $0x8000, v17;
	v1 =	vld.idx.msk [tilespmem:v1+s2+$0x0], $0xffff  }
0xd6: {  	v4 =	vor.u32 $0x4000, v4;
	v2 =	vor.u32 $0x4000, v2;
	[tilespmem:v13+s17+$0x0] =	vst.idx.add.f32.msk $0xffff, v6;
	v6 =	vand.u32 $0xFFFF0000, v9  }
0xd7: {  	v9 =	vor.u32 $0x4000, v11;
	[tilespmem:v16+s17+$0x0] =	vst.idx.add.f32.msk $0xffff, v6;
	v6 =	vor.u32 $0xC000, v11;
	v11 =	vshll.u32 v8, $0x10  }
0xd8: {  	v7 =	vand.u32 $0xFFFF0000, v7;
	[tilespmem:v17+s17+$0x0] =	vst.idx.add.f32.msk $0xffff, v11  }
0xd9: {  	v8 =	vand.u32 $0xFFFF0000, v8;
	[tilespmem:v15+s17+$0x0] =	vst.idx.add.f32.msk $0xffff, v7  }
0xda: {  	v63 =	vshrl.u32 v5, $0x10;
	v3 =	vand.u32 $0xBFFF, v3;
	[tilespmem:v12+s17+$0x0] =	vst.idx.add.f32.msk $0xffff, v8  }
0xdb: {  	v3 =	vor.u32 $0x4000, v3;
	v12 =	vld.idx.msk [tilespmem:v4+s2+$0x0], $0xffff  }
0xdc: {  	v5 =	vand.u32 $0xBFFF, v5;
	v7 =	vor.u32 $0x8000, v63;
	v11 =	vld.idx.msk [tilespmem:v2+s2+$0x0], $0xffff;
	v8 =	vshll.u32 v1, $0x10  }
0xdd: {  	v1 =	vand.u32 $0xFFFF0000, v1;
	[tilespmem:v9+s17+$0x0] =	vst.idx.add.f32.msk $0xffff, v8;
	v9 =	vor.u32 $0x4000, v5  }
0xde: {  	v8 =	vshll.u32 v10, $0x10;
	[tilespmem:v6+s17+$0x0] =	vst.idx.add.f32.msk $0xffff, v1  }
0xdf: {  	[tilespmem:v63+s17+$0x0] =	vst.idx.add.f32.msk $0xffff, v8  }
0xe0: {  	v4 =	vor.u32 $0x4000, v17;
	v2 =	vor.u32 $0x4000, v63;
	v1 =	vand.u32 $0xFFFF0000, v10;
	v10 =	vld.idx.msk [tilespmem:v3+s2+$0x0], $0xffff  }
0xe1: {  	v5 =	vor.u32 $0xC000, v13;
	v8 =	vor.u32 $0xC000, v14;
	v6 =	vor.u32 $0x4000, v13;
	[tilespmem:v7+s17+$0x0] =	vst.idx.add.f32.msk $0xffff, v1  }
0xe2: {  	s25 =	simm.s32 $0x0;
	s26 =	simm.s32 $0x19030;
	v3 =	vor.u32 $0xC000, v17;
	v7 =	vor.u32 $0x4000, v14;
	v1 =	vor.u32 $0xC000, v63;
	v9 =	vld.idx.msk [tilespmem:v9+s2+$0x0], $0xffff  }
.LBB2_13:
0xe3: {  	v13 =	vld [tilespmem:s26+$0x0]  }
0xe4: {  	v15 =	vshll.u32 v12, $0x10;
	v12 =	vand.u32 $0xFFFF0000, v12;
	v14 =	vld [tilespmem:s26+$0xFFFFFFD0]  }
0xe5: {  	s25 =	sadd.s32 $0x5, s25;
	v17 =	vshll.u32 v11, $0x10;
	v11 =	vand.u32 $0xFFFF0000, v11;
	v16 =	vld [tilespmem:s26+$0xFFFFFFE0]  }
0xe6: {  	p1 =	slt.u32 s25, $0xF5;
	v19 =	vshll.u32 v10, $0x10;
	v10 =	vand.u32 $0xFFFF0000, v10;
	v18 =	vld [tilespmem:s26+$0xFFFFFFF0]  }
0xe7: {  	v21 =	vshll.u32 v9, $0x10;
	v22 =	vand.u32 $0xFFFF0000, v9;
	v20 =	vld [tilespmem:s26+$0xFFFFFFC0]  }
0xe8: {  	v9 =	vand.u32 $0xFFFF, v13;
	[tilespmem:v7+s17+$0x0] =	vst.idx.add.f32.msk $0xffff, v15  }
0xe9: {  	v15 =	vshrl.u32 v14, $0x10;
	v7 =	vand.u32 $0xFFFF, v14;
	v14 =	vand.u32 $0xBFFF, v14;
	[tilespmem:v8+s17+$0x0] =	vst.idx.add.f32.msk $0xffff, v12  }
0xea: {  	v12 =	vor.u32 $0x8000, v15;
	v23 =	vshrl.u32 v16, $0x10;
	v8 =	vand.u32 $0xFFFF, v16;
	[tilespmem:v6+s17+$0x0] =	vst.idx.add.f32.msk $0xffff, v17  }
0xeb: {  	v17 =	vor.u32 $0x8000, v23;
	v24 =	vshrl.u32 v18, $0x10;
	v6 =	vand.u32 $0xFFFF, v18;
	[tilespmem:v5+s17+$0x0] =	vst.idx.add.f32.msk $0xffff, v11  }
0xec: {  	v11 =	vshrl.u32 v20, $0x10;
	v5 =	vand.u32 $0xFFFF, v20;
	v25 =	vor.u32 $0x8000, v24;
	[tilespmem:v4+s17+$0x0] =	vst.idx.add.f32.msk $0xffff, v19  }
0xed: {  	v16 =	vand.u32 $0xBFFF, v16;
	v4 =	vand.u32 $0xBFFF, v20;
	v19 =	vor.u32 $0x8000, v11;
	v9 =	vld.idx.msk [tilespmem:v9+s2+$0x0], $0xffff  }
0xee: {  	v14 =	vor.u32 $0x4000, v14;
	v20 =	vor.u32 $0x4000, v4;
	v4 =	vand.u32 $0xBFFF, v18;
	v26 =	vld.idx.msk [tilespmem:v7+s2+$0x0], $0xffff  }
0xef: {  	v28 =	vshrl.u32 v13, $0x10;
	v16 =	vor.u32 $0x4000, v16;
	v27 =	vor.u32 $0x4000, v4;
	v18 =	vld.idx.msk [tilespmem:v8+s2+$0x0], $0xffff  }
0xf0: {  	v30 =	vor.u32 $0x8000, v28;
	v7 =	vor.u32 $0x4000, v11;
	v4 =	vand.u32 $0xBFFF, v13;
	v29 =	vld.idx.msk [tilespmem:v6+s2+$0x0], $0xffff  }
0xf1: {  	v8 =	vor.u32 $0xC000, v11;
	v31 =	vor.u32 $0x4000, v4;
	v6 =	vor.u32 $0x4000, v15;
	v13 =	vld.idx.msk [tilespmem:v5+s2+$0x0], $0xffff  }
0xf2: {  	v4 =	vor.u32 $0x4000, v23;
	v5 =	vor.u32 $0xC000, v15;
	[tilespmem:v3+s17+$0x0] =	vst.idx.add.f32.msk $0xffff, v10;
	v3 =	vor.u32 $0xC000, v23  }
0xf3: {  	v32 =	vor.u32 $0xC000, v24;
	v10 =	vshll.u32 v9, $0x10;
	[tilespmem:v2+s17+$0x0] =	vst.idx.add.f32.msk $0xffff, v21;
	v2 =	vor.u32 $0x4000, v24  }
0xf4: {  	v9 =	vand.u32 $0xFFFF0000, v9;
	v21 =	vshll.u32 v26, $0x10;
	v26 =	vand.u32 $0xFFFF0000, v26;
	[tilespmem:v28+s17+$0x0] =	vst.idx.add.f32.msk $0xffff, v10  }
0xf5: {  	v10 =	vshll.u32 v18, $0x10;
	v18 =	vand.u32 $0xFFFF0000, v18;
	[tilespmem:v30+s17+$0x0] =	vst.idx.add.f32.msk $0xffff, v9  }
0xf6: {  	v9 =	vshll.u32 v29, $0x10;
	v29 =	vand.u32 $0xFFFF0000, v29;
	v30 =	vld.idx.msk [tilespmem:v31+s2+$0x0], $0xffff  }
0xf7: {  	v31 =	vshll.u32 v13, $0x10;
	v13 =	vand.u32 $0xFFFF0000, v13;
	[tilespmem:v15+s17+$0x0] =	vst.idx.add.f32.msk $0xffff, v21  }
0xf8: {  	[tilespmem:v11+s17+$0x0] =	vst.idx.add.f32.msk $0xffff, v31;
	v11 =	vor.u32 $0x4000, v28  }
0xf9: {  	[tilespmem:v19+s17+$0x0] =	vst.idx.add.f32.msk $0xffff, v13;
	v13 =	vor.u32 $0xC000, v28  }
0xfa: {  	[tilespmem:v12+s17+$0x0] =	vst.idx.add.f32.msk $0xffff, v26  }
0xfb: {  	[tilespmem:v23+s17+$0x0] =	vst.idx.add.f32.msk $0xffff, v10  }
0xfc: {  	v10 =	vshll.u32 v30, $0x10;
	[tilespmem:v17+s17+$0x0] =	vst.idx.add.f32.msk $0xffff, v18  }
0xfd: {  	v12 =	vand.u32 $0xFFFF0000, v30;
	[tilespmem:v11+s17+$0x0] =	vst.idx.add.f32.msk $0xffff, v10  }
0xfe: {  	[tilespmem:v13+s17+$0x0] =	vst.idx.add.f32.msk $0xffff, v12  }
0xff: {  	[tilespmem:v24+s17+$0x0] =	vst.idx.add.f32.msk $0xffff, v9  }
0x100: {  	[tilespmem:v25+s17+$0x0] =	vst.idx.add.f32.msk $0xffff, v29  }
.Ltmp7:
0x101: {  	v12 =	vld.idx.msk [tilespmem:v20+s2+$0x0], $0xffff;
	(pc) =	sbr.rel @p1 .LBB2_13-.Ltmp7, $4  }
0x102: {  	v11 =	vld.idx.msk [tilespmem:v14+s2+$0x0], $0xffff  }
0x103: {  	v10 =	vld.idx.msk [tilespmem:v16+s2+$0x0], $0xffff  }
0x104: {  	v9 =	vld.idx.msk [tilespmem:v27+s2+$0x0], $0xffff  }
0x105: {  	s26 =	sadd.s32 $0x50, s26;
	[tilespmem:v1+s17+$0x0] =	vst.idx.add.f32.msk $0xffff, v22;
	v1 =	vmov v32  }
0x106: {  	_ =	sdelay $0x2  }
0x107: {  	v13 =	vshll.u32 v12, $0x10  }
0x108: {  	v58 =	vand.u32 $0xFFFF0000, v12;
	[tilespmem:v7+s17+$0x0] =	vst.idx.add.f32.msk $0xffff, v13  }
0x109: {  	v59 =	vshll.u32 v11, $0x10;
	[tilespmem:v8+s17+$0x0] =	vst.idx.add.f32.msk $0xffff, v58  }
0x10a: {  	v60 =	vand.u32 $0xFFFF0000, v11;
	[tilespmem:v6+s17+$0x0] =	vst.idx.add.f32.msk $0xffff, v59  }
.Ltmp8:
0x10b: {  	v61 =	vshll.u32 v10, $0x10;
	[tilespmem:v5+s17+$0x0] =	vst.idx.add.f32.msk $0xffff, v60;
	(pc) =	sbr.rel @p0 .LBB2_16-.Ltmp8, $4  }
0x10c: {  	v62 =	vand.u32 $0xFFFF0000, v10;
	[tilespmem:v4+s17+$0x0] =	vst.idx.add.f32.msk $0xffff, v61  }
0x10d: {  	v63 =	vshll.u32 v9, $0x10;
	[tilespmem:v3+s17+$0x0] =	vst.idx.add.f32.msk $0xffff, v62  }
0x10e: {  	v3 =	vand.u32 $0xFFFF0000, v9;
	[tilespmem:v2+s17+$0x0] =	vst.idx.add.f32.msk $0xffff, v63  }
0x10f: {  	[tilespmem:v1+s17+$0x0] =	vst.idx.add.f32.msk $0xffff, v3  }
0x110: {  	s25 =	smul.u32 $0x1F40, s24  }
.Ltmp9:
0x111: {  	_ = 	snop;
	(pc) =	sbr.rel .LBB2_10-.Ltmp9, $4  }
0x112: {  	s25 =	sshrl.u32 s25, $0x3  }
0x113: {  	s25 =	sadd.s32 s3, s25  }
0x114: {  	s24 =	sadd.s32 $0x1, s24;
	s25 =	sadd.s32 $0x5DC, s25  }
0x115: {  	[tilespmem:s14], [sflag:$0x2] =	stream.linear.gather [hbm4b:s25+s2], $0xFA0, $0x38;
	[tilespmem:$0x19F40] =	vst v63  }
.LBB2_17:
0x116: {  	_ =	sfence.sel $0x180000  }
0x117: {  	[bflag:$0x0] =	sbarrier.arrive $0xFFFF  }
0x118: {  	p0 =	sne.s32 s0, $0x0;
	_ =	strace $0x90000047  }
0x119: {  	s0 =	sadd.s32 @!p0 $0x100000, s1;
	[bflag:$0x2] =	sbarrier.arrive $0xFFFF  }
0x11a: {  	[sflag:s0] =	ssyncadd.tile.s32 @!p0 $0x1;
	_ =	shalt  }
.Lfunc_end2:
_tile_overlayer_lowered:
.L_overlay_start_2:
0x11b: {  	(tag) =	ssettag $0x2  }
0x11c: {  	s0 =	rddreg [dreg:$0x0];
	s2 =	stileid.u32  }
0x11d: {  	s1 =	rddreg [dreg:$0x1];
	p0 =	sne.s32 s2, $0x0  }
0x11e: {  	s3 =	rddreg [dreg:$0x2];
	[bflag:$0x3] =	sbarrier.arrive $0xFFFF;
	s2 =	simm.s32 @!p0 $0x1C04  }
0x11f: {  	[timem:s3], [sflag:s2] =	dma.local @!p0 [hbm:s0], s1  }
0x120: {  	s0 =	simm.s32 @!p0 $0x4  }
0x121: {  	_ =	swait.ge @!p0 [sflag:s0], s1  }
0x122: {  	s1 =	ssub.s32 @!p0 $0x0, s1;
	[sflag:s0] =	ssyncset.done @!p0 $0x0  }
0x123: {  	[sflag:s0] =	ssyncadd.s32 @!p0 s1  }
0x124: {  	[bflag:$0x3] =	sbarrier.arrive $0xFFFF  }
0x125: {  	_ =	shalt  }

</sc_bundles>
